<compile_context>
chip_gen: v7x
topology: tpu7x:2x2x1
jax: 0.10.2.dev20260603
libtpu: 0.0.44.dev20260713+nightly
codegen_flags: <defaults>
</compile_context>

<pallas_src>
import functools

import jax
import jax.numpy as jnp
from jax import lax
from jax.experimental import pallas as pl
from jax.experimental.pallas import tpu as pltpu
from jax.experimental.pallas import tpu_sc as plsc

N = 10000
D = 128
DH = 64
E = 320000
DG = 16
CH = 128
CHUNKS = 158
E_PAD = 16 * CHUNKS * CH
NP = 10112
RPT = NP // 16

_mesh = plsc.VectorSubcoreMesh(core_axis_name="c", subcore_axis_name="s")
_sc_params = pltpu.CompilerParams(use_tc_tiling_on_sc=False)


def _fill(ref, rows, width, value):
    @pl.loop(0, rows)
    def _(i):
        for j in range(width // 16):
            ref[i, pl.ds(j * 16, 16)] = jnp.full((16,), value, jnp.float32)


ZR = 64


def _zero_shared(zb, acc, r0):
    for k in range(RPT // ZR):
        pltpu.sync_copy(zb, acc.at[pl.ds(r0 + k * ZR, ZR)])
    rem = RPT % ZR
    if rem:
        pltpu.sync_copy(zb.at[pl.ds(0, rem)], acc.at[pl.ds(r0 + (RPT // ZR) * ZR, rem)])


@functools.partial(
    pl.kernel,
    out_type=(jax.ShapeDtypeStruct((2, NP, DH), jnp.float32),
              jax.ShapeDtypeStruct((2, NP, DG), jnp.float32)),
    mesh=_mesh,
    scratch_types=[
        pltpu.VMEM((CHUNKS, CH), jnp.int32),
        pltpu.VMEM((CHUNKS, CH), jnp.int32),
        pltpu.VMEM((CH, DH), jnp.float32),
        pltpu.VMEM((CH, DH), jnp.float32),
        pltpu.VMEM((ZR, DH), jnp.float32),
        pltpu.VMEM((ZR, DG), jnp.float32),
        pltpu.VMEM((CH, DG), jnp.float32),
        pltpu.VMEM_SHARED((NP, DH), jnp.float32),
        pltpu.VMEM_SHARED((NP, DG), jnp.float32),
        pltpu.SemaphoreType.DMA,
        pltpu.SemaphoreType.DMA,
        pltpu.SemaphoreType.DMA,
        pltpu.SemaphoreType.DMA,
        pltpu.SemaphoreType.DMA,
    ],
    compiler_params=_sc_params,
)
def _sc_agg_deg(x_hbm, src_hbm, dst_hbm, out_hbm, deg_hbm,
                sidx, didx, rowsA, rowsB, zb, zbd, ones, acc, dacc,
                semGA, semGB, semSA, semSB, semD):
    cc = lax.axis_index("c")
    ss = lax.axis_index("s")
    wid = cc * 16 + ss
    r0 = ss * RPT
    _fill(zb, ZR, DH, 0.0)
    _fill(zbd, ZR, DG, 0.0)
    _fill(ones, CH, DG, 1.0)
    _zero_shared(zb, acc, r0)
    _zero_shared(zbd, dacc, r0)
    pltpu.sync_copy(src_hbm.at[wid], sidx)
    pltpu.sync_copy(dst_hbm.at[wid], didx)
    plsc.subcore_barrier()

    half = CHUNKS // 2

    def deg_mine(g):
        return lax.select(cc == 0, g < half, g >= half)

    pltpu.async_copy(x_hbm.at[sidx.at[0]], rowsA, semGA)

    @pl.loop(0, CHUNKS, step=2)
    def _(g):
        @pl.when(g > 0)
        def _():
            pltpu.make_async_copy(rowsB, acc.at[didx.at[g - 1]], semSB).wait()
            @pl.when(deg_mine(g - 1))
            def _():
                pltpu.make_async_copy(ones, dacc.at[didx.at[g - 1]], semD).wait()
        pltpu.async_copy(x_hbm.at[sidx.at[g + 1]], rowsB, semGB)

        pltpu.make_async_copy(x_hbm.at[sidx.at[g]], rowsA, semGA).wait()
        pltpu.async_copy(rowsA, acc.at[didx.at[g]], semSA, add=True)
        @pl.when(deg_mine(g))
        def _():
            pltpu.async_copy(ones, dacc.at[didx.at[g]], semD, add=True)

        @pl.when(g + 2 < CHUNKS)
        def _():
            pltpu.make_async_copy(rowsA, acc.at[didx.at[g]], semSA).wait()
            @pl.when(deg_mine(g))
            def _():
                pltpu.make_async_copy(ones, dacc.at[didx.at[g]], semD).wait()
            pltpu.async_copy(x_hbm.at[sidx.at[g + 2]], rowsA, semGA)

        pltpu.make_async_copy(x_hbm.at[sidx.at[g + 1]], rowsB, semGB).wait()
        pltpu.async_copy(rowsB, acc.at[didx.at[g + 1]], semSB, add=True)
        @pl.when(deg_mine(g + 1))
        def _():
            pltpu.async_copy(ones, dacc.at[didx.at[g + 1]], semD, add=True)

    pltpu.make_async_copy(rowsA, acc.at[didx.at[CHUNKS - 2]], semSA).wait()
    pltpu.make_async_copy(rowsB, acc.at[didx.at[CHUNKS - 1]], semSB).wait()
    @pl.when(deg_mine(CHUNKS - 2))
    def _():
        pltpu.make_async_copy(ones, dacc.at[didx.at[CHUNKS - 2]], semD).wait()
    @pl.when(deg_mine(CHUNKS - 1))
    def _():
        pltpu.make_async_copy(ones, dacc.at[didx.at[CHUNKS - 1]], semD).wait()
    plsc.subcore_barrier()
    pltpu.sync_copy(acc.at[pl.ds(r0, RPT)], out_hbm.at[cc, pl.ds(r0, RPT)])
    pltpu.sync_copy(dacc.at[pl.ds(r0, RPT)], deg_hbm.at[cc, pl.ds(r0, RPT)])


@functools.partial(
    pl.kernel,
    out_type=jax.ShapeDtypeStruct((2, NP, DH), jnp.float32),
    mesh=_mesh,
    scratch_types=[
        pltpu.VMEM((CHUNKS, CH), jnp.int32),
        pltpu.VMEM((CHUNKS, CH), jnp.int32),
        pltpu.VMEM((CH, DH), jnp.float32),
        pltpu.VMEM((CH, DH), jnp.float32),
        pltpu.VMEM((ZR, DH), jnp.float32),
        pltpu.VMEM_SHARED((NP, DH), jnp.float32),
        pltpu.SemaphoreType.DMA,
        pltpu.SemaphoreType.DMA,
        pltpu.SemaphoreType.DMA,
        pltpu.SemaphoreType.DMA,
    ],
    compiler_params=_sc_params,
)
def _sc_agg(x_hbm, src_hbm, dst_hbm, out_hbm, sidx, didx, rowsA, rowsB, zb,
            acc, semGA, semGB, semSA, semSB):
    cc = lax.axis_index("c")
    ss = lax.axis_index("s")
    wid = cc * 16 + ss
    r0 = ss * RPT
    _fill(zb, ZR, DH, 0.0)
    _zero_shared(zb, acc, r0)
    pltpu.sync_copy(src_hbm.at[wid], sidx)
    pltpu.sync_copy(dst_hbm.at[wid], didx)
    plsc.subcore_barrier()

    pltpu.async_copy(x_hbm.at[sidx.at[0]], rowsA, semGA)

    @pl.loop(0, CHUNKS, step=2)
    def _(g):
        @pl.when(g > 0)
        def _():
            pltpu.make_async_copy(rowsB, acc.at[didx.at[g - 1]], semSB).wait()
        pltpu.async_copy(x_hbm.at[sidx.at[g + 1]], rowsB, semGB)

        pltpu.make_async_copy(x_hbm.at[sidx.at[g]], rowsA, semGA).wait()
        pltpu.async_copy(rowsA, acc.at[didx.at[g]], semSA, add=True)

        @pl.when(g + 2 < CHUNKS)
        def _():
            pltpu.make_async_copy(rowsA, acc.at[didx.at[g]], semSA).wait()
            pltpu.async_copy(x_hbm.at[sidx.at[g + 2]], rowsA, semGA)

        pltpu.make_async_copy(x_hbm.at[sidx.at[g + 1]], rowsB, semGB).wait()
        pltpu.async_copy(rowsB, acc.at[didx.at[g + 1]], semSB, add=True)

    pltpu.make_async_copy(rowsA, acc.at[didx.at[CHUNKS - 2]], semSA).wait()
    pltpu.make_async_copy(rowsB, acc.at[didx.at[CHUNKS - 1]], semSB).wait()
    plsc.subcore_barrier()
    pltpu.sync_copy(acc.at[pl.ds(r0, RPT)], out_hbm.at[cc, pl.ds(r0, RPT)])


BR = 10000
_NB = N // BR


def _dot(a, b):
    return jnp.dot(a, b, preferred_element_type=jnp.float32)


def _pre_body(x_r, w1s_r, b1_r, s1_r):
    s1_r[...] = _dot(x_r[...], w1s_r[...]) + b1_r[...]


_pre = pl.pallas_call(
    _pre_body,
    grid=(_NB,),
    in_specs=[
        pl.BlockSpec((BR, D), lambda i: (i, 0)),
        pl.BlockSpec((D, D), lambda i: (0, 0)),
        pl.BlockSpec((1, D), lambda i: (0, 0)),
    ],
    out_specs=pl.BlockSpec((BR, D), lambda i: (i, 0)),
    out_shape=jax.ShapeDtypeStruct((N, D), jnp.float32),
)


def _l1_body(s1_r, a_r, dg_r, w1n_r, w2s_r, hs_r, s2_r):
    deg = dg_r[0, :, 0:1] + dg_r[1, :, 0:1]
    inv = 1.0 / jnp.maximum(deg, 1.0)
    hn = jnp.concatenate([a_r[0], a_r[1]], axis=-1) * inv
    h = jnp.maximum(s1_r[...] + _dot(hn, w1n_r[...]), 0.0)
    hs_r[0] = h[:, :DH]
    hs_r[1] = h[:, DH:]
    s2_r[...] = _dot(h, w2s_r[...])


_l1 = pl.pallas_call(
    _l1_body,
    grid=(_NB,),
    in_specs=[
        pl.BlockSpec((BR, D), lambda i: (i, 0)),
        pl.BlockSpec((2, BR, DH), lambda i: (0, i, 0)),
        pl.BlockSpec((2, BR, DG), lambda i: (0, i, 0)),
        pl.BlockSpec((D, D), lambda i: (0, 0)),
        pl.BlockSpec((D, D), lambda i: (0, 0)),
    ],
    out_specs=[pl.BlockSpec((2, BR, DH), lambda i: (0, i, 0)),
               pl.BlockSpec((BR, D), lambda i: (i, 0))],
    out_shape=[jax.ShapeDtypeStruct((2, N, DH), jnp.float32),
               jax.ShapeDtypeStruct((N, D), jnp.float32)],
)


def _l2_body(s2_r, a_r, dg_r, w2n_r, b2_r, o_r):
    deg = dg_r[0, :, 0:1] + dg_r[1, :, 0:1]
    inv = 1.0 / jnp.maximum(deg, 1.0)
    hn = jnp.concatenate([a_r[0], a_r[1]], axis=-1) * inv
    o_r[...] = s2_r[...] + _dot(hn, w2n_r[...]) + b2_r[...]


_l2 = pl.pallas_call(
    _l2_body,
    grid=(_NB,),
    in_specs=[
        pl.BlockSpec((BR, D), lambda i: (i, 0)),
        pl.BlockSpec((2, BR, DH), lambda i: (0, i, 0)),
        pl.BlockSpec((2, BR, DG), lambda i: (0, i, 0)),
        pl.BlockSpec((D, D), lambda i: (0, 0)),
        pl.BlockSpec((1, D), lambda i: (0, 0)),
    ],
    out_specs=pl.BlockSpec((BR, D), lambda i: (i, 0)),
    out_shape=jax.ShapeDtypeStruct((N, D), jnp.float32),
)


def kernel(x, edge_index, W1_self, W1_neigh, b1, W2_self, W2_neigh, b2):
    src = edge_index[0].astype(jnp.int32)
    dst = edge_index[1].astype(jnp.int32)
    pad = E_PAD - E
    src_t = jnp.concatenate([src, jnp.zeros((pad,), jnp.int32)]) \
        .reshape(16, CHUNKS, CH)
    dst_t = jnp.concatenate([dst, jnp.full((pad,), N, jnp.int32)]) \
        .reshape(16, CHUNKS, CH)
    src_p = jnp.concatenate([src_t, src_t + N]).reshape(32, CHUNKS, CH)
    dst_p = jnp.concatenate([dst_t, dst_t]).reshape(32, CHUNKS, CH)
    xs = x.reshape(N, 2, DH).swapaxes(0, 1).reshape(2 * N, DH)
    agg1, deg = _sc_agg_deg(xs, src_p, dst_p)
    s1 = _pre(x, W1_self, b1.reshape(1, D))
    hs, s2 = _l1(s1, agg1, deg, W1_neigh, W2_self)
    agg2 = _sc_agg(hs.reshape(2 * N, DH), src_p, dst_p)
    return _l2(s2, agg2, deg, W2_neigh, b2.reshape(1, D))

# --- scband reference (transcript-rebuilt; emitter-appended) ---
"""Pipeline reference for scband-graph-sage-32220844655372 (READ-ONLY COPY).

The authoritative reference and input builder live on the scoring server;
editing this copy changes nothing except your own understanding.
"""

import jax, jax.numpy as jnp
import numpy as np

N_NODES = 10000
N_EDGES = 320000
D_IN = 128
D_HID = 128
D_OUT = 128


def setup_inputs(seed: int = 0) -> dict:
    key = jax.random.key(seed)
    ks = jax.random.split(key, 9)
    x = jax.random.normal(ks[0], (N_NODES, D_IN), dtype=jnp.float32)
    edge_index = jax.random.randint(ks[1], (2, N_EDGES), 0, N_NODES).astype(jnp.int64)
    s_in = 1.0 / np.sqrt(D_IN)
    s_hid = 1.0 / np.sqrt(D_HID)
    W1_self = jax.random.normal(ks[2], (D_IN, D_HID), dtype=jnp.float32) * s_in
    W1_neigh = jax.random.normal(ks[3], (D_IN, D_HID), dtype=jnp.float32) * s_in
    b1 = jnp.zeros((D_HID,), dtype=jnp.float32)
    W2_self = jax.random.normal(ks[4], (D_HID, D_OUT), dtype=jnp.float32) * s_hid
    W2_neigh = jax.random.normal(ks[5], (D_HID, D_OUT), dtype=jnp.float32) * s_hid
    b2 = jnp.zeros((D_OUT,), dtype=jnp.float32)
    return {"x": x, "edge_index": edge_index,
            "W1_self": W1_self, "W1_neigh": W1_neigh, "b1": b1,
            "W2_self": W2_self, "W2_neigh": W2_neigh, "b2": b2}


def _sage_conv(h, src, dst, W_self, W_neigh, b):
    # DGL SAGEConv with 'mean' aggregator: fc_self(h) + fc_neigh(mean_{u in N(v)} h_u) + bias
    msg = jnp.take(h, src, axis=0)
    agg = jax.ops.segment_sum(msg, dst, num_segments=N_NODES)
    deg = jax.ops.segment_sum(jnp.ones((msg.shape[0], 1), dtype=h.dtype), dst, num_segments=N_NODES)
    h_neigh = agg / jnp.clip(deg, 1.0, None)
    return h @ W_self + h_neigh @ W_neigh + b


def reference(x, edge_index, W1_self, W1_neigh, b1, W2_self, W2_neigh, b2):
    src = edge_index[0]
    dst = edge_index[1]
    h = _sage_conv(x, src, dst, W1_self, W1_neigh, b1)
    h = jax.nn.relu(h)  # dropout is identity in eval mode
    out = _sage_conv(h, src, dst, W2_self, W2_neigh, b2)
    return out

if __name__ == "__main__":
    import jax
    _d = setup_inputs()
    print(jax.jit(kernel)(*tuple(_d.values())))

</pallas_src>

<mosaic_0001>
#map = affine_map<(d0, d1) -> (0, 0)>
#map1 = affine_map<(d0, d1) -> (0, 0, 0)>
module attributes {stable_mosaic.version = 14 : i64} {
  func.func @_sc_agg(%arg0: i32, %arg1: i32, %arg2: memref<20000x64xf32, #tpu.memory_space<hbm>>, %arg3: memref<32x158x128xi32, #tpu.memory_space<hbm>>, %arg4: memref<32x158x128xi32, #tpu.memory_space<hbm>>, %arg5: memref<2x10112x64xf32, #tpu.memory_space<hbm>>, %arg6: memref<158x128xi32, #tpu.memory_space<vmem>>, %arg7: memref<158x128xi32, #tpu.memory_space<vmem>>, %arg8: memref<128x64xf32, #tpu.memory_space<vmem>>, %arg9: memref<128x64xf32, #tpu.memory_space<vmem>>, %arg10: memref<64x64xf32, #tpu.memory_space<vmem>>, %arg11: memref<10112x64xf32, #tpu.memory_space<vmem_shared>>, %arg12: memref<!tpu.dma_semaphore, #tpu.memory_space<semaphore_mem>>, %arg13: memref<!tpu.dma_semaphore, #tpu.memory_space<semaphore_mem>>, %arg14: memref<!tpu.dma_semaphore, #tpu.memory_space<semaphore_mem>>, %arg15: memref<!tpu.dma_semaphore, #tpu.memory_space<semaphore_mem>>) attributes {dimension_semantics = [#tpu.dimension_semantics<core_parallel>, #tpu.dimension_semantics<subcore_parallel>], iteration_bounds = array<i64: 2, 16>, scalar_prefetch = 0 : i64, scratch_operands = 10 : i64, tpu.core_type = #tpu.core_type<sc_vector_subcore>, window_params = [{transform_indices = #map}, {transform_indices = #map1}, {transform_indices = #map1}, {transform_indices = #map1}]} {
    %mul3A = arith.constant 16 : i32
    %mul3A_0 = arith.muli %arg0, %mul3A : i32
    %add3A = arith.addi %mul3A_0, %arg1 : i32
    %mul3A_1 = arith.constant 632 : i32
    %mul3A_2 = arith.muli %arg1, %mul3A_1 : i32
    %scan3A = arith.constant 0 : i32
    %scan3A_3 = arith.constant 64 : i32
    %scan3A_4 = arith.addi %scan3A, %scan3A_3 : i32
    %scan3A_5 = arith.constant 1 : i32
    scf.for %scan3A_52 = %scan3A to %scan3A_4 step %scan3A_5  : i32 {
      %mul3A_53 = arith.constant 1 : i32
      %mul3A_54 = arith.muli %scan3A_52, %mul3A_53 : i32
      %add3A_55 = arith.constant 0 : i32
      %add3A_56 = arith.addi %add3A_55, %mul3A_54 : i32
      %broadcast_in_dim3A = arith.constant 0.000000e+00 : f32
      %broadcast_in_dim3A_57 = vector.broadcast %broadcast_in_dim3A : f32 to vector<16xf32>
      %swap3A = arith.index_cast %add3A_56 : i32 to index
      %swap3A_58 = arith.constant 0 : index
      %swap3A_59 = tpu.vector_load %arg10[%swap3A, %swap3A_58] {strides = array<i32>} : memref<64x64xf32, #tpu.memory_space<vmem>>, vector<1x16xf32>,
      %swap3A_60 = vector.shape_cast %swap3A_59 : vector<1x16xf32> to vector<16xf32>
      %swap3A_61 = vector.shape_cast %broadcast_in_dim3A_57 : vector<16xf32> to vector<1x16xf32>
      tpu.vector_store %arg10[%swap3A, %swap3A_58], %swap3A_61 {strides = array<i32>} : memref<64x64xf32, #tpu.memory_space<vmem>>, vector<1x16xf32>,
      %broadcast_in_dim3A_62 = arith.constant 0.000000e+00 : f32
      %broadcast_in_dim3A_63 = vector.broadcast %broadcast_in_dim3A_62 : f32 to vector<16xf32>
      %swap3A_64 = arith.index_cast %add3A_56 : i32 to index
      %swap3A_65 = arith.constant 16 : index
      %swap3A_66 = tpu.vector_load %arg10[%swap3A_64, %swap3A_65] {strides = array<i32>} : memref<64x64xf32, #tpu.memory_space<vmem>>, vector<1x16xf32>,
      %swap3A_67 = vector.shape_cast %swap3A_66 : vector<1x16xf32> to vector<16xf32>
      %swap3A_68 = vector.shape_cast %broadcast_in_dim3A_63 : vector<16xf32> to vector<1x16xf32>
      tpu.vector_store %arg10[%swap3A_64, %swap3A_65], %swap3A_68 {strides = array<i32>} : memref<64x64xf32, #tpu.memory_space<vmem>>, vector<1x16xf32>,
      %broadcast_in_dim3A_69 = arith.constant 0.000000e+00 : f32
      %broadcast_in_dim3A_70 = vector.broadcast %broadcast_in_dim3A_69 : f32 to vector<16xf32>
      %swap3A_71 = arith.index_cast %add3A_56 : i32 to index
      %swap3A_72 = arith.constant 32 : index
      %swap3A_73 = tpu.vector_load %arg10[%swap3A_71, %swap3A_72] {strides = array<i32>} : memref<64x64xf32, #tpu.memory_space<vmem>>, vector<1x16xf32>,
      %swap3A_74 = vector.shape_cast %swap3A_73 : vector<1x16xf32> to vector<16xf32>
      %swap3A_75 = vector.shape_cast %broadcast_in_dim3A_70 : vector<16xf32> to vector<1x16xf32>
      tpu.vector_store %arg10[%swap3A_71, %swap3A_72], %swap3A_75 {strides = array<i32>} : memref<64x64xf32, #tpu.memory_space<vmem>>, vector<1x16xf32>,
      %broadcast_in_dim3A_76 = arith.constant 0.000000e+00 : f32
      %broadcast_in_dim3A_77 = vector.broadcast %broadcast_in_dim3A_76 : f32 to vector<16xf32>
      %swap3A_78 = arith.index_cast %add3A_56 : i32 to index
      %swap3A_79 = arith.constant 48 : index
      %swap3A_80 = tpu.vector_load %arg10[%swap3A_78, %swap3A_79] {strides = array<i32>} : memref<64x64xf32, #tpu.memory_space<vmem>>, vector<1x16xf32>,
      %swap3A_81 = vector.shape_cast %swap3A_80 : vector<1x16xf32> to vector<16xf32>
      %swap3A_82 = vector.shape_cast %broadcast_in_dim3A_77 : vector<16xf32> to vector<1x16xf32>
      tpu.vector_store %arg10[%swap3A_78, %swap3A_79], %swap3A_82 {strides = array<i32>} : memref<64x64xf32, #tpu.memory_space<vmem>>, vector<1x16xf32>,
    }
    %scan3A_6 = arith.constant 64 : i32
    %add3A_7 = arith.constant 0 : i32
    %add3A_8 = arith.addi %mul3A_2, %add3A_7 : i32
    "tpu.region"() ({
      %run_scoped3A = tpu.sem_alloc : memref<!tpu.dma_semaphore, #tpu.memory_space<semaphore_mem>>
      %dma_start3A_52 = arith.constant 0 : i32
      %dma_start3A_53 = tpu.memref_slice %arg11[%add3A_8, %dma_start3A_52] : memref<10112x64xf32, #tpu.memory_space<vmem_shared>> -> memref<64x64xf32, #tpu.memory_space<vmem_shared>>
      %dma_start3A_54 = arith.constant 0 : i32
      %dma_start3A_55 = tpu.memref_slice %arg11[%add3A_8, %dma_start3A_54] : memref<10112x64xf32, #tpu.memory_space<vmem_shared>> -> memref<64x64xf32, #tpu.memory_space<vmem_shared>>
      tpu.enqueue_dma source(%arg10 : memref<64x64xf32, #tpu.memory_space<vmem>>) target(%dma_start3A_55 : memref<64x64xf32, #tpu.memory_space<vmem_shared>>) target_semaphore(%run_scoped3A : memref<!tpu.dma_semaphore, #tpu.memory_space<semaphore_mem>>)
      %dma_wait3A_56 = arith.constant 0 : i32
      %dma_wait3A_57 = tpu.memref_slice %arg11[%add3A_8, %dma_wait3A_56] : memref<10112x64xf32, #tpu.memory_space<vmem_shared>> -> memref<64x64xf32, #tpu.memory_space<vmem_shared>>
      %dma_wait3A_58 = arith.constant 0 : i32
      %dma_wait3A_59 = tpu.memref_slice %arg11[%add3A_8, %dma_wait3A_58] : memref<10112x64xf32, #tpu.memory_space<vmem_shared>> -> memref<64x64xf32, #tpu.memory_space<vmem_shared>>
      tpu.wait_dma2 semaphore(%run_scoped3A : memref<!tpu.dma_semaphore, #tpu.memory_space<semaphore_mem>>) src(%arg10 : memref<64x64xf32, #tpu.memory_space<vmem>>) dst(%dma_wait3A_59 : memref<64x64xf32, #tpu.memory_space<vmem_shared>>)
      tpu.yield
    }) : () -> ()
    %add3A_9 = arith.constant 64 : i32
    %add3A_10 = arith.addi %mul3A_2, %add3A_9 : i32
    "tpu.region"() ({
      %run_scoped3A = tpu.sem_alloc : memref<!tpu.dma_semaphore, #tpu.memory_space<semaphore_mem>>
      %dma_start3A_52 = arith.constant 0 : i32
      %dma_start3A_53 = tpu.memref_slice %arg11[%add3A_10, %dma_start3A_52] : memref<10112x64xf32, #tpu.memory_space<vmem_shared>> -> memref<64x64xf32, #tpu.memory_space<vmem_shared>>
      %dma_start3A_54 = arith.constant 0 : i32
      %dma_start3A_55 = tpu.memref_slice %arg11[%add3A_10, %dma_start3A_54] : memref<10112x64xf32, #tpu.memory_space<vmem_shared>> -> memref<64x64xf32, #tpu.memory_space<vmem_shared>>
      tpu.enqueue_dma source(%arg10 : memref<64x64xf32, #tpu.memory_space<vmem>>) target(%dma_start3A_55 : memref<64x64xf32, #tpu.memory_space<vmem_shared>>) target_semaphore(%run_scoped3A : memref<!tpu.dma_semaphore, #tpu.memory_space<semaphore_mem>>)
      %dma_wait3A_56 = arith.constant 0 : i32
      %dma_wait3A_57 = tpu.memref_slice %arg11[%add3A_10, %dma_wait3A_56] : memref<10112x64xf32, #tpu.memory_space<vmem_shared>> -> memref<64x64xf32, #tpu.memory_space<vmem_shared>>
      %dma_wait3A_58 = arith.constant 0 : i32
      %dma_wait3A_59 = tpu.memref_slice %arg11[%add3A_10, %dma_wait3A_58] : memref<10112x64xf32, #tpu.memory_space<vmem_shared>> -> memref<64x64xf32, #tpu.memory_space<vmem_shared>>
      tpu.wait_dma2 semaphore(%run_scoped3A : memref<!tpu.dma_semaphore, #tpu.memory_space<semaphore_mem>>) src(%arg10 : memref<64x64xf32, #tpu.memory_space<vmem>>) dst(%dma_wait3A_59 : memref<64x64xf32, #tpu.memory_space<vmem_shared>>)
      tpu.yield
    }) : () -> ()
    %add3A_11 = arith.constant 128 : i32
    %add3A_12 = arith.addi %mul3A_2, %add3A_11 : i32
    "tpu.region"() ({
      %run_scoped3A = tpu.sem_alloc : memref<!tpu.dma_semaphore, #tpu.memory_space<semaphore_mem>>
      %dma_start3A_52 = arith.constant 0 : i32
      %dma_start3A_53 = tpu.memref_slice %arg11[%add3A_12, %dma_start3A_52] : memref<10112x64xf32, #tpu.memory_space<vmem_shared>> -> memref<64x64xf32, #tpu.memory_space<vmem_shared>>
      %dma_start3A_54 = arith.constant 0 : i32
      %dma_start3A_55 = tpu.memref_slice %arg11[%add3A_12, %dma_start3A_54] : memref<10112x64xf32, #tpu.memory_space<vmem_shared>> -> memref<64x64xf32, #tpu.memory_space<vmem_shared>>
      tpu.enqueue_dma source(%arg10 : memref<64x64xf32, #tpu.memory_space<vmem>>) target(%dma_start3A_55 : memref<64x64xf32, #tpu.memory_space<vmem_shared>>) target_semaphore(%run_scoped3A : memref<!tpu.dma_semaphore, #tpu.memory_space<semaphore_mem>>)
      %dma_wait3A_56 = arith.constant 0 : i32
      %dma_wait3A_57 = tpu.memref_slice %arg11[%add3A_12, %dma_wait3A_56] : memref<10112x64xf32, #tpu.memory_space<vmem_shared>> -> memref<64x64xf32, #tpu.memory_space<vmem_shared>>
      %dma_wait3A_58 = arith.constant 0 : i32
      %dma_wait3A_59 = tpu.memref_slice %arg11[%add3A_12, %dma_wait3A_58] : memref<10112x64xf32, #tpu.memory_space<vmem_shared>> -> memref<64x64xf32, #tpu.memory_space<vmem_shared>>
      tpu.wait_dma2 semaphore(%run_scoped3A : memref<!tpu.dma_semaphore, #tpu.memory_space<semaphore_mem>>) src(%arg10 : memref<64x64xf32, #tpu.memory_space<vmem>>) dst(%dma_wait3A_59 : memref<64x64xf32, #tpu.memory_space<vmem_shared>>)
      tpu.yield
    }) : () -> ()
    %add3A_13 = arith.constant 192 : i32
    %add3A_14 = arith.addi %mul3A_2, %add3A_13 : i32
    "tpu.region"() ({
      %run_scoped3A = tpu.sem_alloc : memref<!tpu.dma_semaphore, #tpu.memory_space<semaphore_mem>>
      %dma_start3A_52 = arith.constant 0 : i32
      %dma_start3A_53 = tpu.memref_slice %arg11[%add3A_14, %dma_start3A_52] : memref<10112x64xf32, #tpu.memory_space<vmem_shared>> -> memref<64x64xf32, #tpu.memory_space<vmem_shared>>
      %dma_start3A_54 = arith.constant 0 : i32
      %dma_start3A_55 = tpu.memref_slice %arg11[%add3A_14, %dma_start3A_54] : memref<10112x64xf32, #tpu.memory_space<vmem_shared>> -> memref<64x64xf32, #tpu.memory_space<vmem_shared>>
      tpu.enqueue_dma source(%arg10 : memref<64x64xf32, #tpu.memory_space<vmem>>) target(%dma_start3A_55 : memref<64x64xf32, #tpu.memory_space<vmem_shared>>) target_semaphore(%run_scoped3A : memref<!tpu.dma_semaphore, #tpu.memory_space<semaphore_mem>>)
      %dma_wait3A_56 = arith.constant 0 : i32
      %dma_wait3A_57 = tpu.memref_slice %arg11[%add3A_14, %dma_wait3A_56] : memref<10112x64xf32, #tpu.memory_space<vmem_shared>> -> memref<64x64xf32, #tpu.memory_space<vmem_shared>>
      %dma_wait3A_58 = arith.constant 0 : i32
      %dma_wait3A_59 = tpu.memref_slice %arg11[%add3A_14, %dma_wait3A_58] : memref<10112x64xf32, #tpu.memory_space<vmem_shared>> -> memref<64x64xf32, #tpu.memory_space<vmem_shared>>
      tpu.wait_dma2 semaphore(%run_scoped3A : memref<!tpu.dma_semaphore, #tpu.memory_space<semaphore_mem>>) src(%arg10 : memref<64x64xf32, #tpu.memory_space<vmem>>) dst(%dma_wait3A_59 : memref<64x64xf32, #tpu.memory_space<vmem_shared>>)
      tpu.yield
    }) : () -> ()
    %add3A_15 = arith.constant 256 : i32
    %add3A_16 = arith.addi %mul3A_2, %add3A_15 : i32
    "tpu.region"() ({
      %run_scoped3A = tpu.sem_alloc : memref<!tpu.dma_semaphore, #tpu.memory_space<semaphore_mem>>
      %dma_start3A_52 = arith.constant 0 : i32
      %dma_start3A_53 = tpu.memref_slice %arg11[%add3A_16, %dma_start3A_52] : memref<10112x64xf32, #tpu.memory_space<vmem_shared>> -> memref<64x64xf32, #tpu.memory_space<vmem_shared>>
      %dma_start3A_54 = arith.constant 0 : i32
      %dma_start3A_55 = tpu.memref_slice %arg11[%add3A_16, %dma_start3A_54] : memref<10112x64xf32, #tpu.memory_space<vmem_shared>> -> memref<64x64xf32, #tpu.memory_space<vmem_shared>>
      tpu.enqueue_dma source(%arg10 : memref<64x64xf32, #tpu.memory_space<vmem>>) target(%dma_start3A_55 : memref<64x64xf32, #tpu.memory_space<vmem_shared>>) target_semaphore(%run_scoped3A : memref<!tpu.dma_semaphore, #tpu.memory_space<semaphore_mem>>)
      %dma_wait3A_56 = arith.constant 0 : i32
      %dma_wait3A_57 = tpu.memref_slice %arg11[%add3A_16, %dma_wait3A_56] : memref<10112x64xf32, #tpu.memory_space<vmem_shared>> -> memref<64x64xf32, #tpu.memory_space<vmem_shared>>
      %dma_wait3A_58 = arith.constant 0 : i32
      %dma_wait3A_59 = tpu.memref_slice %arg11[%add3A_16, %dma_wait3A_58] : memref<10112x64xf32, #tpu.memory_space<vmem_shared>> -> memref<64x64xf32, #tpu.memory_space<vmem_shared>>
      tpu.wait_dma2 semaphore(%run_scoped3A : memref<!tpu.dma_semaphore, #tpu.memory_space<semaphore_mem>>) src(%arg10 : memref<64x64xf32, #tpu.memory_space<vmem>>) dst(%dma_wait3A_59 : memref<64x64xf32, #tpu.memory_space<vmem_shared>>)
      tpu.yield
    }) : () -> ()
    %add3A_17 = arith.constant 320 : i32
    %add3A_18 = arith.addi %mul3A_2, %add3A_17 : i32
    "tpu.region"() ({
      %run_scoped3A = tpu.sem_alloc : memref<!tpu.dma_semaphore, #tpu.memory_space<semaphore_mem>>
      %dma_start3A_52 = arith.constant 0 : i32
      %dma_start3A_53 = tpu.memref_slice %arg11[%add3A_18, %dma_start3A_52] : memref<10112x64xf32, #tpu.memory_space<vmem_shared>> -> memref<64x64xf32, #tpu.memory_space<vmem_shared>>
      %dma_start3A_54 = arith.constant 0 : i32
      %dma_start3A_55 = tpu.memref_slice %arg11[%add3A_18, %dma_start3A_54] : memref<10112x64xf32, #tpu.memory_space<vmem_shared>> -> memref<64x64xf32, #tpu.memory_space<vmem_shared>>
      tpu.enqueue_dma source(%arg10 : memref<64x64xf32, #tpu.memory_space<vmem>>) target(%dma_start3A_55 : memref<64x64xf32, #tpu.memory_space<vmem_shared>>) target_semaphore(%run_scoped3A : memref<!tpu.dma_semaphore, #tpu.memory_space<semaphore_mem>>)
      %dma_wait3A_56 = arith.constant 0 : i32
      %dma_wait3A_57 = tpu.memref_slice %arg11[%add3A_18, %dma_wait3A_56] : memref<10112x64xf32, #tpu.memory_space<vmem_shared>> -> memref<64x64xf32, #tpu.memory_space<vmem_shared>>
      %dma_wait3A_58 = arith.constant 0 : i32
      %dma_wait3A_59 = tpu.memref_slice %arg11[%add3A_18, %dma_wait3A_58] : memref<10112x64xf32, #tpu.memory_space<vmem_shared>> -> memref<64x64xf32, #tpu.memory_space<vmem_shared>>
      tpu.wait_dma2 semaphore(%run_scoped3A : memref<!tpu.dma_semaphore, #tpu.memory_space<semaphore_mem>>) src(%arg10 : memref<64x64xf32, #tpu.memory_space<vmem>>) dst(%dma_wait3A_59 : memref<64x64xf32, #tpu.memory_space<vmem_shared>>)
      tpu.yield
    }) : () -> ()
    %add3A_19 = arith.constant 384 : i32
    %add3A_20 = arith.addi %mul3A_2, %add3A_19 : i32
    "tpu.region"() ({
      %run_scoped3A = tpu.sem_alloc : memref<!tpu.dma_semaphore, #tpu.memory_space<semaphore_mem>>
      %dma_start3A_52 = arith.constant 0 : i32
      %dma_start3A_53 = tpu.memref_slice %arg11[%add3A_20, %dma_start3A_52] : memref<10112x64xf32, #tpu.memory_space<vmem_shared>> -> memref<64x64xf32, #tpu.memory_space<vmem_shared>>
      %dma_start3A_54 = arith.constant 0 : i32
      %dma_start3A_55 = tpu.memref_slice %arg11[%add3A_20, %dma_start3A_54] : memref<10112x64xf32, #tpu.memory_space<vmem_shared>> -> memref<64x64xf32, #tpu.memory_space<vmem_shared>>
      tpu.enqueue_dma source(%arg10 : memref<64x64xf32, #tpu.memory_space<vmem>>) target(%dma_start3A_55 : memref<64x64xf32, #tpu.memory_space<vmem_shared>>) target_semaphore(%run_scoped3A : memref<!tpu.dma_semaphore, #tpu.memory_space<semaphore_mem>>)
      %dma_wait3A_56 = arith.constant 0 : i32
      %dma_wait3A_57 = tpu.memref_slice %arg11[%add3A_20, %dma_wait3A_56] : memref<10112x64xf32, #tpu.memory_space<vmem_shared>> -> memref<64x64xf32, #tpu.memory_space<vmem_shared>>
      %dma_wait3A_58 = arith.constant 0 : i32
      %dma_wait3A_59 = tpu.memref_slice %arg11[%add3A_20, %dma_wait3A_58] : memref<10112x64xf32, #tpu.memory_space<vmem_shared>> -> memref<64x64xf32, #tpu.memory_space<vmem_shared>>
      tpu.wait_dma2 semaphore(%run_scoped3A : memref<!tpu.dma_semaphore, #tpu.memory_space<semaphore_mem>>) src(%arg10 : memref<64x64xf32, #tpu.memory_space<vmem>>) dst(%dma_wait3A_59 : memref<64x64xf32, #tpu.memory_space<vmem_shared>>)
      tpu.yield
    }) : () -> ()
    %add3A_21 = arith.constant 448 : i32
    %add3A_22 = arith.addi %mul3A_2, %add3A_21 : i32
    "tpu.region"() ({
      %run_scoped3A = tpu.sem_alloc : memref<!tpu.dma_semaphore, #tpu.memory_space<semaphore_mem>>
      %dma_start3A_52 = arith.constant 0 : i32
      %dma_start3A_53 = tpu.memref_slice %arg11[%add3A_22, %dma_start3A_52] : memref<10112x64xf32, #tpu.memory_space<vmem_shared>> -> memref<64x64xf32, #tpu.memory_space<vmem_shared>>
      %dma_start3A_54 = arith.constant 0 : i32
      %dma_start3A_55 = tpu.memref_slice %arg11[%add3A_22, %dma_start3A_54] : memref<10112x64xf32, #tpu.memory_space<vmem_shared>> -> memref<64x64xf32, #tpu.memory_space<vmem_shared>>
      tpu.enqueue_dma source(%arg10 : memref<64x64xf32, #tpu.memory_space<vmem>>) target(%dma_start3A_55 : memref<64x64xf32, #tpu.memory_space<vmem_shared>>) target_semaphore(%run_scoped3A : memref<!tpu.dma_semaphore, #tpu.memory_space<semaphore_mem>>)
      %dma_wait3A_56 = arith.constant 0 : i32
      %dma_wait3A_57 = tpu.memref_slice %arg11[%add3A_22, %dma_wait3A_56] : memref<10112x64xf32, #tpu.memory_space<vmem_shared>> -> memref<64x64xf32, #tpu.memory_space<vmem_shared>>
      %dma_wait3A_58 = arith.constant 0 : i32
      %dma_wait3A_59 = tpu.memref_slice %arg11[%add3A_22, %dma_wait3A_58] : memref<10112x64xf32, #tpu.memory_space<vmem_shared>> -> memref<64x64xf32, #tpu.memory_space<vmem_shared>>
      tpu.wait_dma2 semaphore(%run_scoped3A : memref<!tpu.dma_semaphore, #tpu.memory_space<semaphore_mem>>) src(%arg10 : memref<64x64xf32, #tpu.memory_space<vmem>>) dst(%dma_wait3A_59 : memref<64x64xf32, #tpu.memory_space<vmem_shared>>)
      tpu.yield
    }) : () -> ()
    %add3A_23 = arith.constant 512 : i32
    %add3A_24 = arith.addi %mul3A_2, %add3A_23 : i32
    "tpu.region"() ({
      %run_scoped3A = tpu.sem_alloc : memref<!tpu.dma_semaphore, #tpu.memory_space<semaphore_mem>>
      %dma_start3A_52 = arith.constant 0 : i32
      %dma_start3A_53 = tpu.memref_slice %arg11[%add3A_24, %dma_start3A_52] : memref<10112x64xf32, #tpu.memory_space<vmem_shared>> -> memref<64x64xf32, #tpu.memory_space<vmem_shared>>
      %dma_start3A_54 = arith.constant 0 : i32
      %dma_start3A_55 = tpu.memref_slice %arg11[%add3A_24, %dma_start3A_54] : memref<10112x64xf32, #tpu.memory_space<vmem_shared>> -> memref<64x64xf32, #tpu.memory_space<vmem_shared>>
      tpu.enqueue_dma source(%arg10 : memref<64x64xf32, #tpu.memory_space<vmem>>) target(%dma_start3A_55 : memref<64x64xf32, #tpu.memory_space<vmem_shared>>) target_semaphore(%run_scoped3A : memref<!tpu.dma_semaphore, #tpu.memory_space<semaphore_mem>>)
      %dma_wait3A_56 = arith.constant 0 : i32
      %dma_wait3A_57 = tpu.memref_slice %arg11[%add3A_24, %dma_wait3A_56] : memref<10112x64xf32, #tpu.memory_space<vmem_shared>> -> memref<64x64xf32, #tpu.memory_space<vmem_shared>>
      %dma_wait3A_58 = arith.constant 0 : i32
      %dma_wait3A_59 = tpu.memref_slice %arg11[%add3A_24, %dma_wait3A_58] : memref<10112x64xf32, #tpu.memory_space<vmem_shared>> -> memref<64x64xf32, #tpu.memory_space<vmem_shared>>
      tpu.wait_dma2 semaphore(%run_scoped3A : memref<!tpu.dma_semaphore, #tpu.memory_space<semaphore_mem>>) src(%arg10 : memref<64x64xf32, #tpu.memory_space<vmem>>) dst(%dma_wait3A_59 : memref<64x64xf32, #tpu.memory_space<vmem_shared>>)
      tpu.yield
    }) : () -> ()
    %add3A_25 = arith.constant 576 : i32
    %add3A_26 = arith.addi %mul3A_2, %add3A_25 : i32
    "tpu.region"() ({
      %run_scoped3A = tpu.sem_alloc : memref<!tpu.dma_semaphore, #tpu.memory_space<semaphore_mem>>
      %dma_start3A_52 = arith.constant 0 : i32
      %dma_start3A_53 = arith.constant 0 : i32
      %dma_start3A_54 = tpu.memref_slice %arg10[%dma_start3A_52, %dma_start3A_53] : memref<64x64xf32, #tpu.memory_space<vmem>> -> memref<56x64xf32, #tpu.memory_space<vmem>>
      %dma_start3A_55 = arith.constant 0 : i32
      %dma_start3A_56 = tpu.memref_slice %arg11[%add3A_26, %dma_start3A_55] : memref<10112x64xf32, #tpu.memory_space<vmem_shared>> -> memref<56x64xf32, #tpu.memory_space<vmem_shared>>
      %dma_start3A_57 = arith.constant 0 : i32
      %dma_start3A_58 = tpu.memref_slice %arg11[%add3A_26, %dma_start3A_57] : memref<10112x64xf32, #tpu.memory_space<vmem_shared>> -> memref<56x64xf32, #tpu.memory_space<vmem_shared>>
      %dma_start3A_59 = arith.constant 0 : i32
      %dma_start3A_60 = arith.constant 0 : i32
      %dma_start3A_61 = tpu.memref_slice %arg10[%dma_start3A_59, %dma_start3A_60] : memref<64x64xf32, #tpu.memory_space<vmem>> -> memref<56x64xf32, #tpu.memory_space<vmem>>
      tpu.enqueue_dma source(%dma_start3A_61 : memref<56x64xf32, #tpu.memory_space<vmem>>) target(%dma_start3A_58 : memref<56x64xf32, #tpu.memory_space<vmem_shared>>) target_semaphore(%run_scoped3A : memref<!tpu.dma_semaphore, #tpu.memory_space<semaphore_mem>>)
      %dma_wait3A_62 = arith.constant 0 : i32
      %dma_wait3A_63 = arith.constant 0 : i32
      %dma_wait3A_64 = tpu.memref_slice %arg10[%dma_wait3A_62, %dma_wait3A_63] : memref<64x64xf32, #tpu.memory_space<vmem>> -> memref<56x64xf32, #tpu.memory_space<vmem>>
      %dma_wait3A_65 = arith.constant 0 : i32
      %dma_wait3A_66 = tpu.memref_slice %arg11[%add3A_26, %dma_wait3A_65] : memref<10112x64xf32, #tpu.memory_space<vmem_shared>> -> memref<56x64xf32, #tpu.memory_space<vmem_shared>>
      %dma_wait3A_67 = arith.constant 0 : i32
      %dma_wait3A_68 = tpu.memref_slice %arg11[%add3A_26, %dma_wait3A_67] : memref<10112x64xf32, #tpu.memory_space<vmem_shared>> -> memref<56x64xf32, #tpu.memory_space<vmem_shared>>
      %dma_wait3A_69 = arith.constant 0 : i32
      %dma_wait3A_70 = arith.constant 0 : i32
      %dma_wait3A_71 = tpu.memref_slice %arg10[%dma_wait3A_69, %dma_wait3A_70] : memref<64x64xf32, #tpu.memory_space<vmem>> -> memref<56x64xf32, #tpu.memory_space<vmem>>
      tpu.wait_dma2 semaphore(%run_scoped3A : memref<!tpu.dma_semaphore, #tpu.memory_space<semaphore_mem>>) src(%dma_wait3A_71 : memref<56x64xf32, #tpu.memory_space<vmem>>) dst(%dma_wait3A_68 : memref<56x64xf32, #tpu.memory_space<vmem_shared>>)
      tpu.yield
    }) : () -> ()
    "tpu.region"() ({
      %run_scoped3A = tpu.sem_alloc : memref<!tpu.dma_semaphore, #tpu.memory_space<semaphore_mem>>
      %dma_start3A_52 = arith.constant 0 : i32
      %dma_start3A_53 = arith.constant 0 : i32
      %dma_start3A_54 = tpu.memref_slice %arg3[%add3A, %dma_start3A_52, %dma_start3A_53] : memref<32x158x128xi32, #tpu.memory_space<hbm>> -> memref<1x158x128xi32, #tpu.memory_space<hbm>>
      %dma_start3A_55 = tpu.memref_squeeze %dma_start3A_54 : memref<1x158x128xi32, #tpu.memory_space<hbm>> -> memref<158x128xi32, #tpu.memory_space<hbm>>
      %dma_start3A_56 = arith.constant 0 : i32
      %dma_start3A_57 = arith.constant 0 : i32
      %dma_start3A_58 = tpu.memref_slice %arg3[%add3A, %dma_start3A_56, %dma_start3A_57] : memref<32x158x128xi32, #tpu.memory_space<hbm>> -> memref<1x158x128xi32, #tpu.memory_space<hbm>>
      %dma_start3A_59 = tpu.memref_squeeze %dma_start3A_58 : memref<1x158x128xi32, #tpu.memory_space<hbm>> -> memref<158x128xi32, #tpu.memory_space<hbm>>
      tpu.enqueue_dma source(%dma_start3A_59 : memref<158x128xi32, #tpu.memory_space<hbm>>) target(%arg6 : memref<158x128xi32, #tpu.memory_space<vmem>>) target_semaphore(%run_scoped3A : memref<!tpu.dma_semaphore, #tpu.memory_space<semaphore_mem>>)
      %dma_wait3A_60 = arith.constant 0 : i32
      %dma_wait3A_61 = arith.constant 0 : i32
      %dma_wait3A_62 = tpu.memref_slice %arg3[%add3A, %dma_wait3A_60, %dma_wait3A_61] : memref<32x158x128xi32, #tpu.memory_space<hbm>> -> memref<1x158x128xi32, #tpu.memory_space<hbm>>
      %dma_wait3A_63 = tpu.memref_squeeze %dma_wait3A_62 : memref<1x158x128xi32, #tpu.memory_space<hbm>> -> memref<158x128xi32, #tpu.memory_space<hbm>>
      %dma_wait3A_64 = arith.constant 0 : i32
      %dma_wait3A_65 = arith.constant 0 : i32
      %dma_wait3A_66 = tpu.memref_slice %arg3[%add3A, %dma_wait3A_64, %dma_wait3A_65] : memref<32x158x128xi32, #tpu.memory_space<hbm>> -> memref<1x158x128xi32, #tpu.memory_space<hbm>>
      %dma_wait3A_67 = tpu.memref_squeeze %dma_wait3A_66 : memref<1x158x128xi32, #tpu.memory_space<hbm>> -> memref<158x128xi32, #tpu.memory_space<hbm>>
      tpu.wait_dma2 semaphore(%run_scoped3A : memref<!tpu.dma_semaphore, #tpu.memory_space<semaphore_mem>>) src(%dma_wait3A_67 : memref<158x128xi32, #tpu.memory_space<hbm>>) dst(%arg6 : memref<158x128xi32, #tpu.memory_space<vmem>>)
      tpu.yield
    }) : () -> ()
    "tpu.region"() ({
      %run_scoped3A = tpu.sem_alloc : memref<!tpu.dma_semaphore, #tpu.memory_space<semaphore_mem>>
      %dma_start3A_52 = arith.constant 0 : i32
      %dma_start3A_53 = arith.constant 0 : i32
      %dma_start3A_54 = tpu.memref_slice %arg4[%add3A, %dma_start3A_52, %dma_start3A_53] : memref<32x158x128xi32, #tpu.memory_space<hbm>> -> memref<1x158x128xi32, #tpu.memory_space<hbm>>
      %dma_start3A_55 = tpu.memref_squeeze %dma_start3A_54 : memref<1x158x128xi32, #tpu.memory_space<hbm>> -> memref<158x128xi32, #tpu.memory_space<hbm>>
      %dma_start3A_56 = arith.constant 0 : i32
      %dma_start3A_57 = arith.constant 0 : i32
      %dma_start3A_58 = tpu.memref_slice %arg4[%add3A, %dma_start3A_56, %dma_start3A_57] : memref<32x158x128xi32, #tpu.memory_space<hbm>> -> memref<1x158x128xi32, #tpu.memory_space<hbm>>
      %dma_start3A_59 = tpu.memref_squeeze %dma_start3A_58 : memref<1x158x128xi32, #tpu.memory_space<hbm>> -> memref<158x128xi32, #tpu.memory_space<hbm>>
      tpu.enqueue_dma source(%dma_start3A_59 : memref<158x128xi32, #tpu.memory_space<hbm>>) target(%arg7 : memref<158x128xi32, #tpu.memory_space<vmem>>) target_semaphore(%run_scoped3A : memref<!tpu.dma_semaphore, #tpu.memory_space<semaphore_mem>>)
      %dma_wait3A_60 = arith.constant 0 : i32
      %dma_wait3A_61 = arith.constant 0 : i32
      %dma_wait3A_62 = tpu.memref_slice %arg4[%add3A, %dma_wait3A_60, %dma_wait3A_61] : memref<32x158x128xi32, #tpu.memory_space<hbm>> -> memref<1x158x128xi32, #tpu.memory_space<hbm>>
      %dma_wait3A_63 = tpu.memref_squeeze %dma_wait3A_62 : memref<1x158x128xi32, #tpu.memory_space<hbm>> -> memref<158x128xi32, #tpu.memory_space<hbm>>
      %dma_wait3A_64 = arith.constant 0 : i32
      %dma_wait3A_65 = arith.constant 0 : i32
      %dma_wait3A_66 = tpu.memref_slice %arg4[%add3A, %dma_wait3A_64, %dma_wait3A_65] : memref<32x158x128xi32, #tpu.memory_space<hbm>> -> memref<1x158x128xi32, #tpu.memory_space<hbm>>
      %dma_wait3A_67 = tpu.memref_squeeze %dma_wait3A_66 : memref<1x158x128xi32, #tpu.memory_space<hbm>> -> memref<158x128xi32, #tpu.memory_space<hbm>>
      tpu.wait_dma2 semaphore(%run_scoped3A : memref<!tpu.dma_semaphore, #tpu.memory_space<semaphore_mem>>) src(%dma_wait3A_67 : memref<158x128xi32, #tpu.memory_space<hbm>>) dst(%arg7 : memref<158x128xi32, #tpu.memory_space<vmem>>)
      tpu.yield
    }) : () -> ()
    %barrier3A = arith.constant 0 : index
    tpu.barrier barrier_id(%barrier3A)
    %dma_start3A = arith.constant 0 : i32
    %dma_start3A_27 = arith.constant 0 : i32
    %dma_start3A_28 = tpu.memref_slice %arg6[%dma_start3A, %dma_start3A_27] : memref<158x128xi32, #tpu.memory_space<vmem>> -> memref<1x128xi32, #tpu.memory_space<vmem>>
    %dma_start3A_29 = tpu.memref_squeeze %dma_start3A_28 : memref<1x128xi32, #tpu.memory_space<vmem>> -> memref<128xi32, #tpu.memory_space<vmem>>
    %dma_start3A_30 = arith.constant 0 : i32
    %dma_start3A_31 = arith.constant 0 : i32
    %dma_start3A_32 = tpu.memref_slice %arg2[%dma_start3A_30, %dma_start3A_31] : memref<20000x64xf32, #tpu.memory_space<hbm>> -> memref<20000x64xf32, #tpu.memory_space<hbm>>
    tpu.enqueue_indirect_dma source(%dma_start3A_32 : memref<20000x64xf32, #tpu.memory_space<hbm>>) target(%arg8 : memref<128x64xf32, #tpu.memory_space<vmem>>) offsets(%dma_start3A_29 : memref<128xi32, #tpu.memory_space<vmem>>) semaphore(%arg12 : memref<!tpu.dma_semaphore, #tpu.memory_space<semaphore_mem>>)
    %scan3A_33 = arith.constant 0 : i32
    %scan3A_34 = arith.constant 79 : i32
    %scan3A_35 = arith.addi %scan3A_33, %scan3A_34 : i32
    %scan3A_36 = arith.constant 1 : i32
    scf.for %scan3A_52 = %scan3A_33 to %scan3A_35 step %scan3A_36  : i32 {
      %mul3A_53 = arith.constant 2 : i32
      %mul3A_54 = arith.muli %scan3A_52, %mul3A_53 : i32
      %add3A_55 = arith.constant 0 : i32
      %add3A_56 = arith.addi %add3A_55, %mul3A_54 : i32
      %gt3A = arith.constant 0 : i32
      %gt3A_57 = arith.cmpi sgt, %add3A_56, %gt3A : i32
      %convert_element_type3A = arith.extui %gt3A_57 : i1 to i32
      %cond3A = arith.constant 0 : i32
      %cond3A_58 = arith.cmpi ne, %convert_element_type3A, %cond3A : i32
      scf.if %cond3A_58 {
        %sub3A = arith.constant 1 : i32
        %sub3A_101 = arith.subi %add3A_56, %sub3A : i32
        %dma_wait3A_102 = arith.constant 0 : i32
        %dma_wait3A_103 = tpu.memref_slice %arg7[%sub3A_101, %dma_wait3A_102] : memref<158x128xi32, #tpu.memory_space<vmem>> -> memref<1x128xi32, #tpu.memory_space<vmem>>
        %dma_wait3A_104 = tpu.memref_squeeze %dma_wait3A_103 : memref<1x128xi32, #tpu.memory_space<vmem>> -> memref<128xi32, #tpu.memory_space<vmem>>
        %dma_wait3A_105 = arith.constant 0 : i32
        %dma_wait3A_106 = arith.constant 0 : i32
        %dma_wait3A_107 = tpu.memref_slice %arg11[%dma_wait3A_105, %dma_wait3A_106] : memref<10112x64xf32, #tpu.memory_space<vmem_shared>> -> memref<10112x64xf32, #tpu.memory_space<vmem_shared>>
        tpu.wait_indirect_dma semaphore(%arg15 : memref<!tpu.dma_semaphore, #tpu.memory_space<semaphore_mem>>) src(%arg9 : memref<128x64xf32, #tpu.memory_space<vmem>>) dst(%dma_wait3A_107 : memref<10112x64xf32, #tpu.memory_space<vmem_shared>>)
      } else {
      }
      %add3A_59 = arith.constant 1 : i32
      %add3A_60 = arith.addi %add3A_56, %add3A_59 : i32
      %dma_start3A_61 = arith.constant 0 : i32
      %dma_start3A_62 = tpu.memref_slice %arg6[%add3A_60, %dma_start3A_61] : memref<158x128xi32, #tpu.memory_space<vmem>> -> memref<1x128xi32, #tpu.memory_space<vmem>>
      %dma_start3A_63 = tpu.memref_squeeze %dma_start3A_62 : memref<1x128xi32, #tpu.memory_space<vmem>> -> memref<128xi32, #tpu.memory_space<vmem>>
      %dma_start3A_64 = arith.constant 0 : i32
      %dma_start3A_65 = arith.constant 0 : i32
      %dma_start3A_66 = tpu.memref_slice %arg2[%dma_start3A_64, %dma_start3A_65] : memref<20000x64xf32, #tpu.memory_space<hbm>> -> memref<20000x64xf32, #tpu.memory_space<hbm>>
      tpu.enqueue_indirect_dma source(%dma_start3A_66 : memref<20000x64xf32, #tpu.memory_space<hbm>>) target(%arg9 : memref<128x64xf32, #tpu.memory_space<vmem>>) offsets(%dma_start3A_63 : memref<128xi32, #tpu.memory_space<vmem>>) semaphore(%arg13 : memref<!tpu.dma_semaphore, #tpu.memory_space<semaphore_mem>>)
      %dma_wait3A_67 = arith.constant 0 : i32
      %dma_wait3A_68 = tpu.memref_slice %arg6[%add3A_56, %dma_wait3A_67] : memref<158x128xi32, #tpu.memory_space<vmem>> -> memref<1x128xi32, #tpu.memory_space<vmem>>
      %dma_wait3A_69 = tpu.memref_squeeze %dma_wait3A_68 : memref<1x128xi32, #tpu.memory_space<vmem>> -> memref<128xi32, #tpu.memory_space<vmem>>
      %dma_wait3A_70 = arith.constant 0 : i32
      %dma_wait3A_71 = arith.constant 0 : i32
      %dma_wait3A_72 = tpu.memref_slice %arg2[%dma_wait3A_70, %dma_wait3A_71] : memref<20000x64xf32, #tpu.memory_space<hbm>> -> memref<20000x64xf32, #tpu.memory_space<hbm>>
      tpu.wait_indirect_dma semaphore(%arg12 : memref<!tpu.dma_semaphore, #tpu.memory_space<semaphore_mem>>) src(%dma_wait3A_72 : memref<20000x64xf32, #tpu.memory_space<hbm>>) dst(%arg8 : memref<128x64xf32, #tpu.memory_space<vmem>>)
      %dma_start3A_73 = arith.constant 0 : i32
      %dma_start3A_74 = tpu.memref_slice %arg7[%add3A_56, %dma_start3A_73] : memref<158x128xi32, #tpu.memory_space<vmem>> -> memref<1x128xi32, #tpu.memory_space<vmem>>
      %dma_start3A_75 = tpu.memref_squeeze %dma_start3A_74 : memref<1x128xi32, #tpu.memory_space<vmem>> -> memref<128xi32, #tpu.memory_space<vmem>>
      %dma_start3A_76 = arith.constant 0 : i32
      %dma_start3A_77 = arith.constant 0 : i32
      %dma_start3A_78 = tpu.memref_slice %arg11[%dma_start3A_76, %dma_start3A_77] : memref<10112x64xf32, #tpu.memory_space<vmem_shared>> -> memref<10112x64xf32, #tpu.memory_space<vmem_shared>>
      tpu.enqueue_indirect_dma source(%arg8 : memref<128x64xf32, #tpu.memory_space<vmem>>) target(%dma_start3A_78 : memref<10112x64xf32, #tpu.memory_space<vmem_shared>>) offsets(%dma_start3A_75 : memref<128xi32, #tpu.memory_space<vmem>>) semaphore(%arg14 : memref<!tpu.dma_semaphore, #tpu.memory_space<semaphore_mem>>) {add = true}
      %add3A_79 = arith.constant 2 : i32
      %add3A_80 = arith.addi %add3A_56, %add3A_79 : i32
      %lt3A = arith.constant 158 : i32
      %lt3A_81 = arith.cmpi slt, %add3A_80, %lt3A : i32
      %convert_element_type3A_82 = arith.extui %lt3A_81 : i1 to i32
      %cond3A_83 = arith.constant 0 : i32
      %cond3A_84 = arith.cmpi ne, %convert_element_type3A_82, %cond3A_83 : i32
      scf.if %cond3A_84 {
        %dma_wait3A_101 = arith.constant 0 : i32
        %dma_wait3A_102 = tpu.memref_slice %arg7[%add3A_56, %dma_wait3A_101] : memref<158x128xi32, #tpu.memory_space<vmem>> -> memref<1x128xi32, #tpu.memory_space<vmem>>
        %dma_wait3A_103 = tpu.memref_squeeze %dma_wait3A_102 : memref<1x128xi32, #tpu.memory_space<vmem>> -> memref<128xi32, #tpu.memory_space<vmem>>
        %dma_wait3A_104 = arith.constant 0 : i32
        %dma_wait3A_105 = arith.constant 0 : i32
        %dma_wait3A_106 = tpu.memref_slice %arg11[%dma_wait3A_104, %dma_wait3A_105] : memref<10112x64xf32, #tpu.memory_space<vmem_shared>> -> memref<10112x64xf32, #tpu.memory_space<vmem_shared>>
        tpu.wait_indirect_dma semaphore(%arg14 : memref<!tpu.dma_semaphore, #tpu.memory_space<semaphore_mem>>) src(%arg8 : memref<128x64xf32, #tpu.memory_space<vmem>>) dst(%dma_wait3A_106 : memref<10112x64xf32, #tpu.memory_space<vmem_shared>>)
        %add3A_107 = arith.constant 2 : i32
        %add3A_108 = arith.addi %add3A_56, %add3A_107 : i32
        %dma_start3A_109 = arith.constant 0 : i32
        %dma_start3A_110 = tpu.memref_slice %arg6[%add3A_108, %dma_start3A_109] : memref<158x128xi32, #tpu.memory_space<vmem>> -> memref<1x128xi32, #tpu.memory_space<vmem>>
        %dma_start3A_111 = tpu.memref_squeeze %dma_start3A_110 : memref<1x128xi32, #tpu.memory_space<vmem>> -> memref<128xi32, #tpu.memory_space<vmem>>
        %dma_start3A_112 = arith.constant 0 : i32
        %dma_start3A_113 = arith.constant 0 : i32
        %dma_start3A_114 = tpu.memref_slice %arg2[%dma_start3A_112, %dma_start3A_113] : memref<20000x64xf32, #tpu.memory_space<hbm>> -> memref<20000x64xf32, #tpu.memory_space<hbm>>
        tpu.enqueue_indirect_dma source(%dma_start3A_114 : memref<20000x64xf32, #tpu.memory_space<hbm>>) target(%arg8 : memref<128x64xf32, #tpu.memory_space<vmem>>) offsets(%dma_start3A_111 : memref<128xi32, #tpu.memory_space<vmem>>) semaphore(%arg12 : memref<!tpu.dma_semaphore, #tpu.memory_space<semaphore_mem>>)
      } else {
      }
      %add3A_85 = arith.constant 1 : i32
      %add3A_86 = arith.addi %add3A_56, %add3A_85 : i32
      %dma_wait3A_87 = arith.constant 0 : i32
      %dma_wait3A_88 = tpu.memref_slice %arg6[%add3A_86, %dma_wait3A_87] : memref<158x128xi32, #tpu.memory_space<vmem>> -> memref<1x128xi32, #tpu.memory_space<vmem>>
      %dma_wait3A_89 = tpu.memref_squeeze %dma_wait3A_88 : memref<1x128xi32, #tpu.memory_space<vmem>> -> memref<128xi32, #tpu.memory_space<vmem>>
      %dma_wait3A_90 = arith.constant 0 : i32
      %dma_wait3A_91 = arith.constant 0 : i32
      %dma_wait3A_92 = tpu.memref_slice %arg2[%dma_wait3A_90, %dma_wait3A_91] : memref<20000x64xf32, #tpu.memory_space<hbm>> -> memref<20000x64xf32, #tpu.memory_space<hbm>>
      tpu.wait_indirect_dma semaphore(%arg13 : memref<!tpu.dma_semaphore, #tpu.memory_space<semaphore_mem>>) src(%dma_wait3A_92 : memref<20000x64xf32, #tpu.memory_space<hbm>>) dst(%arg9 : memref<128x64xf32, #tpu.memory_space<vmem>>)
      %add3A_93 = arith.constant 1 : i32
      %add3A_94 = arith.addi %add3A_56, %add3A_93 : i32
      %dma_start3A_95 = arith.constant 0 : i32
      %dma_start3A_96 = tpu.memref_slice %arg7[%add3A_94, %dma_start3A_95] : memref<158x128xi32, #tpu.memory_space<vmem>> -> memref<1x128xi32, #tpu.memory_space<vmem>>
      %dma_start3A_97 = tpu.memref_squeeze %dma_start3A_96 : memref<1x128xi32, #tpu.memory_space<vmem>> -> memref<128xi32, #tpu.memory_space<vmem>>
      %dma_start3A_98 = arith.constant 0 : i32
      %dma_start3A_99 = arith.constant 0 : i32
      %dma_start3A_100 = tpu.memref_slice %arg11[%dma_start3A_98, %dma_start3A_99] : memref<10112x64xf32, #tpu.memory_space<vmem_shared>> -> memref<10112x64xf32, #tpu.memory_space<vmem_shared>>
      tpu.enqueue_indirect_dma source(%arg9 : memref<128x64xf32, #tpu.memory_space<vmem>>) target(%dma_start3A_100 : memref<10112x64xf32, #tpu.memory_space<vmem_shared>>) offsets(%dma_start3A_97 : memref<128xi32, #tpu.memory_space<vmem>>) semaphore(%arg15 : memref<!tpu.dma_semaphore, #tpu.memory_space<semaphore_mem>>) {add = true}
    }
    %scan3A_37 = arith.constant 79 : i32
    %dma_wait3A = arith.constant 156 : i32
    %dma_wait3A_38 = arith.constant 0 : i32
    %dma_wait3A_39 = tpu.memref_slice %arg7[%dma_wait3A, %dma_wait3A_38] : memref<158x128xi32, #tpu.memory_space<vmem>> -> memref<1x128xi32, #tpu.memory_space<vmem>>
    %dma_wait3A_40 = tpu.memref_squeeze %dma_wait3A_39 : memref<1x128xi32, #tpu.memory_space<vmem>> -> memref<128xi32, #tpu.memory_space<vmem>>
    %dma_wait3A_41 = arith.constant 0 : i32
    %dma_wait3A_42 = arith.constant 0 : i32
    %dma_wait3A_43 = tpu.memref_slice %arg11[%dma_wait3A_41, %dma_wait3A_42] : memref<10112x64xf32, #tpu.memory_space<vmem_shared>> -> memref<10112x64xf32, #tpu.memory_space<vmem_shared>>
    tpu.wait_indirect_dma semaphore(%arg14 : memref<!tpu.dma_semaphore, #tpu.memory_space<semaphore_mem>>) src(%arg8 : memref<128x64xf32, #tpu.memory_space<vmem>>) dst(%dma_wait3A_43 : memref<10112x64xf32, #tpu.memory_space<vmem_shared>>)
    %dma_wait3A_44 = arith.constant 157 : i32
    %dma_wait3A_45 = arith.constant 0 : i32
    %dma_wait3A_46 = tpu.memref_slice %arg7[%dma_wait3A_44, %dma_wait3A_45] : memref<158x128xi32, #tpu.memory_space<vmem>> -> memref<1x128xi32, #tpu.memory_space<vmem>>
    %dma_wait3A_47 = tpu.memref_squeeze %dma_wait3A_46 : memref<1x128xi32, #tpu.memory_space<vmem>> -> memref<128xi32, #tpu.memory_space<vmem>>
    %dma_wait3A_48 = arith.constant 0 : i32
    %dma_wait3A_49 = arith.constant 0 : i32
    %dma_wait3A_50 = tpu.memref_slice %arg11[%dma_wait3A_48, %dma_wait3A_49] : memref<10112x64xf32, #tpu.memory_space<vmem_shared>> -> memref<10112x64xf32, #tpu.memory_space<vmem_shared>>
    tpu.wait_indirect_dma semaphore(%arg15 : memref<!tpu.dma_semaphore, #tpu.memory_space<semaphore_mem>>) src(%arg9 : memref<128x64xf32, #tpu.memory_space<vmem>>) dst(%dma_wait3A_50 : memref<10112x64xf32, #tpu.memory_space<vmem_shared>>)
    %barrier3A_51 = arith.constant 0 : index
    tpu.barrier barrier_id(%barrier3A_51)
    "tpu.region"() ({
      %run_scoped3A = tpu.sem_alloc : memref<!tpu.dma_semaphore, #tpu.memory_space<semaphore_mem>>
      %dma_start3A_52 = arith.constant 0 : i32
      %dma_start3A_53 = tpu.memref_slice %arg5[%arg0, %mul3A_2, %dma_start3A_52] : memref<2x10112x64xf32, #tpu.memory_space<hbm>> -> memref<1x632x64xf32, #tpu.memory_space<hbm>>
      %dma_start3A_54 = tpu.memref_squeeze %dma_start3A_53 : memref<1x632x64xf32, #tpu.memory_space<hbm>> -> memref<632x64xf32, #tpu.memory_space<hbm>>
      %dma_start3A_55 = arith.constant 0 : i32
      %dma_start3A_56 = tpu.memref_slice %arg11[%mul3A_2, %dma_start3A_55] : memref<10112x64xf32, #tpu.memory_space<vmem_shared>> -> memref<632x64xf32, #tpu.memory_space<vmem_shared>>
      tpu.enqueue_dma source(%dma_start3A_56 : memref<632x64xf32, #tpu.memory_space<vmem_shared>>) target(%dma_start3A_54 : memref<632x64xf32, #tpu.memory_space<hbm>>) target_semaphore(%run_scoped3A : memref<!tpu.dma_semaphore, #tpu.memory_space<semaphore_mem>>)
      %dma_wait3A_57 = arith.constant 0 : i32
      %dma_wait3A_58 = tpu.memref_slice %arg5[%arg0, %mul3A_2, %dma_wait3A_57] : memref<2x10112x64xf32, #tpu.memory_space<hbm>> -> memref<1x632x64xf32, #tpu.memory_space<hbm>>
      %dma_wait3A_59 = tpu.memref_squeeze %dma_wait3A_58 : memref<1x632x64xf32, #tpu.memory_space<hbm>> -> memref<632x64xf32, #tpu.memory_space<hbm>>
      %dma_wait3A_60 = arith.constant 0 : i32
      %dma_wait3A_61 = tpu.memref_slice %arg11[%mul3A_2, %dma_wait3A_60] : memref<10112x64xf32, #tpu.memory_space<vmem_shared>> -> memref<632x64xf32, #tpu.memory_space<vmem_shared>>
      tpu.wait_dma2 semaphore(%run_scoped3A : memref<!tpu.dma_semaphore, #tpu.memory_space<semaphore_mem>>) src(%dma_wait3A_61 : memref<632x64xf32, #tpu.memory_space<vmem_shared>>) dst(%dma_wait3A_59 : memref<632x64xf32, #tpu.memory_space<hbm>>)
      tpu.yield
    }) : () -> ()
    return
  }
}

#map = affine_map<(d0, d1) -> (0, 0)>
#map1 = affine_map<(d0, d1) -> (0, 0, 0)>
module attributes {stable_mosaic.version = 14 : i64} {
  func.func @_sc_agg_deg(%arg0: i32, %arg1: i32, %arg2: memref<20000x64xf32, #tpu.memory_space<hbm>>, %arg3: memref<32x158x128xi32, #tpu.memory_space<hbm>>, %arg4: memref<32x158x128xi32, #tpu.memory_space<hbm>>, %arg5: memref<2x10112x64xf32, #tpu.memory_space<hbm>>, %arg6: memref<2x10112x16xf32, #tpu.memory_space<hbm>>, %arg7: memref<158x128xi32, #tpu.memory_space<vmem>>, %arg8: memref<158x128xi32, #tpu.memory_space<vmem>>, %arg9: memref<128x64xf32, #tpu.memory_space<vmem>>, %arg10: memref<128x64xf32, #tpu.memory_space<vmem>>, %arg11: memref<64x64xf32, #tpu.memory_space<vmem>>, %arg12: memref<64x16xf32, #tpu.memory_space<vmem>>, %arg13: memref<128x16xf32, #tpu.memory_space<vmem>>, %arg14: memref<10112x64xf32, #tpu.memory_space<vmem_shared>>, %arg15: memref<10112x16xf32, #tpu.memory_space<vmem_shared>>, %arg16: memref<!tpu.dma_semaphore, #tpu.memory_space<semaphore_mem>>, %arg17: memref<!tpu.dma_semaphore, #tpu.memory_space<semaphore_mem>>, %arg18: memref<!tpu.dma_semaphore, #tpu.memory_space<semaphore_mem>>, %arg19: memref<!tpu.dma_semaphore, #tpu.memory_space<semaphore_mem>>, %arg20: memref<!tpu.dma_semaphore, #tpu.memory_space<semaphore_mem>>) attributes {dimension_semantics = [#tpu.dimension_semantics<core_parallel>, #tpu.dimension_semantics<subcore_parallel>], iteration_bounds = array<i64: 2, 16>, scalar_prefetch = 0 : i64, scratch_operands = 14 : i64, tpu.core_type = #tpu.core_type<sc_vector_subcore>, window_params = [{transform_indices = #map}, {transform_indices = #map1}, {transform_indices = #map1}, {transform_indices = #map1}, {transform_indices = #map1}]} {
    %mul3A = arith.constant 16 : i32
    %mul3A_0 = arith.muli %arg0, %mul3A : i32
    %add3A = arith.addi %mul3A_0, %arg1 : i32
    %mul3A_1 = arith.constant 632 : i32
    %mul3A_2 = arith.muli %arg1, %mul3A_1 : i32
    %scan3A = arith.constant 0 : i32
    %scan3A_3 = arith.constant 64 : i32
    %scan3A_4 = arith.addi %scan3A, %scan3A_3 : i32
    %scan3A_5 = arith.constant 1 : i32
    scf.for %scan3A_94 = %scan3A to %scan3A_4 step %scan3A_5  : i32 {
      %mul3A_95 = arith.constant 1 : i32
      %mul3A_96 = arith.muli %scan3A_94, %mul3A_95 : i32
      %add3A_97 = arith.constant 0 : i32
      %add3A_98 = arith.addi %add3A_97, %mul3A_96 : i32
      %broadcast_in_dim3A = arith.constant 0.000000e+00 : f32
      %broadcast_in_dim3A_99 = vector.broadcast %broadcast_in_dim3A : f32 to vector<16xf32>
      %swap3A = arith.index_cast %add3A_98 : i32 to index
      %swap3A_100 = arith.constant 0 : index
      %swap3A_101 = tpu.vector_load %arg11[%swap3A, %swap3A_100] {strides = array<i32>} : memref<64x64xf32, #tpu.memory_space<vmem>>, vector<1x16xf32>,
      %swap3A_102 = vector.shape_cast %swap3A_101 : vector<1x16xf32> to vector<16xf32>
      %swap3A_103 = vector.shape_cast %broadcast_in_dim3A_99 : vector<16xf32> to vector<1x16xf32>
      tpu.vector_store %arg11[%swap3A, %swap3A_100], %swap3A_103 {strides = array<i32>} : memref<64x64xf32, #tpu.memory_space<vmem>>, vector<1x16xf32>,
      %broadcast_in_dim3A_104 = arith.constant 0.000000e+00 : f32
      %broadcast_in_dim3A_105 = vector.broadcast %broadcast_in_dim3A_104 : f32 to vector<16xf32>
      %swap3A_106 = arith.index_cast %add3A_98 : i32 to index
      %swap3A_107 = arith.constant 16 : index
      %swap3A_108 = tpu.vector_load %arg11[%swap3A_106, %swap3A_107] {strides = array<i32>} : memref<64x64xf32, #tpu.memory_space<vmem>>, vector<1x16xf32>,
      %swap3A_109 = vector.shape_cast %swap3A_108 : vector<1x16xf32> to vector<16xf32>
      %swap3A_110 = vector.shape_cast %broadcast_in_dim3A_105 : vector<16xf32> to vector<1x16xf32>
      tpu.vector_store %arg11[%swap3A_106, %swap3A_107], %swap3A_110 {strides = array<i32>} : memref<64x64xf32, #tpu.memory_space<vmem>>, vector<1x16xf32>,
      %broadcast_in_dim3A_111 = arith.constant 0.000000e+00 : f32
      %broadcast_in_dim3A_112 = vector.broadcast %broadcast_in_dim3A_111 : f32 to vector<16xf32>
      %swap3A_113 = arith.index_cast %add3A_98 : i32 to index
      %swap3A_114 = arith.constant 32 : index
      %swap3A_115 = tpu.vector_load %arg11[%swap3A_113, %swap3A_114] {strides = array<i32>} : memref<64x64xf32, #tpu.memory_space<vmem>>, vector<1x16xf32>,
      %swap3A_116 = vector.shape_cast %swap3A_115 : vector<1x16xf32> to vector<16xf32>
      %swap3A_117 = vector.shape_cast %broadcast_in_dim3A_112 : vector<16xf32> to vector<1x16xf32>
      tpu.vector_store %arg11[%swap3A_113, %swap3A_114], %swap3A_117 {strides = array<i32>} : memref<64x64xf32, #tpu.memory_space<vmem>>, vector<1x16xf32>,
      %broadcast_in_dim3A_118 = arith.constant 0.000000e+00 : f32
      %broadcast_in_dim3A_119 = vector.broadcast %broadcast_in_dim3A_118 : f32 to vector<16xf32>
      %swap3A_120 = arith.index_cast %add3A_98 : i32 to index
      %swap3A_121 = arith.constant 48 : index
      %swap3A_122 = tpu.vector_load %arg11[%swap3A_120, %swap3A_121] {strides = array<i32>} : memref<64x64xf32, #tpu.memory_space<vmem>>, vector<1x16xf32>,
      %swap3A_123 = vector.shape_cast %swap3A_122 : vector<1x16xf32> to vector<16xf32>
      %swap3A_124 = vector.shape_cast %broadcast_in_dim3A_119 : vector<16xf32> to vector<1x16xf32>
      tpu.vector_store %arg11[%swap3A_120, %swap3A_121], %swap3A_124 {strides = array<i32>} : memref<64x64xf32, #tpu.memory_space<vmem>>, vector<1x16xf32>,
    }
    %scan3A_6 = arith.constant 64 : i32
    %scan3A_7 = arith.constant 0 : i32
    %scan3A_8 = arith.constant 64 : i32
    %scan3A_9 = arith.addi %scan3A_7, %scan3A_8 : i32
    %scan3A_10 = arith.constant 1 : i32
    scf.for %scan3A_94 = %scan3A_7 to %scan3A_9 step %scan3A_10  : i32 {
      %mul3A_95 = arith.constant 1 : i32
      %mul3A_96 = arith.muli %scan3A_94, %mul3A_95 : i32
      %add3A_97 = arith.constant 0 : i32
      %add3A_98 = arith.addi %add3A_97, %mul3A_96 : i32
      %broadcast_in_dim3A = arith.constant 0.000000e+00 : f32
      %broadcast_in_dim3A_99 = vector.broadcast %broadcast_in_dim3A : f32 to vector<16xf32>
      %swap3A = arith.index_cast %add3A_98 : i32 to index
      %swap3A_100 = arith.constant 0 : index
      %swap3A_101 = tpu.vector_load %arg12[%swap3A, %swap3A_100] {strides = array<i32>} : memref<64x16xf32, #tpu.memory_space<vmem>>, vector<1x16xf32>,
      %swap3A_102 = vector.shape_cast %swap3A_101 : vector<1x16xf32> to vector<16xf32>
      %swap3A_103 = vector.shape_cast %broadcast_in_dim3A_99 : vector<16xf32> to vector<1x16xf32>
      tpu.vector_store %arg12[%swap3A, %swap3A_100], %swap3A_103 {strides = array<i32>} : memref<64x16xf32, #tpu.memory_space<vmem>>, vector<1x16xf32>,
    }
    %scan3A_11 = arith.constant 64 : i32
    %scan3A_12 = arith.constant 0 : i32
    %scan3A_13 = arith.constant 128 : i32
    %scan3A_14 = arith.addi %scan3A_12, %scan3A_13 : i32
    %scan3A_15 = arith.constant 1 : i32
    scf.for %scan3A_94 = %scan3A_12 to %scan3A_14 step %scan3A_15  : i32 {
      %mul3A_95 = arith.constant 1 : i32
      %mul3A_96 = arith.muli %scan3A_94, %mul3A_95 : i32
      %add3A_97 = arith.constant 0 : i32
      %add3A_98 = arith.addi %add3A_97, %mul3A_96 : i32
      %broadcast_in_dim3A = arith.constant 1.000000e+00 : f32
      %broadcast_in_dim3A_99 = vector.broadcast %broadcast_in_dim3A : f32 to vector<16xf32>
      %swap3A = arith.index_cast %add3A_98 : i32 to index
      %swap3A_100 = arith.constant 0 : index
      %swap3A_101 = tpu.vector_load %arg13[%swap3A, %swap3A_100] {strides = array<i32>} : memref<128x16xf32, #tpu.memory_space<vmem>>, vector<1x16xf32>,
      %swap3A_102 = vector.shape_cast %swap3A_101 : vector<1x16xf32> to vector<16xf32>
      %swap3A_103 = vector.shape_cast %broadcast_in_dim3A_99 : vector<16xf32> to vector<1x16xf32>
      tpu.vector_store %arg13[%swap3A, %swap3A_100], %swap3A_103 {strides = array<i32>} : memref<128x16xf32, #tpu.memory_space<vmem>>, vector<1x16xf32>,
    }
    %scan3A_16 = arith.constant 128 : i32
    %add3A_17 = arith.constant 0 : i32
    %add3A_18 = arith.addi %mul3A_2, %add3A_17 : i32
    "tpu.region"() ({
      %run_scoped3A = tpu.sem_alloc : memref<!tpu.dma_semaphore, #tpu.memory_space<semaphore_mem>>
      %dma_start3A_94 = arith.constant 0 : i32
      %dma_start3A_95 = tpu.memref_slice %arg14[%add3A_18, %dma_start3A_94] : memref<10112x64xf32, #tpu.memory_space<vmem_shared>> -> memref<64x64xf32, #tpu.memory_space<vmem_shared>>
      %dma_start3A_96 = arith.constant 0 : i32
      %dma_start3A_97 = tpu.memref_slice %arg14[%add3A_18, %dma_start3A_96] : memref<10112x64xf32, #tpu.memory_space<vmem_shared>> -> memref<64x64xf32, #tpu.memory_space<vmem_shared>>
      tpu.enqueue_dma source(%arg11 : memref<64x64xf32, #tpu.memory_space<vmem>>) target(%dma_start3A_97 : memref<64x64xf32, #tpu.memory_space<vmem_shared>>) target_semaphore(%run_scoped3A : memref<!tpu.dma_semaphore, #tpu.memory_space<semaphore_mem>>)
      %dma_wait3A_98 = arith.constant 0 : i32
      %dma_wait3A_99 = tpu.memref_slice %arg14[%add3A_18, %dma_wait3A_98] : memref<10112x64xf32, #tpu.memory_space<vmem_shared>> -> memref<64x64xf32, #tpu.memory_space<vmem_shared>>
      %dma_wait3A_100 = arith.constant 0 : i32
      %dma_wait3A_101 = tpu.memref_slice %arg14[%add3A_18, %dma_wait3A_100] : memref<10112x64xf32, #tpu.memory_space<vmem_shared>> -> memref<64x64xf32, #tpu.memory_space<vmem_shared>>
      tpu.wait_dma2 semaphore(%run_scoped3A : memref<!tpu.dma_semaphore, #tpu.memory_space<semaphore_mem>>) src(%arg11 : memref<64x64xf32, #tpu.memory_space<vmem>>) dst(%dma_wait3A_101 : memref<64x64xf32, #tpu.memory_space<vmem_shared>>)
      tpu.yield
    }) : () -> ()
    %add3A_19 = arith.constant 64 : i32
    %add3A_20 = arith.addi %mul3A_2, %add3A_19 : i32
    "tpu.region"() ({
      %run_scoped3A = tpu.sem_alloc : memref<!tpu.dma_semaphore, #tpu.memory_space<semaphore_mem>>
      %dma_start3A_94 = arith.constant 0 : i32
      %dma_start3A_95 = tpu.memref_slice %arg14[%add3A_20, %dma_start3A_94] : memref<10112x64xf32, #tpu.memory_space<vmem_shared>> -> memref<64x64xf32, #tpu.memory_space<vmem_shared>>
      %dma_start3A_96 = arith.constant 0 : i32
      %dma_start3A_97 = tpu.memref_slice %arg14[%add3A_20, %dma_start3A_96] : memref<10112x64xf32, #tpu.memory_space<vmem_shared>> -> memref<64x64xf32, #tpu.memory_space<vmem_shared>>
      tpu.enqueue_dma source(%arg11 : memref<64x64xf32, #tpu.memory_space<vmem>>) target(%dma_start3A_97 : memref<64x64xf32, #tpu.memory_space<vmem_shared>>) target_semaphore(%run_scoped3A : memref<!tpu.dma_semaphore, #tpu.memory_space<semaphore_mem>>)
      %dma_wait3A_98 = arith.constant 0 : i32
      %dma_wait3A_99 = tpu.memref_slice %arg14[%add3A_20, %dma_wait3A_98] : memref<10112x64xf32, #tpu.memory_space<vmem_shared>> -> memref<64x64xf32, #tpu.memory_space<vmem_shared>>
      %dma_wait3A_100 = arith.constant 0 : i32
      %dma_wait3A_101 = tpu.memref_slice %arg14[%add3A_20, %dma_wait3A_100] : memref<10112x64xf32, #tpu.memory_space<vmem_shared>> -> memref<64x64xf32, #tpu.memory_space<vmem_shared>>
      tpu.wait_dma2 semaphore(%run_scoped3A : memref<!tpu.dma_semaphore, #tpu.memory_space<semaphore_mem>>) src(%arg11 : memref<64x64xf32, #tpu.memory_space<vmem>>) dst(%dma_wait3A_101 : memref<64x64xf32, #tpu.memory_space<vmem_shared>>)
      tpu.yield
    }) : () -> ()
    %add3A_21 = arith.constant 128 : i32
    %add3A_22 = arith.addi %mul3A_2, %add3A_21 : i32
    "tpu.region"() ({
      %run_scoped3A = tpu.sem_alloc : memref<!tpu.dma_semaphore, #tpu.memory_space<semaphore_mem>>
      %dma_start3A_94 = arith.constant 0 : i32
      %dma_start3A_95 = tpu.memref_slice %arg14[%add3A_22, %dma_start3A_94] : memref<10112x64xf32, #tpu.memory_space<vmem_shared>> -> memref<64x64xf32, #tpu.memory_space<vmem_shared>>
      %dma_start3A_96 = arith.constant 0 : i32
      %dma_start3A_97 = tpu.memref_slice %arg14[%add3A_22, %dma_start3A_96] : memref<10112x64xf32, #tpu.memory_space<vmem_shared>> -> memref<64x64xf32, #tpu.memory_space<vmem_shared>>
      tpu.enqueue_dma source(%arg11 : memref<64x64xf32, #tpu.memory_space<vmem>>) target(%dma_start3A_97 : memref<64x64xf32, #tpu.memory_space<vmem_shared>>) target_semaphore(%run_scoped3A : memref<!tpu.dma_semaphore, #tpu.memory_space<semaphore_mem>>)
      %dma_wait3A_98 = arith.constant 0 : i32
      %dma_wait3A_99 = tpu.memref_slice %arg14[%add3A_22, %dma_wait3A_98] : memref<10112x64xf32, #tpu.memory_space<vmem_shared>> -> memref<64x64xf32, #tpu.memory_space<vmem_shared>>
      %dma_wait3A_100 = arith.constant 0 : i32
      %dma_wait3A_101 = tpu.memref_slice %arg14[%add3A_22, %dma_wait3A_100] : memref<10112x64xf32, #tpu.memory_space<vmem_shared>> -> memref<64x64xf32, #tpu.memory_space<vmem_shared>>
      tpu.wait_dma2 semaphore(%run_scoped3A : memref<!tpu.dma_semaphore, #tpu.memory_space<semaphore_mem>>) src(%arg11 : memref<64x64xf32, #tpu.memory_space<vmem>>) dst(%dma_wait3A_101 : memref<64x64xf32, #tpu.memory_space<vmem_shared>>)
      tpu.yield
    }) : () -> ()
    %add3A_23 = arith.constant 192 : i32
    %add3A_24 = arith.addi %mul3A_2, %add3A_23 : i32
    "tpu.region"() ({
      %run_scoped3A = tpu.sem_alloc : memref<!tpu.dma_semaphore, #tpu.memory_space<semaphore_mem>>
      %dma_start3A_94 = arith.constant 0 : i32
      %dma_start3A_95 = tpu.memref_slice %arg14[%add3A_24, %dma_start3A_94] : memref<10112x64xf32, #tpu.memory_space<vmem_shared>> -> memref<64x64xf32, #tpu.memory_space<vmem_shared>>
      %dma_start3A_96 = arith.constant 0 : i32
      %dma_start3A_97 = tpu.memref_slice %arg14[%add3A_24, %dma_start3A_96] : memref<10112x64xf32, #tpu.memory_space<vmem_shared>> -> memref<64x64xf32, #tpu.memory_space<vmem_shared>>
      tpu.enqueue_dma source(%arg11 : memref<64x64xf32, #tpu.memory_space<vmem>>) target(%dma_start3A_97 : memref<64x64xf32, #tpu.memory_space<vmem_shared>>) target_semaphore(%run_scoped3A : memref<!tpu.dma_semaphore, #tpu.memory_space<semaphore_mem>>)
      %dma_wait3A_98 = arith.constant 0 : i32
      %dma_wait3A_99 = tpu.memref_slice %arg14[%add3A_24, %dma_wait3A_98] : memref<10112x64xf32, #tpu.memory_space<vmem_shared>> -> memref<64x64xf32, #tpu.memory_space<vmem_shared>>
      %dma_wait3A_100 = arith.constant 0 : i32
      %dma_wait3A_101 = tpu.memref_slice %arg14[%add3A_24, %dma_wait3A_100] : memref<10112x64xf32, #tpu.memory_space<vmem_shared>> -> memref<64x64xf32, #tpu.memory_space<vmem_shared>>
      tpu.wait_dma2 semaphore(%run_scoped3A : memref<!tpu.dma_semaphore, #tpu.memory_space<semaphore_mem>>) src(%arg11 : memref<64x64xf32, #tpu.memory_space<vmem>>) dst(%dma_wait3A_101 : memref<64x64xf32, #tpu.memory_space<vmem_shared>>)
      tpu.yield
    }) : () -> ()
    %add3A_25 = arith.constant 256 : i32
    %add3A_26 = arith.addi %mul3A_2, %add3A_25 : i32
    "tpu.region"() ({
      %run_scoped3A = tpu.sem_alloc : memref<!tpu.dma_semaphore, #tpu.memory_space<semaphore_mem>>
      %dma_start3A_94 = arith.constant 0 : i32
      %dma_start3A_95 = tpu.memref_slice %arg14[%add3A_26, %dma_start3A_94] : memref<10112x64xf32, #tpu.memory_space<vmem_shared>> -> memref<64x64xf32, #tpu.memory_space<vmem_shared>>
      %dma_start3A_96 = arith.constant 0 : i32
      %dma_start3A_97 = tpu.memref_slice %arg14[%add3A_26, %dma_start3A_96] : memref<10112x64xf32, #tpu.memory_space<vmem_shared>> -> memref<64x64xf32, #tpu.memory_space<vmem_shared>>
      tpu.enqueue_dma source(%arg11 : memref<64x64xf32, #tpu.memory_space<vmem>>) target(%dma_start3A_97 : memref<64x64xf32, #tpu.memory_space<vmem_shared>>) target_semaphore(%run_scoped3A : memref<!tpu.dma_semaphore, #tpu.memory_space<semaphore_mem>>)
      %dma_wait3A_98 = arith.constant 0 : i32
      %dma_wait3A_99 = tpu.memref_slice %arg14[%add3A_26, %dma_wait3A_98] : memref<10112x64xf32, #tpu.memory_space<vmem_shared>> -> memref<64x64xf32, #tpu.memory_space<vmem_shared>>
      %dma_wait3A_100 = arith.constant 0 : i32
      %dma_wait3A_101 = tpu.memref_slice %arg14[%add3A_26, %dma_wait3A_100] : memref<10112x64xf32, #tpu.memory_space<vmem_shared>> -> memref<64x64xf32, #tpu.memory_space<vmem_shared>>
      tpu.wait_dma2 semaphore(%run_scoped3A : memref<!tpu.dma_semaphore, #tpu.memory_space<semaphore_mem>>) src(%arg11 : memref<64x64xf32, #tpu.memory_space<vmem>>) dst(%dma_wait3A_101 : memref<64x64xf32, #tpu.memory_space<vmem_shared>>)
      tpu.yield
    }) : () -> ()
    %add3A_27 = arith.constant 320 : i32
    %add3A_28 = arith.addi %mul3A_2, %add3A_27 : i32
    "tpu.region"() ({
      %run_scoped3A = tpu.sem_alloc : memref<!tpu.dma_semaphore, #tpu.memory_space<semaphore_mem>>
      %dma_start3A_94 = arith.constant 0 : i32
      %dma_start3A_95 = tpu.memref_slice %arg14[%add3A_28, %dma_start3A_94] : memref<10112x64xf32, #tpu.memory_space<vmem_shared>> -> memref<64x64xf32, #tpu.memory_space<vmem_shared>>
      %dma_start3A_96 = arith.constant 0 : i32
      %dma_start3A_97 = tpu.memref_slice %arg14[%add3A_28, %dma_start3A_96] : memref<10112x64xf32, #tpu.memory_space<vmem_shared>> -> memref<64x64xf32, #tpu.memory_space<vmem_shared>>
      tpu.enqueue_dma source(%arg11 : memref<64x64xf32, #tpu.memory_space<vmem>>) target(%dma_start3A_97 : memref<64x64xf32, #tpu.memory_space<vmem_shared>>) target_semaphore(%run_scoped3A : memref<!tpu.dma_semaphore, #tpu.memory_space<semaphore_mem>>)
      %dma_wait3A_98 = arith.constant 0 : i32
      %dma_wait3A_99 = tpu.memref_slice %arg14[%add3A_28, %dma_wait3A_98] : memref<10112x64xf32, #tpu.memory_space<vmem_shared>> -> memref<64x64xf32, #tpu.memory_space<vmem_shared>>
      %dma_wait3A_100 = arith.constant 0 : i32
      %dma_wait3A_101 = tpu.memref_slice %arg14[%add3A_28, %dma_wait3A_100] : memref<10112x64xf32, #tpu.memory_space<vmem_shared>> -> memref<64x64xf32, #tpu.memory_space<vmem_shared>>
      tpu.wait_dma2 semaphore(%run_scoped3A : memref<!tpu.dma_semaphore, #tpu.memory_space<semaphore_mem>>) src(%arg11 : memref<64x64xf32, #tpu.memory_space<vmem>>) dst(%dma_wait3A_101 : memref<64x64xf32, #tpu.memory_space<vmem_shared>>)
      tpu.yield
    }) : () -> ()
    %add3A_29 = arith.constant 384 : i32
    %add3A_30 = arith.addi %mul3A_2, %add3A_29 : i32
    "tpu.region"() ({
      %run_scoped3A = tpu.sem_alloc : memref<!tpu.dma_semaphore, #tpu.memory_space<semaphore_mem>>
      %dma_start3A_94 = arith.constant 0 : i32
      %dma_start3A_95 = tpu.memref_slice %arg14[%add3A_30, %dma_start3A_94] : memref<10112x64xf32, #tpu.memory_space<vmem_shared>> -> memref<64x64xf32, #tpu.memory_space<vmem_shared>>
      %dma_start3A_96 = arith.constant 0 : i32
      %dma_start3A_97 = tpu.memref_slice %arg14[%add3A_30, %dma_start3A_96] : memref<10112x64xf32, #tpu.memory_space<vmem_shared>> -> memref<64x64xf32, #tpu.memory_space<vmem_shared>>
      tpu.enqueue_dma source(%arg11 : memref<64x64xf32, #tpu.memory_space<vmem>>) target(%dma_start3A_97 : memref<64x64xf32, #tpu.memory_space<vmem_shared>>) target_semaphore(%run_scoped3A : memref<!tpu.dma_semaphore, #tpu.memory_space<semaphore_mem>>)
      %dma_wait3A_98 = arith.constant 0 : i32
      %dma_wait3A_99 = tpu.memref_slice %arg14[%add3A_30, %dma_wait3A_98] : memref<10112x64xf32, #tpu.memory_space<vmem_shared>> -> memref<64x64xf32, #tpu.memory_space<vmem_shared>>
      %dma_wait3A_100 = arith.constant 0 : i32
      %dma_wait3A_101 = tpu.memref_slice %arg14[%add3A_30, %dma_wait3A_100] : memref<10112x64xf32, #tpu.memory_space<vmem_shared>> -> memref<64x64xf32, #tpu.memory_space<vmem_shared>>
      tpu.wait_dma2 semaphore(%run_scoped3A : memref<!tpu.dma_semaphore, #tpu.memory_space<semaphore_mem>>) src(%arg11 : memref<64x64xf32, #tpu.memory_space<vmem>>) dst(%dma_wait3A_101 : memref<64x64xf32, #tpu.memory_space<vmem_shared>>)
      tpu.yield
    }) : () -> ()
    %add3A_31 = arith.constant 448 : i32
    %add3A_32 = arith.addi %mul3A_2, %add3A_31 : i32
    "tpu.region"() ({
      %run_scoped3A = tpu.sem_alloc : memref<!tpu.dma_semaphore, #tpu.memory_space<semaphore_mem>>
      %dma_start3A_94 = arith.constant 0 : i32
      %dma_start3A_95 = tpu.memref_slice %arg14[%add3A_32, %dma_start3A_94] : memref<10112x64xf32, #tpu.memory_space<vmem_shared>> -> memref<64x64xf32, #tpu.memory_space<vmem_shared>>
      %dma_start3A_96 = arith.constant 0 : i32
      %dma_start3A_97 = tpu.memref_slice %arg14[%add3A_32, %dma_start3A_96] : memref<10112x64xf32, #tpu.memory_space<vmem_shared>> -> memref<64x64xf32, #tpu.memory_space<vmem_shared>>
      tpu.enqueue_dma source(%arg11 : memref<64x64xf32, #tpu.memory_space<vmem>>) target(%dma_start3A_97 : memref<64x64xf32, #tpu.memory_space<vmem_shared>>) target_semaphore(%run_scoped3A : memref<!tpu.dma_semaphore, #tpu.memory_space<semaphore_mem>>)
      %dma_wait3A_98 = arith.constant 0 : i32
      %dma_wait3A_99 = tpu.memref_slice %arg14[%add3A_32, %dma_wait3A_98] : memref<10112x64xf32, #tpu.memory_space<vmem_shared>> -> memref<64x64xf32, #tpu.memory_space<vmem_shared>>
      %dma_wait3A_100 = arith.constant 0 : i32
      %dma_wait3A_101 = tpu.memref_slice %arg14[%add3A_32, %dma_wait3A_100] : memref<10112x64xf32, #tpu.memory_space<vmem_shared>> -> memref<64x64xf32, #tpu.memory_space<vmem_shared>>
      tpu.wait_dma2 semaphore(%run_scoped3A : memref<!tpu.dma_semaphore, #tpu.memory_space<semaphore_mem>>) src(%arg11 : memref<64x64xf32, #tpu.memory_space<vmem>>) dst(%dma_wait3A_101 : memref<64x64xf32, #tpu.memory_space<vmem_shared>>)
      tpu.yield
    }) : () -> ()
    %add3A_33 = arith.constant 512 : i32
    %add3A_34 = arith.addi %mul3A_2, %add3A_33 : i32
    "tpu.region"() ({
      %run_scoped3A = tpu.sem_alloc : memref<!tpu.dma_semaphore, #tpu.memory_space<semaphore_mem>>
      %dma_start3A_94 = arith.constant 0 : i32
      %dma_start3A_95 = tpu.memref_slice %arg14[%add3A_34, %dma_start3A_94] : memref<10112x64xf32, #tpu.memory_space<vmem_shared>> -> memref<64x64xf32, #tpu.memory_space<vmem_shared>>
      %dma_start3A_96 = arith.constant 0 : i32
      %dma_start3A_97 = tpu.memref_slice %arg14[%add3A_34, %dma_start3A_96] : memref<10112x64xf32, #tpu.memory_space<vmem_shared>> -> memref<64x64xf32, #tpu.memory_space<vmem_shared>>
      tpu.enqueue_dma source(%arg11 : memref<64x64xf32, #tpu.memory_space<vmem>>) target(%dma_start3A_97 : memref<64x64xf32, #tpu.memory_space<vmem_shared>>) target_semaphore(%run_scoped3A : memref<!tpu.dma_semaphore, #tpu.memory_space<semaphore_mem>>)
      %dma_wait3A_98 = arith.constant 0 : i32
      %dma_wait3A_99 = tpu.memref_slice %arg14[%add3A_34, %dma_wait3A_98] : memref<10112x64xf32, #tpu.memory_space<vmem_shared>> -> memref<64x64xf32, #tpu.memory_space<vmem_shared>>
      %dma_wait3A_100 = arith.constant 0 : i32
      %dma_wait3A_101 = tpu.memref_slice %arg14[%add3A_34, %dma_wait3A_100] : memref<10112x64xf32, #tpu.memory_space<vmem_shared>> -> memref<64x64xf32, #tpu.memory_space<vmem_shared>>
      tpu.wait_dma2 semaphore(%run_scoped3A : memref<!tpu.dma_semaphore, #tpu.memory_space<semaphore_mem>>) src(%arg11 : memref<64x64xf32, #tpu.memory_space<vmem>>) dst(%dma_wait3A_101 : memref<64x64xf32, #tpu.memory_space<vmem_shared>>)
      tpu.yield
    }) : () -> ()
    %add3A_35 = arith.constant 576 : i32
    %add3A_36 = arith.addi %mul3A_2, %add3A_35 : i32
    "tpu.region"() ({
      %run_scoped3A = tpu.sem_alloc : memref<!tpu.dma_semaphore, #tpu.memory_space<semaphore_mem>>
      %dma_start3A_94 = arith.constant 0 : i32
      %dma_start3A_95 = arith.constant 0 : i32
      %dma_start3A_96 = tpu.memref_slice %arg11[%dma_start3A_94, %dma_start3A_95] : memref<64x64xf32, #tpu.memory_space<vmem>> -> memref<56x64xf32, #tpu.memory_space<vmem>>
      %dma_start3A_97 = arith.constant 0 : i32
      %dma_start3A_98 = tpu.memref_slice %arg14[%add3A_36, %dma_start3A_97] : memref<10112x64xf32, #tpu.memory_space<vmem_shared>> -> memref<56x64xf32, #tpu.memory_space<vmem_shared>>
      %dma_start3A_99 = arith.constant 0 : i32
      %dma_start3A_100 = tpu.memref_slice %arg14[%add3A_36, %dma_start3A_99] : memref<10112x64xf32, #tpu.memory_space<vmem_shared>> -> memref<56x64xf32, #tpu.memory_space<vmem_shared>>
      %dma_start3A_101 = arith.constant 0 : i32
      %dma_start3A_102 = arith.constant 0 : i32
      %dma_start3A_103 = tpu.memref_slice %arg11[%dma_start3A_101, %dma_start3A_102] : memref<64x64xf32, #tpu.memory_space<vmem>> -> memref<56x64xf32, #tpu.memory_space<vmem>>
      tpu.enqueue_dma source(%dma_start3A_103 : memref<56x64xf32, #tpu.memory_space<vmem>>) target(%dma_start3A_100 : memref<56x64xf32, #tpu.memory_space<vmem_shared>>) target_semaphore(%run_scoped3A : memref<!tpu.dma_semaphore, #tpu.memory_space<semaphore_mem>>)
      %dma_wait3A_104 = arith.constant 0 : i32
      %dma_wait3A_105 = arith.constant 0 : i32
      %dma_wait3A_106 = tpu.memref_slice %arg11[%dma_wait3A_104, %dma_wait3A_105] : memref<64x64xf32, #tpu.memory_space<vmem>> -> memref<56x64xf32, #tpu.memory_space<vmem>>
      %dma_wait3A_107 = arith.constant 0 : i32
      %dma_wait3A_108 = tpu.memref_slice %arg14[%add3A_36, %dma_wait3A_107] : memref<10112x64xf32, #tpu.memory_space<vmem_shared>> -> memref<56x64xf32, #tpu.memory_space<vmem_shared>>
      %dma_wait3A_109 = arith.constant 0 : i32
      %dma_wait3A_110 = tpu.memref_slice %arg14[%add3A_36, %dma_wait3A_109] : memref<10112x64xf32, #tpu.memory_space<vmem_shared>> -> memref<56x64xf32, #tpu.memory_space<vmem_shared>>
      %dma_wait3A_111 = arith.constant 0 : i32
      %dma_wait3A_112 = arith.constant 0 : i32
      %dma_wait3A_113 = tpu.memref_slice %arg11[%dma_wait3A_111, %dma_wait3A_112] : memref<64x64xf32, #tpu.memory_space<vmem>> -> memref<56x64xf32, #tpu.memory_space<vmem>>
      tpu.wait_dma2 semaphore(%run_scoped3A : memref<!tpu.dma_semaphore, #tpu.memory_space<semaphore_mem>>) src(%dma_wait3A_113 : memref<56x64xf32, #tpu.memory_space<vmem>>) dst(%dma_wait3A_110 : memref<56x64xf32, #tpu.memory_space<vmem_shared>>)
      tpu.yield
    }) : () -> ()
    %add3A_37 = arith.constant 0 : i32
    %add3A_38 = arith.addi %mul3A_2, %add3A_37 : i32
    "tpu.region"() ({
      %run_scoped3A = tpu.sem_alloc : memref<!tpu.dma_semaphore, #tpu.memory_space<semaphore_mem>>
      %dma_start3A_94 = arith.constant 0 : i32
      %dma_start3A_95 = tpu.memref_slice %arg15[%add3A_38, %dma_start3A_94] : memref<10112x16xf32, #tpu.memory_space<vmem_shared>> -> memref<64x16xf32, #tpu.memory_space<vmem_shared>>
      %dma_start3A_96 = arith.constant 0 : i32
      %dma_start3A_97 = tpu.memref_slice %arg15[%add3A_38, %dma_start3A_96] : memref<10112x16xf32, #tpu.memory_space<vmem_shared>> -> memref<64x16xf32, #tpu.memory_space<vmem_shared>>
      tpu.enqueue_dma source(%arg12 : memref<64x16xf32, #tpu.memory_space<vmem>>) target(%dma_start3A_97 : memref<64x16xf32, #tpu.memory_space<vmem_shared>>) target_semaphore(%run_scoped3A : memref<!tpu.dma_semaphore, #tpu.memory_space<semaphore_mem>>)
      %dma_wait3A_98 = arith.constant 0 : i32
      %dma_wait3A_99 = tpu.memref_slice %arg15[%add3A_38, %dma_wait3A_98] : memref<10112x16xf32, #tpu.memory_space<vmem_shared>> -> memref<64x16xf32, #tpu.memory_space<vmem_shared>>
      %dma_wait3A_100 = arith.constant 0 : i32
      %dma_wait3A_101 = tpu.memref_slice %arg15[%add3A_38, %dma_wait3A_100] : memref<10112x16xf32, #tpu.memory_space<vmem_shared>> -> memref<64x16xf32, #tpu.memory_space<vmem_shared>>
      tpu.wait_dma2 semaphore(%run_scoped3A : memref<!tpu.dma_semaphore, #tpu.memory_space<semaphore_mem>>) src(%arg12 : memref<64x16xf32, #tpu.memory_space<vmem>>) dst(%dma_wait3A_101 : memref<64x16xf32, #tpu.memory_space<vmem_shared>>)
      tpu.yield
    }) : () -> ()
    %add3A_39 = arith.constant 64 : i32
    %add3A_40 = arith.addi %mul3A_2, %add3A_39 : i32
    "tpu.region"() ({
      %run_scoped3A = tpu.sem_alloc : memref<!tpu.dma_semaphore, #tpu.memory_space<semaphore_mem>>
      %dma_start3A_94 = arith.constant 0 : i32
      %dma_start3A_95 = tpu.memref_slice %arg15[%add3A_40, %dma_start3A_94] : memref<10112x16xf32, #tpu.memory_space<vmem_shared>> -> memref<64x16xf32, #tpu.memory_space<vmem_shared>>
      %dma_start3A_96 = arith.constant 0 : i32
      %dma_start3A_97 = tpu.memref_slice %arg15[%add3A_40, %dma_start3A_96] : memref<10112x16xf32, #tpu.memory_space<vmem_shared>> -> memref<64x16xf32, #tpu.memory_space<vmem_shared>>
      tpu.enqueue_dma source(%arg12 : memref<64x16xf32, #tpu.memory_space<vmem>>) target(%dma_start3A_97 : memref<64x16xf32, #tpu.memory_space<vmem_shared>>) target_semaphore(%run_scoped3A : memref<!tpu.dma_semaphore, #tpu.memory_space<semaphore_mem>>)
      %dma_wait3A_98 = arith.constant 0 : i32
      %dma_wait3A_99 = tpu.memref_slice %arg15[%add3A_40, %dma_wait3A_98] : memref<10112x16xf32, #tpu.memory_space<vmem_shared>> -> memref<64x16xf32, #tpu.memory_space<vmem_shared>>
      %dma_wait3A_100 = arith.constant 0 : i32
      %dma_wait3A_101 = tpu.memref_slice %arg15[%add3A_40, %dma_wait3A_100] : memref<10112x16xf32, #tpu.memory_space<vmem_shared>> -> memref<64x16xf32, #tpu.memory_space<vmem_shared>>
      tpu.wait_dma2 semaphore(%run_scoped3A : memref<!tpu.dma_semaphore, #tpu.memory_space<semaphore_mem>>) src(%arg12 : memref<64x16xf32, #tpu.memory_space<vmem>>) dst(%dma_wait3A_101 : memref<64x16xf32, #tpu.memory_space<vmem_shared>>)
      tpu.yield
    }) : () -> ()
    %add3A_41 = arith.constant 128 : i32
    %add3A_42 = arith.addi %mul3A_2, %add3A_41 : i32
    "tpu.region"() ({
      %run_scoped3A = tpu.sem_alloc : memref<!tpu.dma_semaphore, #tpu.memory_space<semaphore_mem>>
      %dma_start3A_94 = arith.constant 0 : i32
      %dma_start3A_95 = tpu.memref_slice %arg15[%add3A_42, %dma_start3A_94] : memref<10112x16xf32, #tpu.memory_space<vmem_shared>> -> memref<64x16xf32, #tpu.memory_space<vmem_shared>>
      %dma_start3A_96 = arith.constant 0 : i32
      %dma_start3A_97 = tpu.memref_slice %arg15[%add3A_42, %dma_start3A_96] : memref<10112x16xf32, #tpu.memory_space<vmem_shared>> -> memref<64x16xf32, #tpu.memory_space<vmem_shared>>
      tpu.enqueue_dma source(%arg12 : memref<64x16xf32, #tpu.memory_space<vmem>>) target(%dma_start3A_97 : memref<64x16xf32, #tpu.memory_space<vmem_shared>>) target_semaphore(%run_scoped3A : memref<!tpu.dma_semaphore, #tpu.memory_space<semaphore_mem>>)
      %dma_wait3A_98 = arith.constant 0 : i32
      %dma_wait3A_99 = tpu.memref_slice %arg15[%add3A_42, %dma_wait3A_98] : memref<10112x16xf32, #tpu.memory_space<vmem_shared>> -> memref<64x16xf32, #tpu.memory_space<vmem_shared>>
      %dma_wait3A_100 = arith.constant 0 : i32
      %dma_wait3A_101 = tpu.memref_slice %arg15[%add3A_42, %dma_wait3A_100] : memref<10112x16xf32, #tpu.memory_space<vmem_shared>> -> memref<64x16xf32, #tpu.memory_space<vmem_shared>>
      tpu.wait_dma2 semaphore(%run_scoped3A : memref<!tpu.dma_semaphore, #tpu.memory_space<semaphore_mem>>) src(%arg12 : memref<64x16xf32, #tpu.memory_space<vmem>>) dst(%dma_wait3A_101 : memref<64x16xf32, #tpu.memory_space<vmem_shared>>)
      tpu.yield
    }) : () -> ()
    %add3A_43 = arith.constant 192 : i32
    %add3A_44 = arith.addi %mul3A_2, %add3A_43 : i32
    "tpu.region"() ({
      %run_scoped3A = tpu.sem_alloc : memref<!tpu.dma_semaphore, #tpu.memory_space<semaphore_mem>>
      %dma_start3A_94 = arith.constant 0 : i32
      %dma_start3A_95 = tpu.memref_slice %arg15[%add3A_44, %dma_start3A_94] : memref<10112x16xf32, #tpu.memory_space<vmem_shared>> -> memref<64x16xf32, #tpu.memory_space<vmem_shared>>
      %dma_start3A_96 = arith.constant 0 : i32
      %dma_start3A_97 = tpu.memref_slice %arg15[%add3A_44, %dma_start3A_96] : memref<10112x16xf32, #tpu.memory_space<vmem_shared>> -> memref<64x16xf32, #tpu.memory_space<vmem_shared>>
      tpu.enqueue_dma source(%arg12 : memref<64x16xf32, #tpu.memory_space<vmem>>) target(%dma_start3A_97 : memref<64x16xf32, #tpu.memory_space<vmem_shared>>) target_semaphore(%run_scoped3A : memref<!tpu.dma_semaphore, #tpu.memory_space<semaphore_mem>>)
      %dma_wait3A_98 = arith.constant 0 : i32
      %dma_wait3A_99 = tpu.memref_slice %arg15[%add3A_44, %dma_wait3A_98] : memref<10112x16xf32, #tpu.memory_space<vmem_shared>> -> memref<64x16xf32, #tpu.memory_space<vmem_shared>>
      %dma_wait3A_100 = arith.constant 0 : i32
      %dma_wait3A_101 = tpu.memref_slice %arg15[%add3A_44, %dma_wait3A_100] : memref<10112x16xf32, #tpu.memory_space<vmem_shared>> -> memref<64x16xf32, #tpu.memory_space<vmem_shared>>
      tpu.wait_dma2 semaphore(%run_scoped3A : memref<!tpu.dma_semaphore, #tpu.memory_space<semaphore_mem>>) src(%arg12 : memref<64x16xf32, #tpu.memory_space<vmem>>) dst(%dma_wait3A_101 : memref<64x16xf32, #tpu.memory_space<vmem_shared>>)
      tpu.yield
    }) : () -> ()
    %add3A_45 = arith.constant 256 : i32
    %add3A_46 = arith.addi %mul3A_2, %add3A_45 : i32
    "tpu.region"() ({
      %run_scoped3A = tpu.sem_alloc : memref<!tpu.dma_semaphore, #tpu.memory_space<semaphore_mem>>
      %dma_start3A_94 = arith.constant 0 : i32
      %dma_start3A_95 = tpu.memref_slice %arg15[%add3A_46, %dma_start3A_94] : memref<10112x16xf32, #tpu.memory_space<vmem_shared>> -> memref<64x16xf32, #tpu.memory_space<vmem_shared>>
      %dma_start3A_96 = arith.constant 0 : i32
      %dma_start3A_97 = tpu.memref_slice %arg15[%add3A_46, %dma_start3A_96] : memref<10112x16xf32, #tpu.memory_space<vmem_shared>> -> memref<64x16xf32, #tpu.memory_space<vmem_shared>>
      tpu.enqueue_dma source(%arg12 : memref<64x16xf32, #tpu.memory_space<vmem>>) target(%dma_start3A_97 : memref<64x16xf32, #tpu.memory_space<vmem_shared>>) target_semaphore(%run_scoped3A : memref<!tpu.dma_semaphore, #tpu.memory_space<semaphore_mem>>)
      %dma_wait3A_98 = arith.constant 0 : i32
      %dma_wait3A_99 = tpu.memref_slice %arg15[%add3A_46, %dma_wait3A_98] : memref<10112x16xf32, #tpu.memory_space<vmem_shared>> -> memref<64x16xf32, #tpu.memory_space<vmem_shared>>
      %dma_wait3A_100 = arith.constant 0 : i32
      %dma_wait3A_101 = tpu.memref_slice %arg15[%add3A_46, %dma_wait3A_100] : memref<10112x16xf32, #tpu.memory_space<vmem_shared>> -> memref<64x16xf32, #tpu.memory_space<vmem_shared>>
      tpu.wait_dma2 semaphore(%run_scoped3A : memref<!tpu.dma_semaphore, #tpu.memory_space<semaphore_mem>>) src(%arg12 : memref<64x16xf32, #tpu.memory_space<vmem>>) dst(%dma_wait3A_101 : memref<64x16xf32, #tpu.memory_space<vmem_shared>>)
      tpu.yield
    }) : () -> ()
    %add3A_47 = arith.constant 320 : i32
    %add3A_48 = arith.addi %mul3A_2, %add3A_47 : i32
    "tpu.region"() ({
      %run_scoped3A = tpu.sem_alloc : memref<!tpu.dma_semaphore, #tpu.memory_space<semaphore_mem>>
      %dma_start3A_94 = arith.constant 0 : i32
      %dma_start3A_95 = tpu.memref_slice %arg15[%add3A_48, %dma_start3A_94] : memref<10112x16xf32, #tpu.memory_space<vmem_shared>> -> memref<64x16xf32, #tpu.memory_space<vmem_shared>>
      %dma_start3A_96 = arith.constant 0 : i32
      %dma_start3A_97 = tpu.memref_slice %arg15[%add3A_48, %dma_start3A_96] : memref<10112x16xf32, #tpu.memory_space<vmem_shared>> -> memref<64x16xf32, #tpu.memory_space<vmem_shared>>
      tpu.enqueue_dma source(%arg12 : memref<64x16xf32, #tpu.memory_space<vmem>>) target(%dma_start3A_97 : memref<64x16xf32, #tpu.memory_space<vmem_shared>>) target_semaphore(%run_scoped3A : memref<!tpu.dma_semaphore, #tpu.memory_space<semaphore_mem>>)
      %dma_wait3A_98 = arith.constant 0 : i32
      %dma_wait3A_99 = tpu.memref_slice %arg15[%add3A_48, %dma_wait3A_98] : memref<10112x16xf32, #tpu.memory_space<vmem_shared>> -> memref<64x16xf32, #tpu.memory_space<vmem_shared>>
      %dma_wait3A_100 = arith.constant 0 : i32
      %dma_wait3A_101 = tpu.memref_slice %arg15[%add3A_48, %dma_wait3A_100] : memref<10112x16xf32, #tpu.memory_space<vmem_shared>> -> memref<64x16xf32, #tpu.memory_space<vmem_shared>>
      tpu.wait_dma2 semaphore(%run_scoped3A : memref<!tpu.dma_semaphore, #tpu.memory_space<semaphore_mem>>) src(%arg12 : memref<64x16xf32, #tpu.memory_space<vmem>>) dst(%dma_wait3A_101 : memref<64x16xf32, #tpu.memory_space<vmem_shared>>)
      tpu.yield
    }) : () -> ()
    %add3A_49 = arith.constant 384 : i32
    %add3A_50 = arith.addi %mul3A_2, %add3A_49 : i32
    "tpu.region"() ({
      %run_scoped3A = tpu.sem_alloc : memref<!tpu.dma_semaphore, #tpu.memory_space<semaphore_mem>>
      %dma_start3A_94 = arith.constant 0 : i32
      %dma_start3A_95 = tpu.memref_slice %arg15[%add3A_50, %dma_start3A_94] : memref<10112x16xf32, #tpu.memory_space<vmem_shared>> -> memref<64x16xf32, #tpu.memory_space<vmem_shared>>
      %dma_start3A_96 = arith.constant 0 : i32
      %dma_start3A_97 = tpu.memref_slice %arg15[%add3A_50, %dma_start3A_96] : memref<10112x16xf32, #tpu.memory_space<vmem_shared>> -> memref<64x16xf32, #tpu.memory_space<vmem_shared>>
      tpu.enqueue_dma source(%arg12 : memref<64x16xf32, #tpu.memory_space<vmem>>) target(%dma_start3A_97 : memref<64x16xf32, #tpu.memory_space<vmem_shared>>) target_semaphore(%run_scoped3A : memref<!tpu.dma_semaphore, #tpu.memory_space<semaphore_mem>>)
      %dma_wait3A_98 = arith.constant 0 : i32
      %dma_wait3A_99 = tpu.memref_slice %arg15[%add3A_50, %dma_wait3A_98] : memref<10112x16xf32, #tpu.memory_space<vmem_shared>> -> memref<64x16xf32, #tpu.memory_space<vmem_shared>>
      %dma_wait3A_100 = arith.constant 0 : i32
      %dma_wait3A_101 = tpu.memref_slice %arg15[%add3A_50, %dma_wait3A_100] : memref<10112x16xf32, #tpu.memory_space<vmem_shared>> -> memref<64x16xf32, #tpu.memory_space<vmem_shared>>
      tpu.wait_dma2 semaphore(%run_scoped3A : memref<!tpu.dma_semaphore, #tpu.memory_space<semaphore_mem>>) src(%arg12 : memref<64x16xf32, #tpu.memory_space<vmem>>) dst(%dma_wait3A_101 : memref<64x16xf32, #tpu.memory_space<vmem_shared>>)
      tpu.yield
    }) : () -> ()
    %add3A_51 = arith.constant 448 : i32
    %add3A_52 = arith.addi %mul3A_2, %add3A_51 : i32
    "tpu.region"() ({
      %run_scoped3A = tpu.sem_alloc : memref<!tpu.dma_semaphore, #tpu.memory_space<semaphore_mem>>
      %dma_start3A_94 = arith.constant 0 : i32
      %dma_start3A_95 = tpu.memref_slice %arg15[%add3A_52, %dma_start3A_94] : memref<10112x16xf32, #tpu.memory_space<vmem_shared>> -> memref<64x16xf32, #tpu.memory_space<vmem_shared>>
      %dma_start3A_96 = arith.constant 0 : i32
      %dma_start3A_97 = tpu.memref_slice %arg15[%add3A_52, %dma_start3A_96] : memref<10112x16xf32, #tpu.memory_space<vmem_shared>> -> memref<64x16xf32, #tpu.memory_space<vmem_shared>>
      tpu.enqueue_dma source(%arg12 : memref<64x16xf32, #tpu.memory_space<vmem>>) target(%dma_start3A_97 : memref<64x16xf32, #tpu.memory_space<vmem_shared>>) target_semaphore(%run_scoped3A : memref<!tpu.dma_semaphore, #tpu.memory_space<semaphore_mem>>)
      %dma_wait3A_98 = arith.constant 0 : i32
      %dma_wait3A_99 = tpu.memref_slice %arg15[%add3A_52, %dma_wait3A_98] : memref<10112x16xf32, #tpu.memory_space<vmem_shared>> -> memref<64x16xf32, #tpu.memory_space<vmem_shared>>
      %dma_wait3A_100 = arith.constant 0 : i32
      %dma_wait3A_101 = tpu.memref_slice %arg15[%add3A_52, %dma_wait3A_100] : memref<10112x16xf32, #tpu.memory_space<vmem_shared>> -> memref<64x16xf32, #tpu.memory_space<vmem_shared>>
      tpu.wait_dma2 semaphore(%run_scoped3A : memref<!tpu.dma_semaphore, #tpu.memory_space<semaphore_mem>>) src(%arg12 : memref<64x16xf32, #tpu.memory_space<vmem>>) dst(%dma_wait3A_101 : memref<64x16xf32, #tpu.memory_space<vmem_shared>>)
      tpu.yield
    }) : () -> ()
    %add3A_53 = arith.constant 512 : i32
    %add3A_54 = arith.addi %mul3A_2, %add3A_53 : i32
    "tpu.region"() ({
      %run_scoped3A = tpu.sem_alloc : memref<!tpu.dma_semaphore, #tpu.memory_space<semaphore_mem>>
      %dma_start3A_94 = arith.constant 0 : i32
      %dma_start3A_95 = tpu.memref_slice %arg15[%add3A_54, %dma_start3A_94] : memref<10112x16xf32, #tpu.memory_space<vmem_shared>> -> memref<64x16xf32, #tpu.memory_space<vmem_shared>>
      %dma_start3A_96 = arith.constant 0 : i32
      %dma_start3A_97 = tpu.memref_slice %arg15[%add3A_54, %dma_start3A_96] : memref<10112x16xf32, #tpu.memory_space<vmem_shared>> -> memref<64x16xf32, #tpu.memory_space<vmem_shared>>
      tpu.enqueue_dma source(%arg12 : memref<64x16xf32, #tpu.memory_space<vmem>>) target(%dma_start3A_97 : memref<64x16xf32, #tpu.memory_space<vmem_shared>>) target_semaphore(%run_scoped3A : memref<!tpu.dma_semaphore, #tpu.memory_space<semaphore_mem>>)
      %dma_wait3A_98 = arith.constant 0 : i32
      %dma_wait3A_99 = tpu.memref_slice %arg15[%add3A_54, %dma_wait3A_98] : memref<10112x16xf32, #tpu.memory_space<vmem_shared>> -> memref<64x16xf32, #tpu.memory_space<vmem_shared>>
      %dma_wait3A_100 = arith.constant 0 : i32
      %dma_wait3A_101 = tpu.memref_slice %arg15[%add3A_54, %dma_wait3A_100] : memref<10112x16xf32, #tpu.memory_space<vmem_shared>> -> memref<64x16xf32, #tpu.memory_space<vmem_shared>>
      tpu.wait_dma2 semaphore(%run_scoped3A : memref<!tpu.dma_semaphore, #tpu.memory_space<semaphore_mem>>) src(%arg12 : memref<64x16xf32, #tpu.memory_space<vmem>>) dst(%dma_wait3A_101 : memref<64x16xf32, #tpu.memory_space<vmem_shared>>)
      tpu.yield
    }) : () -> ()
    %add3A_55 = arith.constant 576 : i32
    %add3A_56 = arith.addi %mul3A_2, %add3A_55 : i32
    "tpu.region"() ({
      %run_scoped3A = tpu.sem_alloc : memref<!tpu.dma_semaphore, #tpu.memory_space<semaphore_mem>>
      %dma_start3A_94 = arith.constant 0 : i32
      %dma_start3A_95 = arith.constant 0 : i32
      %dma_start3A_96 = tpu.memref_slice %arg12[%dma_start3A_94, %dma_start3A_95] : memref<64x16xf32, #tpu.memory_space<vmem>> -> memref<56x16xf32, #tpu.memory_space<vmem>>
      %dma_start3A_97 = arith.constant 0 : i32
      %dma_start3A_98 = tpu.memref_slice %arg15[%add3A_56, %dma_start3A_97] : memref<10112x16xf32, #tpu.memory_space<vmem_shared>> -> memref<56x16xf32, #tpu.memory_space<vmem_shared>>
      %dma_start3A_99 = arith.constant 0 : i32
      %dma_start3A_100 = tpu.memref_slice %arg15[%add3A_56, %dma_start3A_99] : memref<10112x16xf32, #tpu.memory_space<vmem_shared>> -> memref<56x16xf32, #tpu.memory_space<vmem_shared>>
      %dma_start3A_101 = arith.constant 0 : i32
      %dma_start3A_102 = arith.constant 0 : i32
      %dma_start3A_103 = tpu.memref_slice %arg12[%dma_start3A_101, %dma_start3A_102] : memref<64x16xf32, #tpu.memory_space<vmem>> -> memref<56x16xf32, #tpu.memory_space<vmem>>
      tpu.enqueue_dma source(%dma_start3A_103 : memref<56x16xf32, #tpu.memory_space<vmem>>) target(%dma_start3A_100 : memref<56x16xf32, #tpu.memory_space<vmem_shared>>) target_semaphore(%run_scoped3A : memref<!tpu.dma_semaphore, #tpu.memory_space<semaphore_mem>>)
      %dma_wait3A_104 = arith.constant 0 : i32
      %dma_wait3A_105 = arith.constant 0 : i32
      %dma_wait3A_106 = tpu.memref_slice %arg12[%dma_wait3A_104, %dma_wait3A_105] : memref<64x16xf32, #tpu.memory_space<vmem>> -> memref<56x16xf32, #tpu.memory_space<vmem>>
      %dma_wait3A_107 = arith.constant 0 : i32
      %dma_wait3A_108 = tpu.memref_slice %arg15[%add3A_56, %dma_wait3A_107] : memref<10112x16xf32, #tpu.memory_space<vmem_shared>> -> memref<56x16xf32, #tpu.memory_space<vmem_shared>>
      %dma_wait3A_109 = arith.constant 0 : i32
      %dma_wait3A_110 = tpu.memref_slice %arg15[%add3A_56, %dma_wait3A_109] : memref<10112x16xf32, #tpu.memory_space<vmem_shared>> -> memref<56x16xf32, #tpu.memory_space<vmem_shared>>
      %dma_wait3A_111 = arith.constant 0 : i32
      %dma_wait3A_112 = arith.constant 0 : i32
      %dma_wait3A_113 = tpu.memref_slice %arg12[%dma_wait3A_111, %dma_wait3A_112] : memref<64x16xf32, #tpu.memory_space<vmem>> -> memref<56x16xf32, #tpu.memory_space<vmem>>
      tpu.wait_dma2 semaphore(%run_scoped3A : memref<!tpu.dma_semaphore, #tpu.memory_space<semaphore_mem>>) src(%dma_wait3A_113 : memref<56x16xf32, #tpu.memory_space<vmem>>) dst(%dma_wait3A_110 : memref<56x16xf32, #tpu.memory_space<vmem_shared>>)
      tpu.yield
    }) : () -> ()
    "tpu.region"() ({
      %run_scoped3A = tpu.sem_alloc : memref<!tpu.dma_semaphore, #tpu.memory_space<semaphore_mem>>
      %dma_start3A_94 = arith.constant 0 : i32
      %dma_start3A_95 = arith.constant 0 : i32
      %dma_start3A_96 = tpu.memref_slice %arg3[%add3A, %dma_start3A_94, %dma_start3A_95] : memref<32x158x128xi32, #tpu.memory_space<hbm>> -> memref<1x158x128xi32, #tpu.memory_space<hbm>>
      %dma_start3A_97 = tpu.memref_squeeze %dma_start3A_96 : memref<1x158x128xi32, #tpu.memory_space<hbm>> -> memref<158x128xi32, #tpu.memory_space<hbm>>
      %dma_start3A_98 = arith.constant 0 : i32
      %dma_start3A_99 = arith.constant 0 : i32
      %dma_start3A_100 = tpu.memref_slice %arg3[%add3A, %dma_start3A_98, %dma_start3A_99] : memref<32x158x128xi32, #tpu.memory_space<hbm>> -> memref<1x158x128xi32, #tpu.memory_space<hbm>>
      %dma_start3A_101 = tpu.memref_squeeze %dma_start3A_100 : memref<1x158x128xi32, #tpu.memory_space<hbm>> -> memref<158x128xi32, #tpu.memory_space<hbm>>
      tpu.enqueue_dma source(%dma_start3A_101 : memref<158x128xi32, #tpu.memory_space<hbm>>) target(%arg7 : memref<158x128xi32, #tpu.memory_space<vmem>>) target_semaphore(%run_scoped3A : memref<!tpu.dma_semaphore, #tpu.memory_space<semaphore_mem>>)
      %dma_wait3A_102 = arith.constant 0 : i32
      %dma_wait3A_103 = arith.constant 0 : i32
      %dma_wait3A_104 = tpu.memref_slice %arg3[%add3A, %dma_wait3A_102, %dma_wait3A_103] : memref<32x158x128xi32, #tpu.memory_space<hbm>> -> memref<1x158x128xi32, #tpu.memory_space<hbm>>
      %dma_wait3A_105 = tpu.memref_squeeze %dma_wait3A_104 : memref<1x158x128xi32, #tpu.memory_space<hbm>> -> memref<158x128xi32, #tpu.memory_space<hbm>>
      %dma_wait3A_106 = arith.constant 0 : i32
      %dma_wait3A_107 = arith.constant 0 : i32
      %dma_wait3A_108 = tpu.memref_slice %arg3[%add3A, %dma_wait3A_106, %dma_wait3A_107] : memref<32x158x128xi32, #tpu.memory_space<hbm>> -> memref<1x158x128xi32, #tpu.memory_space<hbm>>
      %dma_wait3A_109 = tpu.memref_squeeze %dma_wait3A_108 : memref<1x158x128xi32, #tpu.memory_space<hbm>> -> memref<158x128xi32, #tpu.memory_space<hbm>>
      tpu.wait_dma2 semaphore(%run_scoped3A : memref<!tpu.dma_semaphore, #tpu.memory_space<semaphore_mem>>) src(%dma_wait3A_109 : memref<158x128xi32, #tpu.memory_space<hbm>>) dst(%arg7 : memref<158x128xi32, #tpu.memory_space<vmem>>)
      tpu.yield
    }) : () -> ()
    "tpu.region"() ({
      %run_scoped3A = tpu.sem_alloc : memref<!tpu.dma_semaphore, #tpu.memory_space<semaphore_mem>>
      %dma_start3A_94 = arith.constant 0 : i32
      %dma_start3A_95 = arith.constant 0 : i32
      %dma_start3A_96 = tpu.memref_slice %arg4[%add3A, %dma_start3A_94, %dma_start3A_95] : memref<32x158x128xi32, #tpu.memory_space<hbm>> -> memref<1x158x128xi32, #tpu.memory_space<hbm>>
      %dma_start3A_97 = tpu.memref_squeeze %dma_start3A_96 : memref<1x158x128xi32, #tpu.memory_space<hbm>> -> memref<158x128xi32, #tpu.memory_space<hbm>>
      %dma_start3A_98 = arith.constant 0 : i32
      %dma_start3A_99 = arith.constant 0 : i32
      %dma_start3A_100 = tpu.memref_slice %arg4[%add3A, %dma_start3A_98, %dma_start3A_99] : memref<32x158x128xi32, #tpu.memory_space<hbm>> -> memref<1x158x128xi32, #tpu.memory_space<hbm>>
      %dma_start3A_101 = tpu.memref_squeeze %dma_start3A_100 : memref<1x158x128xi32, #tpu.memory_space<hbm>> -> memref<158x128xi32, #tpu.memory_space<hbm>>
      tpu.enqueue_dma source(%dma_start3A_101 : memref<158x128xi32, #tpu.memory_space<hbm>>) target(%arg8 : memref<158x128xi32, #tpu.memory_space<vmem>>) target_semaphore(%run_scoped3A : memref<!tpu.dma_semaphore, #tpu.memory_space<semaphore_mem>>)
      %dma_wait3A_102 = arith.constant 0 : i32
      %dma_wait3A_103 = arith.constant 0 : i32
      %dma_wait3A_104 = tpu.memref_slice %arg4[%add3A, %dma_wait3A_102, %dma_wait3A_103] : memref<32x158x128xi32, #tpu.memory_space<hbm>> -> memref<1x158x128xi32, #tpu.memory_space<hbm>>
      %dma_wait3A_105 = tpu.memref_squeeze %dma_wait3A_104 : memref<1x158x128xi32, #tpu.memory_space<hbm>> -> memref<158x128xi32, #tpu.memory_space<hbm>>
      %dma_wait3A_106 = arith.constant 0 : i32
      %dma_wait3A_107 = arith.constant 0 : i32
      %dma_wait3A_108 = tpu.memref_slice %arg4[%add3A, %dma_wait3A_106, %dma_wait3A_107] : memref<32x158x128xi32, #tpu.memory_space<hbm>> -> memref<1x158x128xi32, #tpu.memory_space<hbm>>
      %dma_wait3A_109 = tpu.memref_squeeze %dma_wait3A_108 : memref<1x158x128xi32, #tpu.memory_space<hbm>> -> memref<158x128xi32, #tpu.memory_space<hbm>>
      tpu.wait_dma2 semaphore(%run_scoped3A : memref<!tpu.dma_semaphore, #tpu.memory_space<semaphore_mem>>) src(%dma_wait3A_109 : memref<158x128xi32, #tpu.memory_space<hbm>>) dst(%arg8 : memref<158x128xi32, #tpu.memory_space<vmem>>)
      tpu.yield
    }) : () -> ()
    %barrier3A = arith.constant 0 : index
    tpu.barrier barrier_id(%barrier3A)
    %dma_start3A = arith.constant 0 : i32
    %dma_start3A_57 = arith.constant 0 : i32
    %dma_start3A_58 = tpu.memref_slice %arg7[%dma_start3A, %dma_start3A_57] : memref<158x128xi32, #tpu.memory_space<vmem>> -> memref<1x128xi32, #tpu.memory_space<vmem>>
    %dma_start3A_59 = tpu.memref_squeeze %dma_start3A_58 : memref<1x128xi32, #tpu.memory_space<vmem>> -> memref<128xi32, #tpu.memory_space<vmem>>
    %dma_start3A_60 = arith.constant 0 : i32
    %dma_start3A_61 = arith.constant 0 : i32
    %dma_start3A_62 = tpu.memref_slice %arg2[%dma_start3A_60, %dma_start3A_61] : memref<20000x64xf32, #tpu.memory_space<hbm>> -> memref<20000x64xf32, #tpu.memory_space<hbm>>
    tpu.enqueue_indirect_dma source(%dma_start3A_62 : memref<20000x64xf32, #tpu.memory_space<hbm>>) target(%arg9 : memref<128x64xf32, #tpu.memory_space<vmem>>) offsets(%dma_start3A_59 : memref<128xi32, #tpu.memory_space<vmem>>) semaphore(%arg16 : memref<!tpu.dma_semaphore, #tpu.memory_space<semaphore_mem>>)
    %scan3A_63 = arith.constant 0 : i32
    %scan3A_64 = arith.constant 79 : i32
    %scan3A_65 = arith.addi %scan3A_63, %scan3A_64 : i32
    %scan3A_66 = arith.constant 1 : i32
    scf.for %scan3A_94 = %scan3A_63 to %scan3A_65 step %scan3A_66  : i32 {
      %mul3A_95 = arith.constant 2 : i32
      %mul3A_96 = arith.muli %scan3A_94, %mul3A_95 : i32
      %add3A_97 = arith.constant 0 : i32
      %add3A_98 = arith.addi %add3A_97, %mul3A_96 : i32
      %gt3A = arith.constant 0 : i32
      %gt3A_99 = arith.cmpi sgt, %add3A_98, %gt3A : i32
      %convert_element_type3A_100 = arith.extui %gt3A_99 : i1 to i32
      %cond3A_101 = arith.constant 0 : i32
      %cond3A_102 = arith.cmpi ne, %convert_element_type3A_100, %cond3A_101 : i32
      scf.if %cond3A_102 {
        %sub3A = arith.constant 1 : i32
        %sub3A_166 = arith.subi %add3A_98, %sub3A : i32
        %dma_wait3A_167 = arith.constant 0 : i32
        %dma_wait3A_168 = tpu.memref_slice %arg8[%sub3A_166, %dma_wait3A_167] : memref<158x128xi32, #tpu.memory_space<vmem>> -> memref<1x128xi32, #tpu.memory_space<vmem>>
        %dma_wait3A_169 = tpu.memref_squeeze %dma_wait3A_168 : memref<1x128xi32, #tpu.memory_space<vmem>> -> memref<128xi32, #tpu.memory_space<vmem>>
        %dma_wait3A_170 = arith.constant 0 : i32
        %dma_wait3A_171 = arith.constant 0 : i32
        %dma_wait3A_172 = tpu.memref_slice %arg14[%dma_wait3A_170, %dma_wait3A_171] : memref<10112x64xf32, #tpu.memory_space<vmem_shared>> -> memref<10112x64xf32, #tpu.memory_space<vmem_shared>>
        tpu.wait_indirect_dma semaphore(%arg19 : memref<!tpu.dma_semaphore, #tpu.memory_space<semaphore_mem>>) src(%arg10 : memref<128x64xf32, #tpu.memory_space<vmem>>) dst(%dma_wait3A_172 : memref<10112x64xf32, #tpu.memory_space<vmem_shared>>)
        %sub3A_173 = arith.constant 1 : i32
        %sub3A_174 = arith.subi %add3A_98, %sub3A_173 : i32
        %eq3A_175 = arith.constant 0 : i32
        %eq3A_176 = arith.cmpi eq, %arg0, %eq3A_175 : i32
        %lt3A_177 = arith.constant 79 : i32
        %lt3A_178 = arith.cmpi slt, %sub3A_174, %lt3A_177 : i32
        %ge3A_179 = arith.constant 79 : i32
        %ge3A_180 = arith.cmpi sge, %sub3A_174, %ge3A_179 : i32
        %select_n3A_181 = arith.select %eq3A_176, %lt3A_178, %ge3A_180 : i1
        %convert_element_type3A_182 = arith.extui %select_n3A_181 : i1 to i32
        %cond3A_183 = arith.constant 0 : i32
        %cond3A_184 = arith.cmpi ne, %convert_element_type3A_182, %cond3A_183 : i32
        scf.if %cond3A_184 {
          %sub3A_185 = arith.constant 1 : i32
          %sub3A_186 = arith.subi %add3A_98, %sub3A_185 : i32
          %dma_wait3A_187 = arith.constant 0 : i32
          %dma_wait3A_188 = tpu.memref_slice %arg8[%sub3A_186, %dma_wait3A_187] : memref<158x128xi32, #tpu.memory_space<vmem>> -> memref<1x128xi32, #tpu.memory_space<vmem>>
          %dma_wait3A_189 = tpu.memref_squeeze %dma_wait3A_188 : memref<1x128xi32, #tpu.memory_space<vmem>> -> memref<128xi32, #tpu.memory_space<vmem>>
          %dma_wait3A_190 = arith.constant 0 : i32
          %dma_wait3A_191 = arith.constant 0 : i32
          %dma_wait3A_192 = tpu.memref_slice %arg15[%dma_wait3A_190, %dma_wait3A_191] : memref<10112x16xf32, #tpu.memory_space<vmem_shared>> -> memref<10112x16xf32, #tpu.memory_space<vmem_shared>>
          tpu.wait_indirect_dma semaphore(%arg20 : memref<!tpu.dma_semaphore, #tpu.memory_space<semaphore_mem>>) src(%arg13 : memref<128x16xf32, #tpu.memory_space<vmem>>) dst(%dma_wait3A_192 : memref<10112x16xf32, #tpu.memory_space<vmem_shared>>)
        } else {
        }
      } else {
      }
      %add3A_103 = arith.constant 1 : i32
      %add3A_104 = arith.addi %add3A_98, %add3A_103 : i32
      %dma_start3A_105 = arith.constant 0 : i32
      %dma_start3A_106 = tpu.memref_slice %arg7[%add3A_104, %dma_start3A_105] : memref<158x128xi32, #tpu.memory_space<vmem>> -> memref<1x128xi32, #tpu.memory_space<vmem>>
      %dma_start3A_107 = tpu.memref_squeeze %dma_start3A_106 : memref<1x128xi32, #tpu.memory_space<vmem>> -> memref<128xi32, #tpu.memory_space<vmem>>
      %dma_start3A_108 = arith.constant 0 : i32
      %dma_start3A_109 = arith.constant 0 : i32
      %dma_start3A_110 = tpu.memref_slice %arg2[%dma_start3A_108, %dma_start3A_109] : memref<20000x64xf32, #tpu.memory_space<hbm>> -> memref<20000x64xf32, #tpu.memory_space<hbm>>
      tpu.enqueue_indirect_dma source(%dma_start3A_110 : memref<20000x64xf32, #tpu.memory_space<hbm>>) target(%arg10 : memref<128x64xf32, #tpu.memory_space<vmem>>) offsets(%dma_start3A_107 : memref<128xi32, #tpu.memory_space<vmem>>) semaphore(%arg17 : memref<!tpu.dma_semaphore, #tpu.memory_space<semaphore_mem>>)
      %dma_wait3A_111 = arith.constant 0 : i32
      %dma_wait3A_112 = tpu.memref_slice %arg7[%add3A_98, %dma_wait3A_111] : memref<158x128xi32, #tpu.memory_space<vmem>> -> memref<1x128xi32, #tpu.memory_space<vmem>>
      %dma_wait3A_113 = tpu.memref_squeeze %dma_wait3A_112 : memref<1x128xi32, #tpu.memory_space<vmem>> -> memref<128xi32, #tpu.memory_space<vmem>>
      %dma_wait3A_114 = arith.constant 0 : i32
      %dma_wait3A_115 = arith.constant 0 : i32
      %dma_wait3A_116 = tpu.memref_slice %arg2[%dma_wait3A_114, %dma_wait3A_115] : memref<20000x64xf32, #tpu.memory_space<hbm>> -> memref<20000x64xf32, #tpu.memory_space<hbm>>
      tpu.wait_indirect_dma semaphore(%arg16 : memref<!tpu.dma_semaphore, #tpu.memory_space<semaphore_mem>>) src(%dma_wait3A_116 : memref<20000x64xf32, #tpu.memory_space<hbm>>) dst(%arg9 : memref<128x64xf32, #tpu.memory_space<vmem>>)
      %dma_start3A_117 = arith.constant 0 : i32
      %dma_start3A_118 = tpu.memref_slice %arg8[%add3A_98, %dma_start3A_117] : memref<158x128xi32, #tpu.memory_space<vmem>> -> memref<1x128xi32, #tpu.memory_space<vmem>>
      %dma_start3A_119 = tpu.memref_squeeze %dma_start3A_118 : memref<1x128xi32, #tpu.memory_space<vmem>> -> memref<128xi32, #tpu.memory_space<vmem>>
      %dma_start3A_120 = arith.constant 0 : i32
      %dma_start3A_121 = arith.constant 0 : i32
      %dma_start3A_122 = tpu.memref_slice %arg14[%dma_start3A_120, %dma_start3A_121] : memref<10112x64xf32, #tpu.memory_space<vmem_shared>> -> memref<10112x64xf32, #tpu.memory_space<vmem_shared>>
      tpu.enqueue_indirect_dma source(%arg9 : memref<128x64xf32, #tpu.memory_space<vmem>>) target(%dma_start3A_122 : memref<10112x64xf32, #tpu.memory_space<vmem_shared>>) offsets(%dma_start3A_119 : memref<128xi32, #tpu.memory_space<vmem>>) semaphore(%arg18 : memref<!tpu.dma_semaphore, #tpu.memory_space<semaphore_mem>>) {add = true}
      %eq3A_123 = arith.constant 0 : i32
      %eq3A_124 = arith.cmpi eq, %arg0, %eq3A_123 : i32
      %lt3A = arith.constant 79 : i32
      %lt3A_125 = arith.cmpi slt, %add3A_98, %lt3A : i32
      %ge3A = arith.constant 79 : i32
      %ge3A_126 = arith.cmpi sge, %add3A_98, %ge3A : i32
      %select_n3A_127 = arith.select %eq3A_124, %lt3A_125, %ge3A_126 : i1
      %convert_element_type3A_128 = arith.extui %select_n3A_127 : i1 to i32
      %cond3A_129 = arith.constant 0 : i32
      %cond3A_130 = arith.cmpi ne, %convert_element_type3A_128, %cond3A_129 : i32
      scf.if %cond3A_130 {
        %dma_start3A_166 = arith.constant 0 : i32
        %dma_start3A_167 = tpu.memref_slice %arg8[%add3A_98, %dma_start3A_166] : memref<158x128xi32, #tpu.memory_space<vmem>> -> memref<1x128xi32, #tpu.memory_space<vmem>>
        %dma_start3A_168 = tpu.memref_squeeze %dma_start3A_167 : memref<1x128xi32, #tpu.memory_space<vmem>> -> memref<128xi32, #tpu.memory_space<vmem>>
        %dma_start3A_169 = arith.constant 0 : i32
        %dma_start3A_170 = arith.constant 0 : i32
        %dma_start3A_171 = tpu.memref_slice %arg15[%dma_start3A_169, %dma_start3A_170] : memref<10112x16xf32, #tpu.memory_space<vmem_shared>> -> memref<10112x16xf32, #tpu.memory_space<vmem_shared>>
        tpu.enqueue_indirect_dma source(%arg13 : memref<128x16xf32, #tpu.memory_space<vmem>>) target(%dma_start3A_171 : memref<10112x16xf32, #tpu.memory_space<vmem_shared>>) offsets(%dma_start3A_168 : memref<128xi32, #tpu.memory_space<vmem>>) semaphore(%arg20 : memref<!tpu.dma_semaphore, #tpu.memory_space<semaphore_mem>>) {add = true}
      } else {
      }
      %add3A_131 = arith.constant 2 : i32
      %add3A_132 = arith.addi %add3A_98, %add3A_131 : i32
      %lt3A_133 = arith.constant 158 : i32
      %lt3A_134 = arith.cmpi slt, %add3A_132, %lt3A_133 : i32
      %convert_element_type3A_135 = arith.extui %lt3A_134 : i1 to i32
      %cond3A_136 = arith.constant 0 : i32
      %cond3A_137 = arith.cmpi ne, %convert_element_type3A_135, %cond3A_136 : i32
      scf.if %cond3A_137 {
        %dma_wait3A_166 = arith.constant 0 : i32
        %dma_wait3A_167 = tpu.memref_slice %arg8[%add3A_98, %dma_wait3A_166] : memref<158x128xi32, #tpu.memory_space<vmem>> -> memref<1x128xi32, #tpu.memory_space<vmem>>
        %dma_wait3A_168 = tpu.memref_squeeze %dma_wait3A_167 : memref<1x128xi32, #tpu.memory_space<vmem>> -> memref<128xi32, #tpu.memory_space<vmem>>
        %dma_wait3A_169 = arith.constant 0 : i32
        %dma_wait3A_170 = arith.constant 0 : i32
        %dma_wait3A_171 = tpu.memref_slice %arg14[%dma_wait3A_169, %dma_wait3A_170] : memref<10112x64xf32, #tpu.memory_space<vmem_shared>> -> memref<10112x64xf32, #tpu.memory_space<vmem_shared>>
        tpu.wait_indirect_dma semaphore(%arg18 : memref<!tpu.dma_semaphore, #tpu.memory_space<semaphore_mem>>) src(%arg9 : memref<128x64xf32, #tpu.memory_space<vmem>>) dst(%dma_wait3A_171 : memref<10112x64xf32, #tpu.memory_space<vmem_shared>>)
        %eq3A_172 = arith.constant 0 : i32
        %eq3A_173 = arith.cmpi eq, %arg0, %eq3A_172 : i32
        %lt3A_174 = arith.constant 79 : i32
        %lt3A_175 = arith.cmpi slt, %add3A_98, %lt3A_174 : i32
        %ge3A_176 = arith.constant 79 : i32
        %ge3A_177 = arith.cmpi sge, %add3A_98, %ge3A_176 : i32
        %select_n3A_178 = arith.select %eq3A_173, %lt3A_175, %ge3A_177 : i1
        %convert_element_type3A_179 = arith.extui %select_n3A_178 : i1 to i32
        %cond3A_180 = arith.constant 0 : i32
        %cond3A_181 = arith.cmpi ne, %convert_element_type3A_179, %cond3A_180 : i32
        scf.if %cond3A_181 {
          %dma_wait3A_190 = arith.constant 0 : i32
          %dma_wait3A_191 = tpu.memref_slice %arg8[%add3A_98, %dma_wait3A_190] : memref<158x128xi32, #tpu.memory_space<vmem>> -> memref<1x128xi32, #tpu.memory_space<vmem>>
          %dma_wait3A_192 = tpu.memref_squeeze %dma_wait3A_191 : memref<1x128xi32, #tpu.memory_space<vmem>> -> memref<128xi32, #tpu.memory_space<vmem>>
          %dma_wait3A_193 = arith.constant 0 : i32
          %dma_wait3A_194 = arith.constant 0 : i32
          %dma_wait3A_195 = tpu.memref_slice %arg15[%dma_wait3A_193, %dma_wait3A_194] : memref<10112x16xf32, #tpu.memory_space<vmem_shared>> -> memref<10112x16xf32, #tpu.memory_space<vmem_shared>>
          tpu.wait_indirect_dma semaphore(%arg20 : memref<!tpu.dma_semaphore, #tpu.memory_space<semaphore_mem>>) src(%arg13 : memref<128x16xf32, #tpu.memory_space<vmem>>) dst(%dma_wait3A_195 : memref<10112x16xf32, #tpu.memory_space<vmem_shared>>)
        } else {
        }
        %add3A_182 = arith.constant 2 : i32
        %add3A_183 = arith.addi %add3A_98, %add3A_182 : i32
        %dma_start3A_184 = arith.constant 0 : i32
        %dma_start3A_185 = tpu.memref_slice %arg7[%add3A_183, %dma_start3A_184] : memref<158x128xi32, #tpu.memory_space<vmem>> -> memref<1x128xi32, #tpu.memory_space<vmem>>
        %dma_start3A_186 = tpu.memref_squeeze %dma_start3A_185 : memref<1x128xi32, #tpu.memory_space<vmem>> -> memref<128xi32, #tpu.memory_space<vmem>>
        %dma_start3A_187 = arith.constant 0 : i32
        %dma_start3A_188 = arith.constant 0 : i32
        %dma_start3A_189 = tpu.memref_slice %arg2[%dma_start3A_187, %dma_start3A_188] : memref<20000x64xf32, #tpu.memory_space<hbm>> -> memref<20000x64xf32, #tpu.memory_space<hbm>>
        tpu.enqueue_indirect_dma source(%dma_start3A_189 : memref<20000x64xf32, #tpu.memory_space<hbm>>) target(%arg9 : memref<128x64xf32, #tpu.memory_space<vmem>>) offsets(%dma_start3A_186 : memref<128xi32, #tpu.memory_space<vmem>>) semaphore(%arg16 : memref<!tpu.dma_semaphore, #tpu.memory_space<semaphore_mem>>)
      } else {
      }
      %add3A_138 = arith.constant 1 : i32
      %add3A_139 = arith.addi %add3A_98, %add3A_138 : i32
      %dma_wait3A_140 = arith.constant 0 : i32
      %dma_wait3A_141 = tpu.memref_slice %arg7[%add3A_139, %dma_wait3A_140] : memref<158x128xi32, #tpu.memory_space<vmem>> -> memref<1x128xi32, #tpu.memory_space<vmem>>
      %dma_wait3A_142 = tpu.memref_squeeze %dma_wait3A_141 : memref<1x128xi32, #tpu.memory_space<vmem>> -> memref<128xi32, #tpu.memory_space<vmem>>
      %dma_wait3A_143 = arith.constant 0 : i32
      %dma_wait3A_144 = arith.constant 0 : i32
      %dma_wait3A_145 = tpu.memref_slice %arg2[%dma_wait3A_143, %dma_wait3A_144] : memref<20000x64xf32, #tpu.memory_space<hbm>> -> memref<20000x64xf32, #tpu.memory_space<hbm>>
      tpu.wait_indirect_dma semaphore(%arg17 : memref<!tpu.dma_semaphore, #tpu.memory_space<semaphore_mem>>) src(%dma_wait3A_145 : memref<20000x64xf32, #tpu.memory_space<hbm>>) dst(%arg10 : memref<128x64xf32, #tpu.memory_space<vmem>>)
      %add3A_146 = arith.constant 1 : i32
      %add3A_147 = arith.addi %add3A_98, %add3A_146 : i32
      %dma_start3A_148 = arith.constant 0 : i32
      %dma_start3A_149 = tpu.memref_slice %arg8[%add3A_147, %dma_start3A_148] : memref<158x128xi32, #tpu.memory_space<vmem>> -> memref<1x128xi32, #tpu.memory_space<vmem>>
      %dma_start3A_150 = tpu.memref_squeeze %dma_start3A_149 : memref<1x128xi32, #tpu.memory_space<vmem>> -> memref<128xi32, #tpu.memory_space<vmem>>
      %dma_start3A_151 = arith.constant 0 : i32
      %dma_start3A_152 = arith.constant 0 : i32
      %dma_start3A_153 = tpu.memref_slice %arg14[%dma_start3A_151, %dma_start3A_152] : memref<10112x64xf32, #tpu.memory_space<vmem_shared>> -> memref<10112x64xf32, #tpu.memory_space<vmem_shared>>
      tpu.enqueue_indirect_dma source(%arg10 : memref<128x64xf32, #tpu.memory_space<vmem>>) target(%dma_start3A_153 : memref<10112x64xf32, #tpu.memory_space<vmem_shared>>) offsets(%dma_start3A_150 : memref<128xi32, #tpu.memory_space<vmem>>) semaphore(%arg19 : memref<!tpu.dma_semaphore, #tpu.memory_space<semaphore_mem>>) {add = true}
      %add3A_154 = arith.constant 1 : i32
      %add3A_155 = arith.addi %add3A_98, %add3A_154 : i32
      %eq3A_156 = arith.constant 0 : i32
      %eq3A_157 = arith.cmpi eq, %arg0, %eq3A_156 : i32
      %lt3A_158 = arith.constant 79 : i32
      %lt3A_159 = arith.cmpi slt, %add3A_155, %lt3A_158 : i32
      %ge3A_160 = arith.constant 79 : i32
      %ge3A_161 = arith.cmpi sge, %add3A_155, %ge3A_160 : i32
      %select_n3A_162 = arith.select %eq3A_157, %lt3A_159, %ge3A_161 : i1
      %convert_element_type3A_163 = arith.extui %select_n3A_162 : i1 to i32
      %cond3A_164 = arith.constant 0 : i32
      %cond3A_165 = arith.cmpi ne, %convert_element_type3A_163, %cond3A_164 : i32
      scf.if %cond3A_165 {
        %add3A_166 = arith.constant 1 : i32
        %add3A_167 = arith.addi %add3A_98, %add3A_166 : i32
        %dma_start3A_168 = arith.constant 0 : i32
        %dma_start3A_169 = tpu.memref_slice %arg8[%add3A_167, %dma_start3A_168] : memref<158x128xi32, #tpu.memory_space<vmem>> -> memref<1x128xi32, #tpu.memory_space<vmem>>
        %dma_start3A_170 = tpu.memref_squeeze %dma_start3A_169 : memref<1x128xi32, #tpu.memory_space<vmem>> -> memref<128xi32, #tpu.memory_space<vmem>>
        %dma_start3A_171 = arith.constant 0 : i32
        %dma_start3A_172 = arith.constant 0 : i32
        %dma_start3A_173 = tpu.memref_slice %arg15[%dma_start3A_171, %dma_start3A_172] : memref<10112x16xf32, #tpu.memory_space<vmem_shared>> -> memref<10112x16xf32, #tpu.memory_space<vmem_shared>>
        tpu.enqueue_indirect_dma source(%arg13 : memref<128x16xf32, #tpu.memory_space<vmem>>) target(%dma_start3A_173 : memref<10112x16xf32, #tpu.memory_space<vmem_shared>>) offsets(%dma_start3A_170 : memref<128xi32, #tpu.memory_space<vmem>>) semaphore(%arg20 : memref<!tpu.dma_semaphore, #tpu.memory_space<semaphore_mem>>) {add = true}
      } else {
      }
    }
    %scan3A_67 = arith.constant 79 : i32
    %dma_wait3A = arith.constant 156 : i32
    %dma_wait3A_68 = arith.constant 0 : i32
    %dma_wait3A_69 = tpu.memref_slice %arg8[%dma_wait3A, %dma_wait3A_68] : memref<158x128xi32, #tpu.memory_space<vmem>> -> memref<1x128xi32, #tpu.memory_space<vmem>>
    %dma_wait3A_70 = tpu.memref_squeeze %dma_wait3A_69 : memref<1x128xi32, #tpu.memory_space<vmem>> -> memref<128xi32, #tpu.memory_space<vmem>>
    %dma_wait3A_71 = arith.constant 0 : i32
    %dma_wait3A_72 = arith.constant 0 : i32
    %dma_wait3A_73 = tpu.memref_slice %arg14[%dma_wait3A_71, %dma_wait3A_72] : memref<10112x64xf32, #tpu.memory_space<vmem_shared>> -> memref<10112x64xf32, #tpu.memory_space<vmem_shared>>
    tpu.wait_indirect_dma semaphore(%arg18 : memref<!tpu.dma_semaphore, #tpu.memory_space<semaphore_mem>>) src(%arg9 : memref<128x64xf32, #tpu.memory_space<vmem>>) dst(%dma_wait3A_73 : memref<10112x64xf32, #tpu.memory_space<vmem_shared>>)
    %dma_wait3A_74 = arith.constant 157 : i32
    %dma_wait3A_75 = arith.constant 0 : i32
    %dma_wait3A_76 = tpu.memref_slice %arg8[%dma_wait3A_74, %dma_wait3A_75] : memref<158x128xi32, #tpu.memory_space<vmem>> -> memref<1x128xi32, #tpu.memory_space<vmem>>
    %dma_wait3A_77 = tpu.memref_squeeze %dma_wait3A_76 : memref<1x128xi32, #tpu.memory_space<vmem>> -> memref<128xi32, #tpu.memory_space<vmem>>
    %dma_wait3A_78 = arith.constant 0 : i32
    %dma_wait3A_79 = arith.constant 0 : i32
    %dma_wait3A_80 = tpu.memref_slice %arg14[%dma_wait3A_78, %dma_wait3A_79] : memref<10112x64xf32, #tpu.memory_space<vmem_shared>> -> memref<10112x64xf32, #tpu.memory_space<vmem_shared>>
    tpu.wait_indirect_dma semaphore(%arg19 : memref<!tpu.dma_semaphore, #tpu.memory_space<semaphore_mem>>) src(%arg10 : memref<128x64xf32, #tpu.memory_space<vmem>>) dst(%dma_wait3A_80 : memref<10112x64xf32, #tpu.memory_space<vmem_shared>>)
    %eq3A = arith.constant 0 : i32
    %eq3A_81 = arith.cmpi eq, %arg0, %eq3A : i32
    %select_n3A = arith.constant true
    %select_n3A_82 = arith.constant false
    %select_n3A_83 = arith.select %eq3A_81, %select_n3A_82, %select_n3A : i1
    %convert_element_type3A = arith.extui %select_n3A_83 : i1 to i32
    %cond3A = arith.constant 0 : i32
    %cond3A_84 = arith.cmpi ne, %convert_element_type3A, %cond3A : i32
    scf.if %cond3A_84 {
      %dma_wait3A_94 = arith.constant 156 : i32
      %dma_wait3A_95 = arith.constant 0 : i32
      %dma_wait3A_96 = tpu.memref_slice %arg8[%dma_wait3A_94, %dma_wait3A_95] : memref<158x128xi32, #tpu.memory_space<vmem>> -> memref<1x128xi32, #tpu.memory_space<vmem>>
      %dma_wait3A_97 = tpu.memref_squeeze %dma_wait3A_96 : memref<1x128xi32, #tpu.memory_space<vmem>> -> memref<128xi32, #tpu.memory_space<vmem>>
      %dma_wait3A_98 = arith.constant 0 : i32
      %dma_wait3A_99 = arith.constant 0 : i32
      %dma_wait3A_100 = tpu.memref_slice %arg15[%dma_wait3A_98, %dma_wait3A_99] : memref<10112x16xf32, #tpu.memory_space<vmem_shared>> -> memref<10112x16xf32, #tpu.memory_space<vmem_shared>>
      tpu.wait_indirect_dma semaphore(%arg20 : memref<!tpu.dma_semaphore, #tpu.memory_space<semaphore_mem>>) src(%arg13 : memref<128x16xf32, #tpu.memory_space<vmem>>) dst(%dma_wait3A_100 : memref<10112x16xf32, #tpu.memory_space<vmem_shared>>)
    } else {
    }
    %eq3A_85 = arith.constant 0 : i32
    %eq3A_86 = arith.cmpi eq, %arg0, %eq3A_85 : i32
    %select_n3A_87 = arith.constant true
    %select_n3A_88 = arith.constant false
    %select_n3A_89 = arith.select %eq3A_86, %select_n3A_88, %select_n3A_87 : i1
    %convert_element_type3A_90 = arith.extui %select_n3A_89 : i1 to i32
    %cond3A_91 = arith.constant 0 : i32
    %cond3A_92 = arith.cmpi ne, %convert_element_type3A_90, %cond3A_91 : i32
    scf.if %cond3A_92 {
      %dma_wait3A_94 = arith.constant 157 : i32
      %dma_wait3A_95 = arith.constant 0 : i32
      %dma_wait3A_96 = tpu.memref_slice %arg8[%dma_wait3A_94, %dma_wait3A_95] : memref<158x128xi32, #tpu.memory_space<vmem>> -> memref<1x128xi32, #tpu.memory_space<vmem>>
      %dma_wait3A_97 = tpu.memref_squeeze %dma_wait3A_96 : memref<1x128xi32, #tpu.memory_space<vmem>> -> memref<128xi32, #tpu.memory_space<vmem>>
      %dma_wait3A_98 = arith.constant 0 : i32
      %dma_wait3A_99 = arith.constant 0 : i32
      %dma_wait3A_100 = tpu.memref_slice %arg15[%dma_wait3A_98, %dma_wait3A_99] : memref<10112x16xf32, #tpu.memory_space<vmem_shared>> -> memref<10112x16xf32, #tpu.memory_space<vmem_shared>>
      tpu.wait_indirect_dma semaphore(%arg20 : memref<!tpu.dma_semaphore, #tpu.memory_space<semaphore_mem>>) src(%arg13 : memref<128x16xf32, #tpu.memory_space<vmem>>) dst(%dma_wait3A_100 : memref<10112x16xf32, #tpu.memory_space<vmem_shared>>)
    } else {
    }
    %barrier3A_93 = arith.constant 0 : index
    tpu.barrier barrier_id(%barrier3A_93)
    "tpu.region"() ({
      %run_scoped3A = tpu.sem_alloc : memref<!tpu.dma_semaphore, #tpu.memory_space<semaphore_mem>>
      %dma_start3A_94 = arith.constant 0 : i32
      %dma_start3A_95 = tpu.memref_slice %arg5[%arg0, %mul3A_2, %dma_start3A_94] : memref<2x10112x64xf32, #tpu.memory_space<hbm>> -> memref<1x632x64xf32, #tpu.memory_space<hbm>>
      %dma_start3A_96 = tpu.memref_squeeze %dma_start3A_95 : memref<1x632x64xf32, #tpu.memory_space<hbm>> -> memref<632x64xf32, #tpu.memory_space<hbm>>
      %dma_start3A_97 = arith.constant 0 : i32
      %dma_start3A_98 = tpu.memref_slice %arg14[%mul3A_2, %dma_start3A_97] : memref<10112x64xf32, #tpu.memory_space<vmem_shared>> -> memref<632x64xf32, #tpu.memory_space<vmem_shared>>
      tpu.enqueue_dma source(%dma_start3A_98 : memref<632x64xf32, #tpu.memory_space<vmem_shared>>) target(%dma_start3A_96 : memref<632x64xf32, #tpu.memory_space<hbm>>) target_semaphore(%run_scoped3A : memref<!tpu.dma_semaphore, #tpu.memory_space<semaphore_mem>>)
      %dma_wait3A_99 = arith.constant 0 : i32
      %dma_wait3A_100 = tpu.memref_slice %arg5[%arg0, %mul3A_2, %dma_wait3A_99] : memref<2x10112x64xf32, #tpu.memory_space<hbm>> -> memref<1x632x64xf32, #tpu.memory_space<hbm>>
      %dma_wait3A_101 = tpu.memref_squeeze %dma_wait3A_100 : memref<1x632x64xf32, #tpu.memory_space<hbm>> -> memref<632x64xf32, #tpu.memory_space<hbm>>
      %dma_wait3A_102 = arith.constant 0 : i32
      %dma_wait3A_103 = tpu.memref_slice %arg14[%mul3A_2, %dma_wait3A_102] : memref<10112x64xf32, #tpu.memory_space<vmem_shared>> -> memref<632x64xf32, #tpu.memory_space<vmem_shared>>
      tpu.wait_dma2 semaphore(%run_scoped3A : memref<!tpu.dma_semaphore, #tpu.memory_space<semaphore_mem>>) src(%dma_wait3A_103 : memref<632x64xf32, #tpu.memory_space<vmem_shared>>) dst(%dma_wait3A_101 : memref<632x64xf32, #tpu.memory_space<hbm>>)
      tpu.yield
    }) : () -> ()
    "tpu.region"() ({
      %run_scoped3A = tpu.sem_alloc : memref<!tpu.dma_semaphore, #tpu.memory_space<semaphore_mem>>
      %dma_start3A_94 = arith.constant 0 : i32
      %dma_start3A_95 = tpu.memref_slice %arg6[%arg0, %mul3A_2, %dma_start3A_94] : memref<2x10112x16xf32, #tpu.memory_space<hbm>> -> memref<1x632x16xf32, #tpu.memory_space<hbm>>
      %dma_start3A_96 = tpu.memref_squeeze %dma_start3A_95 : memref<1x632x16xf32, #tpu.memory_space<hbm>> -> memref<632x16xf32, #tpu.memory_space<hbm>>
      %dma_start3A_97 = arith.constant 0 : i32
      %dma_start3A_98 = tpu.memref_slice %arg15[%mul3A_2, %dma_start3A_97] : memref<10112x16xf32, #tpu.memory_space<vmem_shared>> -> memref<632x16xf32, #tpu.memory_space<vmem_shared>>
      tpu.enqueue_dma source(%dma_start3A_98 : memref<632x16xf32, #tpu.memory_space<vmem_shared>>) target(%dma_start3A_96 : memref<632x16xf32, #tpu.memory_space<hbm>>) target_semaphore(%run_scoped3A : memref<!tpu.dma_semaphore, #tpu.memory_space<semaphore_mem>>)
      %dma_wait3A_99 = arith.constant 0 : i32
      %dma_wait3A_100 = tpu.memref_slice %arg6[%arg0, %mul3A_2, %dma_wait3A_99] : memref<2x10112x16xf32, #tpu.memory_space<hbm>> -> memref<1x632x16xf32, #tpu.memory_space<hbm>>
      %dma_wait3A_101 = tpu.memref_squeeze %dma_wait3A_100 : memref<1x632x16xf32, #tpu.memory_space<hbm>> -> memref<632x16xf32, #tpu.memory_space<hbm>>
      %dma_wait3A_102 = arith.constant 0 : i32
      %dma_wait3A_103 = tpu.memref_slice %arg15[%mul3A_2, %dma_wait3A_102] : memref<10112x16xf32, #tpu.memory_space<vmem_shared>> -> memref<632x16xf32, #tpu.memory_space<vmem_shared>>
      tpu.wait_dma2 semaphore(%run_scoped3A : memref<!tpu.dma_semaphore, #tpu.memory_space<semaphore_mem>>) src(%dma_wait3A_103 : memref<632x16xf32, #tpu.memory_space<vmem_shared>>) dst(%dma_wait3A_101 : memref<632x16xf32, #tpu.memory_space<hbm>>)
      tpu.yield
    }) : () -> ()
    return
  }
}

module attributes {stable_mosaic.version = 14 : i64} {
  func.func @_pre_body(%arg0: i32, %arg1: memref<10000x128xf32, #tpu.memory_space<vmem>>, %arg2: memref<128x128xf32, #tpu.memory_space<vmem>>, %arg3: memref<1x128xf32, #tpu.memory_space<vmem>>, %arg4: memref<10000x128xf32, #tpu.memory_space<vmem>>) attributes {dimension_semantics = [#tpu.dimension_semantics<arbitrary>], iteration_bounds = array<i64: 1>, scalar_prefetch = 0 : i64, scratch_operands = 0 : i64, tpu.core_type = #tpu.core_type<tc>, window_params = [{transform_indices = @transform_0, window_bounds = array<i64: 10000, 128>}, {pipeline_mode = #tpu.pipeline_mode<synchronous>, transform_indices = @transform_1, window_bounds = array<i64: 128, 128>}, {pipeline_mode = #tpu.pipeline_mode<synchronous>, transform_indices = @transform_2, window_bounds = array<i64: 1, 128>}, {transform_indices = @transform_3, window_bounds = array<i64: 10000, 128>}]} {
    %get3A = arith.constant 0 : index
    %get3A_0 = arith.constant 0 : index
    %get3A_1 = vector.load %arg1[%get3A, %get3A_0] : memref<10000x128xf32, #tpu.memory_space<vmem>>, vector<10000x128xf32>
    %get3A_2 = arith.constant 0 : index
    %get3A_3 = arith.constant 0 : index
    %get3A_4 = vector.load %arg2[%get3A_2, %get3A_3] : memref<128x128xf32, #tpu.memory_space<vmem>>, vector<128x128xf32>
    %dot_general3A = arith.constant dense<0.000000e+00> : vector<10000x128xf32>
    %dot_general3A_5 = tpu.matmul %get3A_1, %get3A_4, %dot_general3A {dimension_numbers = #tpu.dot_dimension_numbers<[1], [0], [0], [1], [0, 0, 1, 1], [], []>, transpose_lhs_hint = false} : vector<10000x128xf32>, vector<128x128xf32>, vector<10000x128xf32> -> vector<10000x128xf32>
    %get3A_6 = arith.constant 0 : index
    %get3A_7 = arith.constant 0 : index
    %get3A_8 = vector.load %arg3[%get3A_6, %get3A_7] : memref<1x128xf32, #tpu.memory_space<vmem>>, vector<1x128xf32>
    %add3A = vector.broadcast %get3A_8 : vector<1x128xf32> to vector<10000x128xf32>
    %add3A_9 = arith.addf %dot_general3A_5, %add3A : vector<10000x128xf32>
    %swap3A = arith.constant 0 : index
    %swap3A_10 = arith.constant 0 : index
    %swap3A_11 = vector.load %arg4[%swap3A, %swap3A_10] : memref<10000x128xf32, #tpu.memory_space<vmem>>, vector<10000x128xf32>
    tpu.vector_store %arg4[%swap3A, %swap3A_10], %add3A_9 {strides = array<i32>} : memref<10000x128xf32, #tpu.memory_space<vmem>>, vector<10000x128xf32>,
    return
  }
  func.func @transform_0(%arg0: i32) -> (i32, i32) {
    %c0_i32 = arith.constant 0 : i32
    %c0_i32_0 = arith.constant 0 : i32
    return %arg0, %c0_i32 : i32, i32
  }
  func.func @transform_1(%arg0: i32) -> (i32, i32) {
    %c0_i32 = arith.constant 0 : i32
    %c0_i32_0 = arith.constant 0 : i32
    %c0_i32_1 = arith.constant 0 : i32
    return %c0_i32, %c0_i32_0 : i32, i32
  }
  func.func @transform_2(%arg0: i32) -> (i32, i32) {
    %c0_i32 = arith.constant 0 : i32
    %c0_i32_0 = arith.constant 0 : i32
    %c0_i32_1 = arith.constant 0 : i32
    return %c0_i32, %c0_i32_0 : i32, i32
  }
  func.func @transform_3(%arg0: i32) -> (i32, i32) {
    %c0_i32 = arith.constant 0 : i32
    %c0_i32_0 = arith.constant 0 : i32
    return %arg0, %c0_i32 : i32, i32
  }
}

module attributes {stable_mosaic.version = 14 : i64} {
  func.func @_l1_body(%arg0: i32, %arg1: memref<10000x128xf32, #tpu.memory_space<vmem>>, %arg2: memref<2x10000x64xf32, #tpu.memory_space<vmem>>, %arg3: memref<2x10000x16xf32, #tpu.memory_space<vmem>>, %arg4: memref<128x128xf32, #tpu.memory_space<vmem>>, %arg5: memref<128x128xf32, #tpu.memory_space<vmem>>, %arg6: memref<2x10000x64xf32, #tpu.memory_space<vmem>>, %arg7: memref<10000x128xf32, #tpu.memory_space<vmem>>) attributes {dimension_semantics = [#tpu.dimension_semantics<arbitrary>], iteration_bounds = array<i64: 1>, scalar_prefetch = 0 : i64, scratch_operands = 0 : i64, tpu.core_type = #tpu.core_type<tc>, window_params = [{transform_indices = @transform_0, window_bounds = array<i64: 10000, 128>}, {transform_indices = @transform_1, window_bounds = array<i64: 2, 10000, 64>}, {transform_indices = @transform_2, window_bounds = array<i64: 2, 10000, 16>}, {pipeline_mode = #tpu.pipeline_mode<synchronous>, transform_indices = @transform_3, window_bounds = array<i64: 128, 128>}, {pipeline_mode = #tpu.pipeline_mode<synchronous>, transform_indices = @transform_4, window_bounds = array<i64: 128, 128>}, {transform_indices = @transform_5, window_bounds = array<i64: 2, 10000, 64>}, {transform_indices = @transform_6, window_bounds = array<i64: 10000, 128>}]} {
    %get3A = arith.constant 0 : index
    %get3A_0 = arith.constant 0 : index
    %get3A_1 = arith.constant 0 : index
    %get3A_2 = vector.load %arg3[%get3A, %get3A_0, %get3A_1] : memref<2x10000x16xf32, #tpu.memory_space<vmem>>, vector<1x10000x1xf32>
    %get3A_3 = vector.shape_cast %get3A_2 : vector<1x10000x1xf32> to vector<10000x1xf32>
    %get3A_4 = arith.constant 1 : index
    %get3A_5 = arith.constant 0 : index
    %get3A_6 = arith.constant 0 : index
    %get3A_7 = vector.load %arg3[%get3A_4, %get3A_5, %get3A_6] : memref<2x10000x16xf32, #tpu.memory_space<vmem>>, vector<1x10000x1xf32>
    %get3A_8 = vector.shape_cast %get3A_7 : vector<1x10000x1xf32> to vector<10000x1xf32>
    %add3A = arith.addf %get3A_3, %get3A_8 : vector<10000x1xf32>
    %max3A = arith.constant 1.000000e+00 : f32
    %max3A_9 = vector.broadcast %max3A : f32 to vector<10000x1xf32>
    %max3A_10 = arith.maximumf %add3A, %max3A_9 : vector<10000x1xf32>
    %div3A = arith.constant 1.000000e+00 : f32
    %div3A_11 = vector.broadcast %div3A : f32 to vector<10000x1xf32>
    %div3A_12 = arith.divf %div3A_11, %max3A_10 : vector<10000x1xf32>
    %get3A_13 = arith.constant 0 : index
    %get3A_14 = arith.constant 0 : index
    %get3A_15 = arith.constant 0 : index
    %get3A_16 = vector.load %arg2[%get3A_13, %get3A_14, %get3A_15] : memref<2x10000x64xf32, #tpu.memory_space<vmem>>, vector<1x10000x64xf32>
    %get3A_17 = vector.shape_cast %get3A_16 : vector<1x10000x64xf32> to vector<10000x64xf32>
    %get3A_18 = arith.constant 1 : index
    %get3A_19 = arith.constant 0 : index
    %get3A_20 = arith.constant 0 : index
    %get3A_21 = vector.load %arg2[%get3A_18, %get3A_19, %get3A_20] : memref<2x10000x64xf32, #tpu.memory_space<vmem>>, vector<1x10000x64xf32>
    %get3A_22 = vector.shape_cast %get3A_21 : vector<1x10000x64xf32> to vector<10000x64xf32>
    %concatenate3A = tpu.concatenate %get3A_17, %get3A_22 in 1 : vector<10000x64xf32>, vector<10000x64xf32> -> vector<10000x128xf32>
    %mul3A = vector.broadcast %div3A_12 : vector<10000x1xf32> to vector<10000x128xf32>
    %mul3A_23 = arith.mulf %concatenate3A, %mul3A : vector<10000x128xf32>
    %get3A_24 = arith.constant 0 : index
    %get3A_25 = arith.constant 0 : index
    %get3A_26 = vector.load %arg1[%get3A_24, %get3A_25] : memref<10000x128xf32, #tpu.memory_space<vmem>>, vector<10000x128xf32>
    %get3A_27 = arith.constant 0 : index
    %get3A_28 = arith.constant 0 : index
    %get3A_29 = vector.load %arg4[%get3A_27, %get3A_28] : memref<128x128xf32, #tpu.memory_space<vmem>>, vector<128x128xf32>
    %dot_general3A = arith.constant dense<0.000000e+00> : vector<10000x128xf32>
    %dot_general3A_30 = tpu.matmul %mul3A_23, %get3A_29, %dot_general3A {dimension_numbers = #tpu.dot_dimension_numbers<[1], [0], [0], [1], [0, 0, 1, 1], [], []>, transpose_lhs_hint = false} : vector<10000x128xf32>, vector<128x128xf32>, vector<10000x128xf32> -> vector<10000x128xf32>
    %add3A_31 = arith.addf %get3A_26, %dot_general3A_30 : vector<10000x128xf32>
    %max3A_32 = arith.constant 0.000000e+00 : f32
    %max3A_33 = vector.broadcast %max3A_32 : f32 to vector<10000x128xf32>
    %max3A_34 = arith.maximumf %add3A_31, %max3A_33 : vector<10000x128xf32>
    %slice3A = vector.extract_strided_slice %max3A_34 {offsets = [0, 0], sizes = [10000, 64], strides = [1, 1]} : vector<10000x128xf32> to vector<10000x64xf32>
    %swap3A = arith.constant 0 : index
    %swap3A_35 = arith.constant 0 : index
    %swap3A_36 = arith.constant 0 : index
    %swap3A_37 = vector.load %arg6[%swap3A, %swap3A_35, %swap3A_36] : memref<2x10000x64xf32, #tpu.memory_space<vmem>>, vector<1x10000x64xf32>
    %swap3A_38 = vector.shape_cast %swap3A_37 : vector<1x10000x64xf32> to vector<10000x64xf32>
    %swap3A_39 = vector.shape_cast %slice3A : vector<10000x64xf32> to vector<1x10000x64xf32>
    tpu.vector_store %arg6[%swap3A, %swap3A_35, %swap3A_36], %swap3A_39 {strides = array<i32>} : memref<2x10000x64xf32, #tpu.memory_space<vmem>>, vector<1x10000x64xf32>,
    %slice3A_40 = vector.extract_strided_slice %max3A_34 {offsets = [0, 64], sizes = [10000, 64], strides = [1, 1]} : vector<10000x128xf32> to vector<10000x64xf32>
    %swap3A_41 = arith.constant 1 : index
    %swap3A_42 = arith.constant 0 : index
    %swap3A_43 = arith.constant 0 : index
    %swap3A_44 = vector.load %arg6[%swap3A_41, %swap3A_42, %swap3A_43] : memref<2x10000x64xf32, #tpu.memory_space<vmem>>, vector<1x10000x64xf32>
    %swap3A_45 = vector.shape_cast %swap3A_44 : vector<1x10000x64xf32> to vector<10000x64xf32>
    %swap3A_46 = vector.shape_cast %slice3A_40 : vector<10000x64xf32> to vector<1x10000x64xf32>
    tpu.vector_store %arg6[%swap3A_41, %swap3A_42, %swap3A_43], %swap3A_46 {strides = array<i32>} : memref<2x10000x64xf32, #tpu.memory_space<vmem>>, vector<1x10000x64xf32>,
    %get3A_47 = arith.constant 0 : index
    %get3A_48 = arith.constant 0 : index
    %get3A_49 = vector.load %arg5[%get3A_47, %get3A_48] : memref<128x128xf32, #tpu.memory_space<vmem>>, vector<128x128xf32>
    %dot_general3A_50 = arith.constant dense<0.000000e+00> : vector<10000x128xf32>
    %dot_general3A_51 = tpu.matmul %max3A_34, %get3A_49, %dot_general3A_50 {dimension_numbers = #tpu.dot_dimension_numbers<[1], [0], [0], [1], [0, 0, 1, 1], [], []>, transpose_lhs_hint = false} : vector<10000x128xf32>, vector<128x128xf32>, vector<10000x128xf32> -> vector<10000x128xf32>
    %swap3A_52 = arith.constant 0 : index
    %swap3A_53 = arith.constant 0 : index
    %swap3A_54 = vector.load %arg7[%swap3A_52, %swap3A_53] : memref<10000x128xf32, #tpu.memory_space<vmem>>, vector<10000x128xf32>
    tpu.vector_store %arg7[%swap3A_52, %swap3A_53], %dot_general3A_51 {strides = array<i32>} : memref<10000x128xf32, #tpu.memory_space<vmem>>, vector<10000x128xf32>,
    return
  }
  func.func @transform_0(%arg0: i32) -> (i32, i32) {
    %c0_i32 = arith.constant 0 : i32
    %c0_i32_0 = arith.constant 0 : i32
    return %arg0, %c0_i32 : i32, i32
  }
  func.func @transform_1(%arg0: i32) -> (i32, i32, i32) {
    %c0_i32 = arith.constant 0 : i32
    %c0_i32_0 = arith.constant 0 : i32
    %c0_i32_1 = arith.constant 0 : i32
    return %c0_i32, %arg0, %c0_i32_0 : i32, i32, i32
  }
  func.func @transform_2(%arg0: i32) -> (i32, i32, i32) {
    %c0_i32 = arith.constant 0 : i32
    %c0_i32_0 = arith.constant 0 : i32
    %c0_i32_1 = arith.constant 0 : i32
    return %c0_i32, %arg0, %c0_i32_0 : i32, i32, i32
  }
  func.func @transform_3(%arg0: i32) -> (i32, i32) {
    %c0_i32 = arith.constant 0 : i32
    %c0_i32_0 = arith.constant 0 : i32
    %c0_i32_1 = arith.constant 0 : i32
    return %c0_i32, %c0_i32_0 : i32, i32
  }
  func.func @transform_4(%arg0: i32) -> (i32, i32) {
    %c0_i32 = arith.constant 0 : i32
    %c0_i32_0 = arith.constant 0 : i32
    %c0_i32_1 = arith.constant 0 : i32
    return %c0_i32, %c0_i32_0 : i32, i32
  }
  func.func @transform_5(%arg0: i32) -> (i32, i32, i32) {
    %c0_i32 = arith.constant 0 : i32
    %c0_i32_0 = arith.constant 0 : i32
    %c0_i32_1 = arith.constant 0 : i32
    return %c0_i32, %arg0, %c0_i32_0 : i32, i32, i32
  }
  func.func @transform_6(%arg0: i32) -> (i32, i32) {
    %c0_i32 = arith.constant 0 : i32
    %c0_i32_0 = arith.constant 0 : i32
    return %arg0, %c0_i32 : i32, i32
  }
}

module attributes {stable_mosaic.version = 14 : i64} {
  func.func @_l2_body(%arg0: i32, %arg1: memref<10000x128xf32, #tpu.memory_space<vmem>>, %arg2: memref<2x10000x64xf32, #tpu.memory_space<vmem>>, %arg3: memref<2x10000x16xf32, #tpu.memory_space<vmem>>, %arg4: memref<128x128xf32, #tpu.memory_space<vmem>>, %arg5: memref<1x128xf32, #tpu.memory_space<vmem>>, %arg6: memref<10000x128xf32, #tpu.memory_space<vmem>>) attributes {dimension_semantics = [#tpu.dimension_semantics<arbitrary>], iteration_bounds = array<i64: 1>, scalar_prefetch = 0 : i64, scratch_operands = 0 : i64, tpu.core_type = #tpu.core_type<tc>, window_params = [{transform_indices = @transform_0, window_bounds = array<i64: 10000, 128>}, {transform_indices = @transform_1, window_bounds = array<i64: 2, 10000, 64>}, {transform_indices = @transform_2, window_bounds = array<i64: 2, 10000, 16>}, {pipeline_mode = #tpu.pipeline_mode<synchronous>, transform_indices = @transform_3, window_bounds = array<i64: 128, 128>}, {pipeline_mode = #tpu.pipeline_mode<synchronous>, transform_indices = @transform_4, window_bounds = array<i64: 1, 128>}, {transform_indices = @transform_5, window_bounds = array<i64: 10000, 128>}]} {
    %get3A = arith.constant 0 : index
    %get3A_0 = arith.constant 0 : index
    %get3A_1 = arith.constant 0 : index
    %get3A_2 = vector.load %arg3[%get3A, %get3A_0, %get3A_1] : memref<2x10000x16xf32, #tpu.memory_space<vmem>>, vector<1x10000x1xf32>
    %get3A_3 = vector.shape_cast %get3A_2 : vector<1x10000x1xf32> to vector<10000x1xf32>
    %get3A_4 = arith.constant 1 : index
    %get3A_5 = arith.constant 0 : index
    %get3A_6 = arith.constant 0 : index
    %get3A_7 = vector.load %arg3[%get3A_4, %get3A_5, %get3A_6] : memref<2x10000x16xf32, #tpu.memory_space<vmem>>, vector<1x10000x1xf32>
    %get3A_8 = vector.shape_cast %get3A_7 : vector<1x10000x1xf32> to vector<10000x1xf32>
    %add3A = arith.addf %get3A_3, %get3A_8 : vector<10000x1xf32>
    %max3A = arith.constant 1.000000e+00 : f32
    %max3A_9 = vector.broadcast %max3A : f32 to vector<10000x1xf32>
    %max3A_10 = arith.maximumf %add3A, %max3A_9 : vector<10000x1xf32>
    %div3A = arith.constant 1.000000e+00 : f32
    %div3A_11 = vector.broadcast %div3A : f32 to vector<10000x1xf32>
    %div3A_12 = arith.divf %div3A_11, %max3A_10 : vector<10000x1xf32>
    %get3A_13 = arith.constant 0 : index
    %get3A_14 = arith.constant 0 : index
    %get3A_15 = arith.constant 0 : index
    %get3A_16 = vector.load %arg2[%get3A_13, %get3A_14, %get3A_15] : memref<2x10000x64xf32, #tpu.memory_space<vmem>>, vector<1x10000x64xf32>
    %get3A_17 = vector.shape_cast %get3A_16 : vector<1x10000x64xf32> to vector<10000x64xf32>
    %get3A_18 = arith.constant 1 : index
    %get3A_19 = arith.constant 0 : index
    %get3A_20 = arith.constant 0 : index
    %get3A_21 = vector.load %arg2[%get3A_18, %get3A_19, %get3A_20] : memref<2x10000x64xf32, #tpu.memory_space<vmem>>, vector<1x10000x64xf32>
    %get3A_22 = vector.shape_cast %get3A_21 : vector<1x10000x64xf32> to vector<10000x64xf32>
    %concatenate3A = tpu.concatenate %get3A_17, %get3A_22 in 1 : vector<10000x64xf32>, vector<10000x64xf32> -> vector<10000x128xf32>
    %mul3A = vector.broadcast %div3A_12 : vector<10000x1xf32> to vector<10000x128xf32>
    %mul3A_23 = arith.mulf %concatenate3A, %mul3A : vector<10000x128xf32>
    %get3A_24 = arith.constant 0 : index
    %get3A_25 = arith.constant 0 : index
    %get3A_26 = vector.load %arg1[%get3A_24, %get3A_25] : memref<10000x128xf32, #tpu.memory_space<vmem>>, vector<10000x128xf32>
    %get3A_27 = arith.constant 0 : index
    %get3A_28 = arith.constant 0 : index
    %get3A_29 = vector.load %arg4[%get3A_27, %get3A_28] : memref<128x128xf32, #tpu.memory_space<vmem>>, vector<128x128xf32>
    %dot_general3A = arith.constant dense<0.000000e+00> : vector<10000x128xf32>
    %dot_general3A_30 = tpu.matmul %mul3A_23, %get3A_29, %dot_general3A {dimension_numbers = #tpu.dot_dimension_numbers<[1], [0], [0], [1], [0, 0, 1, 1], [], []>, transpose_lhs_hint = false} : vector<10000x128xf32>, vector<128x128xf32>, vector<10000x128xf32> -> vector<10000x128xf32>
    %add3A_31 = arith.addf %get3A_26, %dot_general3A_30 : vector<10000x128xf32>
    %get3A_32 = arith.constant 0 : index
    %get3A_33 = arith.constant 0 : index
    %get3A_34 = vector.load %arg5[%get3A_32, %get3A_33] : memref<1x128xf32, #tpu.memory_space<vmem>>, vector<1x128xf32>
    %add3A_35 = vector.broadcast %get3A_34 : vector<1x128xf32> to vector<10000x128xf32>
    %add3A_36 = arith.addf %add3A_31, %add3A_35 : vector<10000x128xf32>
    %swap3A = arith.constant 0 : index
    %swap3A_37 = arith.constant 0 : index
    %swap3A_38 = vector.load %arg6[%swap3A, %swap3A_37] : memref<10000x128xf32, #tpu.memory_space<vmem>>, vector<10000x128xf32>
    tpu.vector_store %arg6[%swap3A, %swap3A_37], %add3A_36 {strides = array<i32>} : memref<10000x128xf32, #tpu.memory_space<vmem>>, vector<10000x128xf32>,
    return
  }
  func.func @transform_0(%arg0: i32) -> (i32, i32) {
    %c0_i32 = arith.constant 0 : i32
    %c0_i32_0 = arith.constant 0 : i32
    return %arg0, %c0_i32 : i32, i32
  }
  func.func @transform_1(%arg0: i32) -> (i32, i32, i32) {
    %c0_i32 = arith.constant 0 : i32
    %c0_i32_0 = arith.constant 0 : i32
    %c0_i32_1 = arith.constant 0 : i32
    return %c0_i32, %arg0, %c0_i32_0 : i32, i32, i32
  }
  func.func @transform_2(%arg0: i32) -> (i32, i32, i32) {
    %c0_i32 = arith.constant 0 : i32
    %c0_i32_0 = arith.constant 0 : i32
    %c0_i32_1 = arith.constant 0 : i32
    return %c0_i32, %arg0, %c0_i32_0 : i32, i32, i32
  }
  func.func @transform_3(%arg0: i32) -> (i32, i32) {
    %c0_i32 = arith.constant 0 : i32
    %c0_i32_0 = arith.constant 0 : i32
    %c0_i32_1 = arith.constant 0 : i32
    return %c0_i32, %c0_i32_0 : i32, i32
  }
  func.func @transform_4(%arg0: i32) -> (i32, i32) {
    %c0_i32 = arith.constant 0 : i32
    %c0_i32_0 = arith.constant 0 : i32
    %c0_i32_1 = arith.constant 0 : i32
    return %c0_i32, %c0_i32_0 : i32, i32
  }
  func.func @transform_5(%arg0: i32) -> (i32, i32) {
    %c0_i32 = arith.constant 0 : i32
    %c0_i32_0 = arith.constant 0 : i32
    return %arg0, %c0_i32 : i32, i32
  }
}

</mosaic_0001>

<sc_bundles>
// kernel: kernel.10.cloned.1.call-start
scs
__scs_entry_jumppad:
0x0: {  	(pc) =	sbr.rel $0x88, $3  }
0x1: {  	(tag) =	ssettag $0x0;
	lr =	simm.s32 $0x1  }
0x2: {  	[smem:$0x3F99] =	sst lr;
	_ =	strace $0xD0000000  }
0x3: {  	_ = 	snop  }
0x4: {  	_ = 	snop  }
0x5: {  	_ = 	snop  }
0x6: {  	_ = 	snop  }
0x7: {  	_ = 	snop  }
__scs_overlays_trampoline_lowered:
0x8: {  	[smem:$0x3FA8] =	sst s0  }
0x9: {  	[smem:$0x3FA9] =	sst s1  }
0xa: {  	[smem:$0x3FAA] =	sst s2  }
0xb: {  	[smem:$0x3FAB] =	sst s3  }
0xc: {  	[smem:$0x3FAC] =	sst s4  }
0xd: {  	[smem:$0x3FAD] =	sst s5  }
0xe: {  	[smem:$0x3FAE] =	sst s6  }
0xf: {  	[smem:$0x3FAF] =	sst s7  }
0x10: {  	[smem:$0x3FB0] =	sst s8  }
0x11: {  	[smem:$0x3FB1] =	sst s9;
	s0 =	simm.s32 @!p0 $0x0  }
0x12: {  	s1 =	sld [smem:$0x3F97];
	s0 =	simm.s32 @p0 $0x1  }
0x13: {  	[smem:$0x3FB2] =	sst s0;
	s0 =	simm.s32 @!p1 $0x0  }
0x14: {  	s2 =	sld [smem:$0x3F96];
	s0 =	simm.s32 @p1 $0x1  }
0x15: {  	[smem:$0x3FB3] =	sst s0;
	s0 =	simm.s32 @!p2 $0x0  }
0x16: {  	s3 =	sld [smem:$0x3FDB];
	s0 =	simm.s32 @p2 $0x1  }
0x17: {  	s4 =	simm.s32 $0x1BF5;
	[smem:$0x3FB5] =	sst s0  }
0x18: {  	s0 =	sld [smem:$0x3F98];
	_ =	swait.ge [sflag:s4], $0x0  }
0x19: {  	s7 =	sld [smem:$0x3F99]  }
0x1a: {  	s8 =	sadd.s32 $0xFFFFE003, lr  }
0x1b: {  	s9 =	sadd.s32 $0xFFFFFEF7, lr;
	s5 =	simm.s32 $0xFFFFFFFF;
	p2 =	slt.u32 s8, $0xFFFFF086  }
0x1c: {  	p1 =	slt.u32 s9, $0xF7A;
	s5 =	simm.s32 @!p2 $0x0  }
0x1d: {  	s5 =	simm.s32 @p1 $0x1;
	p0 =	seq.s32 s7, s2  }
0x1e: {  	s7 =	smul.u32 @!p0 $0xF7A, s2;
	p2 =	seq.s32 @!p0 s5, $0x0  }
0x1f: {  	s9 =	smul.u32 $0xF7A, s1;
	s8 =	simm.s32 @!p0 $0x1BF5;
	p2 =	por !p2, p0  }
0x20: {  	[sflag:s8] =	ssyncset.s32 @!p0 $0xFFFFF086;
	s6 =	sadd.s32 @!p0 s3, s7;
	s7 =	simm.s32 @!p0 $0x108  }
0x21: {  	s3 =	sadd.s32 s3, s9;
	s6 =	sadd.s32 @!p0 $0x88, s6;
	s7 =	simm.s32 @p2 $0x1082  }
0x22: {  	[simem:s7], [sflag:s8] =	dma.local @!p0 [hbm:s6], $0xF7A  }
0x23: {  	s9 =	sor.u32 $0xD0000000, s2;
	s6 =	simm.s32 $0x108;
	_ =	swait.ge @!p0 [sflag:s8], $0x0  }
0x24: {  	s3 =	sadd.s32 $0x88, s3;
	s6 =	simm.s32 @!p1 $0x1082;
	[sflag:s4] =	ssyncset.s32 $0xFFFFF086  }
0x25: {  	[simem:s6], [sflag:s4] =	dma.local [hbm:s3], $0xF7A  }
0x26: {  	[smem:$0x3F99] =	sst s1;
	(tag) =	ssettag s2;
	_ =	strace s9  }
0x27: {  	s1 =	sld [smem:$0x3FA9]  }
0x28: {  	s2 =	sld [smem:$0x3FAA]  }
0x29: {  	s4 =	sld [smem:$0x3FAC]  }
0x2a: {  	p0 =	seq.s32 s5, $0x0;
	s5 =	sld [smem:$0x3FAD]  }
0x2b: {  	s6 =	sld [smem:$0x3FAE]  }
0x2c: {  	s7 =	sld [smem:$0x3FAF]  }
0x2d: {  	s3 =	simm.s32 $0x108;
	s8 =	sld [smem:$0x3FB0]  }
0x2e: {  	s3 =	simm.s32 @!p0 $0x1082;
	s9 =	sld [smem:$0x3FB1]  }
0x2f: {  	lr =	sadd.s32 s0, s3;
	s0 =	sld [smem:$0x3FA8]  }
0x30: {  	s3 =	sld [smem:$0x3FAB]  }
0x31: {  	[smem:$0x3FB4] =	sst s10  }
0x32: {  	s10 =	sld [smem:$0x3FB2];
	_ =	sdelay $0x3  }
0x33: {  	p0 =	seq.s32 s10, $0x1;
	s10 =	sld [smem:$0x3FB4];
	_ =	sdelay $0x3  }
0x34: {  	[smem:$0x3FB4] =	sst s10  }
0x35: {  	s10 =	sld [smem:$0x3FB3];
	_ =	sdelay $0x3  }
0x36: {  	p1 =	seq.s32 s10, $0x1;
	s10 =	sld [smem:$0x3FB4];
	_ =	sdelay $0x3  }
0x37: {  	[smem:$0x3FB4] =	sst s10  }
0x38: {  	s10 =	sld [smem:$0x3FB5]  }
0x39: {  	_ = 	snop;
	(pc) =	sbr.ind lr, $3  }
0x3a: {  	_ = 	snop  }
0x3b: {  	_ = 	snop  }
0x3c: {  	p2 =	seq.s32 s10, $0x1;
	s10 =	sld [smem:$0x3FB4]  }
0x3d: {  	_ =	shalt  }
0x3e: {  	_ =	shalt  }
0x3f: {  	_ =	shalt  }
0x40: {  	_ =	shalt  }
0x41: {  	_ =	shalt  }
0x42: {  	_ =	shalt  }
0x43: {  	_ =	shalt  }
0x44: {  	_ =	shalt  }
0x45: {  	_ =	shalt  }
0x46: {  	_ =	shalt  }
0x47: {  	_ =	shalt  }
0x48: {  	_ =	shalt  }
0x49: {  	_ =	shalt  }
0x4a: {  	_ =	shalt  }
0x4b: {  	_ =	shalt  }
0x4c: {  	_ =	shalt  }
0x4d: {  	_ =	shalt  }
0x4e: {  	_ =	shalt  }
0x4f: {  	_ =	shalt  }
0x50: {  	_ =	shalt  }
0x51: {  	_ =	shalt  }
0x52: {  	_ =	shalt  }
0x53: {  	_ =	shalt  }
0x54: {  	_ =	shalt  }
0x55: {  	_ =	shalt  }
0x56: {  	_ =	shalt  }
0x57: {  	_ =	shalt  }
0x58: {  	_ =	shalt  }
0x59: {  	_ =	shalt  }
0x5a: {  	_ =	shalt  }
0x5b: {  	_ =	shalt  }
0x5c: {  	_ =	shalt  }
0x5d: {  	_ =	shalt  }
0x5e: {  	_ =	shalt  }
0x5f: {  	_ =	shalt  }
0x60: {  	_ =	shalt  }
0x61: {  	_ =	shalt  }
0x62: {  	_ =	shalt  }
0x63: {  	_ =	shalt  }
0x64: {  	_ =	shalt  }
0x65: {  	_ =	shalt  }
0x66: {  	_ =	shalt  }
0x67: {  	_ =	shalt  }
0x68: {  	_ =	shalt  }
0x69: {  	_ =	shalt  }
0x6a: {  	_ =	shalt  }
0x6b: {  	_ =	shalt  }
0x6c: {  	_ =	shalt  }
0x6d: {  	_ =	shalt  }
0x6e: {  	_ =	shalt  }
0x6f: {  	_ =	shalt  }
0x70: {  	_ =	shalt  }
0x71: {  	_ =	shalt  }
0x72: {  	_ =	shalt  }
0x73: {  	_ =	shalt  }
0x74: {  	_ =	shalt  }
0x75: {  	_ =	shalt  }
0x76: {  	_ =	shalt  }
0x77: {  	_ =	shalt  }
0x78: {  	_ =	shalt  }
0x79: {  	_ =	shalt  }
0x7a: {  	_ =	shalt  }
0x7b: {  	_ =	shalt  }
0x7c: {  	_ =	shalt  }
0x7d: {  	_ =	shalt  }
0x7e: {  	_ =	shalt  }
0x7f: {  	_ =	shalt  }
0x80: {  	_ =	shalt  }
0x81: {  	_ =	shalt  }
0x82: {  	_ =	shalt  }
0x83: {  	_ =	shalt  }
0x84: {  	_ =	shalt  }
0x85: {  	_ =	shalt  }
0x86: {  	_ =	shalt  }
0x87: {  	_ =	shalt  }
.Lfunc_end0:
.L_simem_size_0:
called_computation.1_lowered:
.L_overlay_start_0:
0x88: {  	s2 =	sld [smem:$0x3FD9]  }
0x89: {  	s3 =	sld [smem:$0x3FFE];
	_ =	sdelay $0x1  }
0x8a: {  	s1 =	srdreg.scid  }
0x8b: {  	s0 =	sand.u32 $0x1, s1  }
0x8c: {  	s17 =	sshll.u32 s0, $0xA;
	s2 =	sadd.s32 s3, s2  }
0x8d: {  	s2 =	sadd.s32 s2, s17  }
0x8e: {  	[smem:$0x3FC0] =	sst s2  }
0x8f: {  	_ = 	snop  }
0x90: {  	s2 =	sld [smem:$0x3FD0];
	(tm) =	ssettm $0x1  }
0x91: {  	s18 =	sld [smem:$0x3FFB];
	_ =	sdelay $0x3  }
0x92: {  	_ =	strace s18  }
0x93: {  	s3 =	sld [smem:$0x3FFC];
	_ =	sdelay $0x3  }
0x94: {  	_ =	strace s3  }
0x95: {  	s3 =	sld [smem:$0x3FFD];
	_ =	sdelay $0x3  }
0x96: {  	_ =	strace s3  }
0x97: {  	_ =	strace $0x8FFFFFFF  }
0x98: {  	s19 =	sld [smem:$0x3FDB];
	_ =	sdelay $0x1  }
0x99: {  	s4 =	simm.s32 $_scs_section_size  }
0x9a: {  	s5 =	simm.s32 $_size__tile_overlayer_lowered;
	s6 =	simm.s32 $_tile_overlayer_lowered  }
0x9b: {  	s22 =	simm.s32 $0x1BFF;
	s21 =	sshll.u32 s6, $0x1;
	s3 =	sadd.s32 s4, s19  }
0x9c: {  	s7 =	simm.s32 $0x0;
	s20 =	sshll.u32 s5, $0x1;
	s5 =	sadd.s32 s21, s3  }
0x9d: {  	[timem:s7], [sflag:s22] =	dma.local [hbm:s5], s20  }
0x9e: {  	_ =	swait.ge [sflag:s22], s20  }
0x9f: {  	s4 =	ssub.s32 $0x0, s20;
	[sflag:s22] =	ssyncset.done $0x0  }
0xa0: {  	[sflag:s22] =	ssyncadd.s32 s4;
	_ =	sdelay $0x1  }
0xa1: {  	s23 =	simm.s32 $0x1B8B  }
0xa2: {  	_ =	swait.ge [sflag:s23], $0x1  }
0xa3: {  	[sflag:s23] =	ssyncset.done $0x0  }
0xa4: {  	s25 =	simm.s32 $0x1B8E;
	s24 =	sld [smem:$0x3FFE];
	[sflag:s23] =	ssyncadd.s32 $0xFFFFFFFF  }
0xa5: {  	s26 =	simm.s32 $execute0_lowered;
	[smem:$0x3FD2] =	sst s25  }
0xa6: {  	s5 =	sshll.u32 s26, $0x1;
	_ =	strace $0x80000049;
	[dreg:$0x1] =	wrdreg $0xFFFFFFFF  }
0xa7: {  	s28 =	simm.s32 $_size_execute0_lowered;
	s3 =	sadd.s32 s3, s5;
	[dreg:$0x0] =	wrdreg $0x0  }
0xa8: {  	s5 =	sshll.u32 s28, $0x1;
	[dreg:$0x2] =	wrdreg s3  }
0xa9: {  	[dreg:$0x3] =	wrdreg s5  }
0xaa: {  	[dreg:$0x4] =	wrdreg $0xC0  }
0xab: {  	_ =	task [dreg:s7], $0x5FFFF  }
0xac: {  	[dreg:$0x1] =	wrdreg $0xFFFFFFFF  }
0xad: {  	[dreg:$0x0] =	wrdreg $0x60  }
0xae: {  	[dreg:$0x2] =	wrdreg s2  }
0xaf: {  	[dreg:$0x3] =	wrdreg s24  }
0xb0: {  	[dreg:$0x4] =	wrdreg $0xEE000  }
0xb1: {  	[dreg:$0x5] =	wrdreg $0x9  }
0xb2: {  	_ =	task.clear_ibuf [dreg:s7], $0x6FFFF;
	_ =	strace $0x90000049  }
0xb3: {  	s29 =	simm.s32 $0x9;
	_ =	strace $0x8000004B  }
0xb4: {  	_ =	swait.ge [sflag:s29], $0x1  }
0xb5: {  	[sflag:s29] =	ssyncadd.s32 $0xFFFFFFFF  }
0xb6: {  	_ =	strace $0x9000004B  }
0xb7: {  	_ =	sfence  }
0xb8: {  	s30 =	sld [smem:$0x0];
	_ =	sdelay $0x2  }
0xb9: {  	s31 =	sshll.u32 s1, $0xD;
	s1 =	sshrl.u32 s1, $0x2  }
0xba: {  	s3 =	sand.u32 $0x4000, s31;
	s1 =	sadd.s32 s1, s30  }
0xbb: {  	s0 =	sor.u32 s3, s0;
	s1 =	sshll.u32 s1, $0x11  }
0xbc: {  	s0 =	sor.u32 s1, s0  }
0xbd: {  	s0 =	sadd.s32 $0x8F2B, s0  }
0xbe: {  	[sflag:s0] =	ssyncadd.remote.s32 $0x1  }
0xbf: {  	_ =	sfence.sel $0xFFFF  }
0xc0: {  	[dreg:$0x0] =	wrdreg $0xFFFFFFFF;
	(pc) =	sbr.abs _section_cstart, $3  }
0xc1: {  	[dreg:$0x1] =	wrdreg $0xFFFFFFFF  }
0xc2: {  	_ =	task.clear_ibuf [dreg:s7], $0x2FFFF;
	_ =	strace $0x9FFFFFFF  }
0xc3: {  	(tm) =	ssettm $0x7FFFFFFF  }
tec
execute0_lowered:
.L_overlay_start_1:
0x0: {  	(tag) =	ssettag $0x1  }
0x1: {  	s0 =	srdreg.scid;
	s1 =	rddreg [dreg:$0x0]  }
0x2: {  	s8 =	stileid.u32;
	s5 =	rddreg [dreg:$0x1]  }
0x3: {  	s3 =	rddreg [dreg:$0x2];
	s4 =	simm.s32 $0x0;
	s19 =	simm.s32 $0xDE00  }
0x4: {  	s20 =	simm.s32 $0x5;
	s21 =	simm.s32 $0x4F00;
	s22 =	simm.s32 $0x80  }
0x5: {  	s23 =	simm.s32 $0x9E00;
	s24 =	simm.s32 $0xBE00;
	s25 =	simm.s32 $0x1  }
0x6: {  	s26 =	simm.s32 $0x3;
	s29 =	simm.s32 $0x2;
	s31 =	simm.s32 $0x4  }
0x7: {  	s30 =	simm.s32 $0x0;
	s0 =	sand.u32 $0x1, s0;
	s6 =	smul.u32 $0x9E00, s8  }
0x8: {  	[smem:$0x7FF] =	sst s4;
	s2 =	sshll.u32 s0, $0x4;
	s7 =	smul.u32 $0x9E000, s0  }
0x9: {  	s0 =	ssub.s32 $0x2, s0;
	s2 =	sor.u32 s8, s2;
	s8 =	smul.u32 $0x27800, s8  }
0xa: {  	s9 =	sshrl.u32 s0, $0x1;
	s2 =	smul.u32 $0x9E0, s2;
	s7 =	sadd.s32 s6, s7  }
0xb: {  	_ =	strace $0x8000004A;
	s0 =	ssub.s32 s0, s9;
	s7 =	sshrl.u32 s7, $0x3  }
0xc: {  	s8 =	sshrl.u32 s8, $0x2;
	s18 =	smax.u32 s0, $0x1;
	s2 =	sadd.s32 s2, s5  }
0xd: {  	s17 =	sadd.s32 s7, s5;
	s14 =	sadd.s32 s8, s3;
	s5 =	sadd.s32 s6, s3  }
0xe: {  	s6 =	sadd.s32 $0x1000, s14;
	s7 =	sadd.s32 $0x2000, s14;
	s8 =	sadd.s32 $0x3000, s14  }
0xf: {  	s9 =	sadd.s32 $0x4000, s14;
	s10 =	sadd.s32 $0x5000, s14;
	s11 =	sadd.s32 $0x6000, s14  }
0x10: {  	s12 =	sadd.s32 $0x7000, s14;
	s13 =	sadd.s32 $0x8000, s14;
	s14 =	sadd.s32 $0x9000, s14  }
0x11: {  	v0 =	vimm.f32 $0.0e+00;
	s15 =	sadd.s32 $0x1C00, s2;
	s16 =	sadd.s32 $0x15800, s2;
	s17 =	sadd.s32 $0x29400, s17  }
.LBB2_1:
0x12: {  	s0 =	simm.s32 $0x100;
	s2 =	simm.s32 $0x0  }
.LBB2_2:
0x13: {  	p0 =	sne.s32 s0, $0x3F00;
	[tilespmem:s2+$0xDE30] =	vst v0;
	s28 =	smov.u32 s0;
	s0 =	sadd.s32 $0x100, s0  }
.Ltmp0:
0x14: {  	[tilespmem:s2+$0xDE20] =	vst v0;
	(pc) =	sbr.rel @p0 .LBB2_2-.Ltmp0, $3  }
0x15: {  	[tilespmem:s2+$0xDE00] =	vst v0  }
0x16: {  	[tilespmem:s2+$0xDE10] =	vst v0;
	_ =	sdelay $0x1  }
0x17: {  	s2 =	sshra.s32 s28, $0x2  }
0x18: {  	[tilespmem:s2+$0xDE30] =	vst v0  }
0x19: {  	[tilespmem:s2+$0xDE20] =	vst v0  }
0x1a: {  	[tilespmem:s2+$0xDE00] =	vst v0  }
0x1b: {  	[tilespmem:s2+$0xDE10] =	vst v0  }
0x1c: {  	[spmem:s5] =	stream.linear.scatter [tilespmem:s19], [sflag:$0x5], $0x1000, $0x38;
	[tilespmem:$0x18C00] =	vst v63  }
0x1d: {  	_ =	swait.ge [sflag:s20], $0x1000  }
0x1e: {  	[sflag:s20] =	ssyncset.done $0x0  }
0x1f: {  	[sflag:s20] =	ssyncadd.s32 $0xFFFFF000  }
0x20: {  	[spmem:s6] =	stream.linear.scatter [tilespmem:s19], [sflag:$0x5], $0x1000, $0x38;
	[tilespmem:$0x18C00] =	vst v63  }
0x21: {  	_ =	swait.ge [sflag:s20], $0x1000  }
0x22: {  	[sflag:s20] =	ssyncset.done $0x0  }
0x23: {  	[sflag:s20] =	ssyncadd.s32 $0xFFFFF000  }
0x24: {  	[spmem:s7] =	stream.linear.scatter [tilespmem:s19], [sflag:$0x5], $0x1000, $0x38;
	[tilespmem:$0x18C00] =	vst v63  }
0x25: {  	_ =	swait.ge [sflag:s20], $0x1000  }
0x26: {  	[sflag:s20] =	ssyncset.done $0x0  }
0x27: {  	[sflag:s20] =	ssyncadd.s32 $0xFFFFF000  }
0x28: {  	[spmem:s8] =	stream.linear.scatter [tilespmem:s19], [sflag:$0x5], $0x1000, $0x38;
	[tilespmem:$0x18C00] =	vst v63  }
0x29: {  	_ =	swait.ge [sflag:s20], $0x1000  }
0x2a: {  	[sflag:s20] =	ssyncset.done $0x0  }
0x2b: {  	[sflag:s20] =	ssyncadd.s32 $0xFFFFF000  }
0x2c: {  	[spmem:s9] =	stream.linear.scatter [tilespmem:s19], [sflag:$0x5], $0x1000, $0x38;
	[tilespmem:$0x18C00] =	vst v63  }
0x2d: {  	_ =	swait.ge [sflag:s20], $0x1000  }
0x2e: {  	[sflag:s20] =	ssyncset.done $0x0  }
0x2f: {  	[sflag:s20] =	ssyncadd.s32 $0xFFFFF000  }
0x30: {  	[spmem:s10] =	stream.linear.scatter [tilespmem:s19], [sflag:$0x5], $0x1000, $0x38;
	[tilespmem:$0x18C00] =	vst v63  }
0x31: {  	_ =	swait.ge [sflag:s20], $0x1000  }
0x32: {  	[sflag:s20] =	ssyncset.done $0x0  }
0x33: {  	[sflag:s20] =	ssyncadd.s32 $0xFFFFF000  }
0x34: {  	[spmem:s11] =	stream.linear.scatter [tilespmem:s19], [sflag:$0x5], $0x1000, $0x38;
	[tilespmem:$0x18C00] =	vst v63  }
0x35: {  	_ =	swait.ge [sflag:s20], $0x1000  }
0x36: {  	[sflag:s20] =	ssyncset.done $0x0  }
0x37: {  	[sflag:s20] =	ssyncadd.s32 $0xFFFFF000  }
0x38: {  	[spmem:s12] =	stream.linear.scatter [tilespmem:s19], [sflag:$0x5], $0x1000, $0x38;
	[tilespmem:$0x18C00] =	vst v63  }
0x39: {  	_ =	swait.ge [sflag:s20], $0x1000  }
0x3a: {  	[sflag:s20] =	ssyncset.done $0x0  }
0x3b: {  	[sflag:s20] =	ssyncadd.s32 $0xFFFFF000  }
0x3c: {  	[spmem:s13] =	stream.linear.scatter [tilespmem:s19], [sflag:$0x5], $0x1000, $0x38;
	[tilespmem:$0x18C00] =	vst v63  }
0x3d: {  	_ =	swait.ge [sflag:s20], $0x1000  }
0x3e: {  	[sflag:s20] =	ssyncset.done $0x0  }
0x3f: {  	[sflag:s20] =	ssyncadd.s32 $0xFFFFF000  }
0x40: {  	[spmem:s14] =	stream.linear.scatter [tilespmem:s19], [sflag:$0x5], $0xE00, $0x38;
	[tilespmem:$0x18C00] =	vst v63  }
0x41: {  	_ =	swait.ge [sflag:s20], $0xE00  }
0x42: {  	[sflag:s20] =	ssyncset.done $0x0  }
0x43: {  	[sflag:s20] =	ssyncadd.s32 $0xFFFFF200  }
0x44: {  	[tilespmem:s4], [sflag:$0x5] =	stream.linear.gather [hbm4b:s15+s4], $0x4F00, $0x38;
	[tilespmem:$0x18C00] =	vst v63  }
0x45: {  	_ =	swait.ge [sflag:s20], $0x4F00  }
0x46: {  	[sflag:s20] =	ssyncset.done $0x0  }
0x47: {  	[sflag:s20] =	ssyncadd.s32 $0xFFFFB100  }
0x48: {  	[tilespmem:s21], [sflag:$0x5] =	stream.linear.gather [hbm4b:s16+s4], $0x4F00, $0x38;
	[tilespmem:$0x18C00] =	vst v63  }
0x49: {  	_ =	swait.ge [sflag:s20], $0x4F00  }
0x4a: {  	[sflag:s20] =	ssyncset.done $0x0  }
0x4b: {  	[sflag:s20] =	ssyncadd.s32 $0xFFFFB100  }
0x4c: {  	[bflag:$0x0] =	sbarrier.arrive $0xFFFF  }
0x4d: {  	[tilespmem:s23], [sflag:$0x1] =	stream.indirect.gather [hbm4b:s1+s22], $0x40, s4, s22, $0xb8;
	[tilespmem:$0x18C00] =	vst v63  }
0x4e: {  	_ = 	snop  }
0x4f: {  	[tilespmem:s24], [sflag:$0x2] =	stream.indirect.gather [hbm4b:s1+s22], $0x40, s22, s22, $0xb8;
	[tilespmem:$0x18C00] =	vst v63  }
0x50: {  	_ =	swait.ge [sflag:s25], $0x2000  }
0x51: {  	[sflag:s25] =	ssyncset.done $0x0  }
0x52: {  	[sflag:s25] =	ssyncadd.s32 $0xFFFFE000  }
0x53: {  	[spmem:s3] =	stream.indirect.scatter.add.f32 [tilespmem:s23], [sflag:$0x3], $0x40, s21, s22, $0xb8;
	[tilespmem:$0x18C00] =	vst v63  }
0x54: {  	_ =	swait.ge [sflag:s26], $0x2000  }
0x55: {  	[sflag:s26] =	ssyncset.done $0x0  }
0x56: {  	s0 =	simm.s32 $0x100;
	[sflag:s26] =	ssyncadd.s32 $0xFFFFE000  }
0x57: {  	[tilespmem:s23], [sflag:$0x1] =	stream.indirect.gather [hbm4b:s1+s22], $0x40, s0, s22, $0xb8;
	[tilespmem:$0x18C00] =	vst v63  }
0x58: {  	_ =	swait.ge [sflag:s29], $0x2000  }
0x59: {  	[sflag:s29] =	ssyncset.done $0x0  }
0x5a: {  	s2 =	simm.s32 $0x4F80;
	[sflag:s29] =	ssyncadd.s32 $0xFFFFE000  }
0x5b: {  	[spmem:s3] =	stream.indirect.scatter.add.f32 [tilespmem:s24], [sflag:$0x4], $0x40, s2, s22, $0xb8;
	[tilespmem:$0x18C00] =	vst v63  }
0x5c: {  	_ =	swait.ge [sflag:s31], $0x2000  }
0x5d: {  	[sflag:s31] =	ssyncset.done $0x0  }
0x5e: {  	s28 =	simm.s32 $0x180;
	[sflag:s31] =	ssyncadd.s32 $0xFFFFE000  }
0x5f: {  	[tilespmem:s24], [sflag:$0x2] =	stream.indirect.gather [hbm4b:s1+s22], $0x40, s28, s22, $0xb8;
	[tilespmem:$0x18C00] =	vst v63  }
0x60: {  	_ =	swait.ge [sflag:s25], $0x2000  }
0x61: {  	[sflag:s25] =	ssyncset.done $0x0  }
0x62: {  	s2 =	simm.s32 $0x5000;
	[sflag:s25] =	ssyncadd.s32 $0xFFFFE000  }
0x63: {  	[spmem:s3] =	stream.indirect.scatter.add.f32 [tilespmem:s23], [sflag:$0x3], $0x40, s2, s22, $0xb8;
	[tilespmem:$0x18C00] =	vst v63  }
0x64: {  	_ =	swait.ge [sflag:s26], $0x2000  }
0x65: {  	[sflag:s26] =	ssyncset.done $0x0  }
0x66: {  	s28 =	simm.s32 $0x200;
	[sflag:s26] =	ssyncadd.s32 $0xFFFFE000  }
0x67: {  	[tilespmem:s23], [sflag:$0x1] =	stream.indirect.gather [hbm4b:s1+s22], $0x40, s28, s22, $0xb8;
	[tilespmem:$0x18C00] =	vst v63  }
0x68: {  	_ =	swait.ge [sflag:s29], $0x2000  }
0x69: {  	[sflag:s29] =	ssyncset.done $0x0  }
0x6a: {  	s0 =	simm.s32 $0x5080;
	s2 =	simm.s32 $0xFFFED000;
	[sflag:s29] =	ssyncadd.s32 $0xFFFFE000  }
.LBB2_4:
0x6b: {  	[spmem:s3] =	stream.indirect.scatter.add.f32 [tilespmem:s24], [sflag:$0x4], $0x40, s0, s22, $0xb8;
	[tilespmem:$0x18C00] =	vst v63  }
0x6c: {  	s0 =	smov.u32 s2  }
0x6d: {  	p0 =	sne.s32 s2, $0xFFFFFC00;
	s2 =	sadd.s32 $0x400, s2;
	_ =	swait.ge [sflag:s31], $0x2000  }
0x6e: {  	s0 =	sshra.s32 s0, $0x2;
	[sflag:s31] =	ssyncset.done $0x0  }
0x6f: {  	s28 =	sadd.s32 $0x4E80, s0;
	[sflag:s31] =	ssyncadd.s32 $0xFFFFE000  }
0x70: {  	[tilespmem:s24], [sflag:$0x2] =	stream.indirect.gather [hbm4b:s1+s22], $0x40, s28, s22, $0xb8;
	[tilespmem:$0x18C00] =	vst v63  }
0x71: {  	_ =	swait.ge [sflag:s25], $0x2000  }
0x72: {  	[sflag:s25] =	ssyncset.done $0x0  }
0x73: {  	s28 =	sadd.s32 $0x9D00, s0;
	[sflag:s25] =	ssyncadd.s32 $0xFFFFE000  }
0x74: {  	[spmem:s3] =	stream.indirect.scatter.add.f32 [tilespmem:s23], [sflag:$0x3], $0x40, s28, s22, $0xb8;
	[tilespmem:$0x18C00] =	vst v63  }
0x75: {  	_ =	swait.ge [sflag:s26], $0x2000  }
0x76: {  	[sflag:s26] =	ssyncset.done $0x0  }
.Ltmp1:
0x77: {  	s28 =	sadd.s32 $0x4F00, s0;
	[sflag:s26] =	ssyncadd.s32 $0xFFFFE000;
	(pc) =	sbr.rel @p0 .LBB2_4-.Ltmp1, $4  }
0x78: {  	[tilespmem:s23], [sflag:$0x1] =	stream.indirect.gather [hbm4b:s1+s22], $0x40, s28, s22, $0xb8;
	[tilespmem:$0x18C00] =	vst v63  }
0x79: {  	_ =	swait.ge [sflag:s29], $0x2000  }
0x7a: {  	[sflag:s29] =	ssyncset.done $0x0  }
0x7b: {  	s0 =	sadd.s32 $0x9D80, s0;
	[sflag:s29] =	ssyncadd.s32 $0xFFFFE000  }
0x7c: {  	[spmem:s3] =	stream.indirect.scatter.add.f32 [tilespmem:s24], [sflag:$0x4], $0x40, s0, s22, $0xb8;
	[tilespmem:$0x18C00] =	vst v63  }
0x7d: {  	_ =	swait.ge [sflag:s31], $0x2000  }
0x7e: {  	[sflag:s31] =	ssyncset.done $0x0  }
0x7f: {  	s2 =	simm.s32 $0x4E80;
	[sflag:s31] =	ssyncadd.s32 $0xFFFFE000  }
0x80: {  	[tilespmem:s24], [sflag:$0x2] =	stream.indirect.gather [hbm4b:s1+s22], $0x40, s2, s22, $0xb8;
	[tilespmem:$0x18C00] =	vst v63  }
0x81: {  	_ =	swait.ge [sflag:s25], $0x2000  }
0x82: {  	[sflag:s25] =	ssyncset.done $0x0  }
0x83: {  	s28 =	simm.s32 $0x9D00;
	[sflag:s25] =	ssyncadd.s32 $0xFFFFE000  }
0x84: {  	[spmem:s3] =	stream.indirect.scatter.add.f32 [tilespmem:s23], [sflag:$0x3], $0x40, s28, s22, $0xb8;
	[tilespmem:$0x18C00] =	vst v63  }
0x85: {  	_ =	swait.ge [sflag:s29], $0x2000  }
0x86: {  	[sflag:s29] =	ssyncset.done $0x0  }
0x87: {  	s2 =	simm.s32 $0x9D80;
	[sflag:s29] =	ssyncadd.s32 $0xFFFFE000  }
0x88: {  	[spmem:s3] =	stream.indirect.scatter.add.f32 [tilespmem:s24], [sflag:$0x4], $0x40, s2, s22, $0xb8;
	[tilespmem:$0x18C00] =	vst v63  }
0x89: {  	_ =	swait.ge [sflag:s26], $0x2000  }
0x8a: {  	[sflag:s26] =	ssyncset.done $0x0  }
0x8b: {  	[sflag:s26] =	ssyncadd.s32 $0xFFFFE000  }
0x8c: {  	s28 =	stileid.u32;
	_ =	swait.ge [sflag:s31], $0x2000  }
0x8d: {  	s30 =	sadd.s32 $0x1, s30;
	s0 =	sshll.u32 s28, $0x6;
	[sflag:s31] =	ssyncset.done $0x0  }
0x8e: {  	p0 =	sne.s32 s30, s18;
	s0 =	sor.u32 $0x1C05, s0;
	[sflag:s31] =	ssyncadd.s32 $0xFFFFE000  }
.Ltmp2:
0x8f: {  	s2 =	sshrl.u32 s5, $0x3;
	[bflag:$0x0] =	sbarrier.arrive $0xFFFF;
	(pc) =	sbr.rel @p0 .LBB2_1-.Ltmp2, $4  }
0x90: {  	[hbm:s17], [sflag:s0] =	dma.local [spmem:s2], $0x13C0  }
0x91: {  	_ =	swait.ge [sflag:s20], $0x13C0  }
0x92: {  	[sflag:s20] =	ssyncset.done $0x0  }
0x93: {  	[sflag:s20] =	ssyncadd.s32 $0xFFFFEC40  }
0x94: {  	_ =	sfence.sel $0x180000  }
0x95: {  	[bflag:$0x0] =	sbarrier.arrive $0xFFFF  }
0x96: {  	_ =	strace $0x9000004A  }
0x97: {  	s0 =	stileid.u32;
	[bflag:$0x2] =	sbarrier.arrive $0xFFFF  }
0x98: {  	p0 =	sne.s32 s0, $0x0;
	s0 =	rddreg [dreg:$0x3]  }
0x99: {  	s0 =	sadd.s32 @!p0 $0x100000, s0  }
0x9a: {  	[sflag:s0] =	ssyncadd.tile.s32 @!p0 $0x1;
	_ =	shalt  }
.Lfunc_end2:
_tile_overlayer_lowered:
.L_overlay_start_2:
0x9b: {  	(tag) =	ssettag $0x2  }
0x9c: {  	s0 =	rddreg [dreg:$0x0];
	s2 =	stileid.u32  }
0x9d: {  	s1 =	rddreg [dreg:$0x1];
	p0 =	sne.s32 s2, $0x0  }
0x9e: {  	s3 =	rddreg [dreg:$0x2];
	[bflag:$0x3] =	sbarrier.arrive $0xFFFF;
	s2 =	simm.s32 @!p0 $0x1C05  }
0x9f: {  	[timem:s3], [sflag:s2] =	dma.local @!p0 [hbm:s0], s1  }
0xa0: {  	s0 =	simm.s32 @!p0 $0x5  }
0xa1: {  	_ =	swait.ge @!p0 [sflag:s0], s1  }
0xa2: {  	s1 =	ssub.s32 @!p0 $0x0, s1;
	[sflag:s0] =	ssyncset.done @!p0 $0x0  }
0xa3: {  	[sflag:s0] =	ssyncadd.s32 @!p0 s1  }
0xa4: {  	[bflag:$0x3] =	sbarrier.arrive $0xFFFF  }
0xa5: {  	_ =	shalt  }

// kernel: kernel.7.cloned.1.call-start
scs
__scs_entry_jumppad:
0x0: {  	(pc) =	sbr.rel $0x88, $3  }
0x1: {  	(tag) =	ssettag $0x0;
	lr =	simm.s32 $0x1  }
0x2: {  	[smem:$0x3F99] =	sst lr;
	_ =	strace $0xD0000000  }
0x3: {  	_ = 	snop  }
0x4: {  	_ = 	snop  }
0x5: {  	_ = 	snop  }
0x6: {  	_ = 	snop  }
0x7: {  	_ = 	snop  }
__scs_overlays_trampoline_lowered:
0x8: {  	[smem:$0x3FA8] =	sst s0  }
0x9: {  	[smem:$0x3FA9] =	sst s1  }
0xa: {  	[smem:$0x3FAA] =	sst s2  }
0xb: {  	[smem:$0x3FAB] =	sst s3  }
0xc: {  	[smem:$0x3FAC] =	sst s4  }
0xd: {  	[smem:$0x3FAD] =	sst s5  }
0xe: {  	[smem:$0x3FAE] =	sst s6  }
0xf: {  	[smem:$0x3FAF] =	sst s7  }
0x10: {  	[smem:$0x3FB0] =	sst s8  }
0x11: {  	[smem:$0x3FB1] =	sst s9;
	s0 =	simm.s32 @!p0 $0x0  }
0x12: {  	s1 =	sld [smem:$0x3F97];
	s0 =	simm.s32 @p0 $0x1  }
0x13: {  	[smem:$0x3FB2] =	sst s0;
	s0 =	simm.s32 @!p1 $0x0  }
0x14: {  	s2 =	sld [smem:$0x3F96];
	s0 =	simm.s32 @p1 $0x1  }
0x15: {  	[smem:$0x3FB3] =	sst s0;
	s0 =	simm.s32 @!p2 $0x0  }
0x16: {  	s3 =	sld [smem:$0x3FDB];
	s0 =	simm.s32 @p2 $0x1  }
0x17: {  	s4 =	simm.s32 $0x1BF5;
	[smem:$0x3FB5] =	sst s0  }
0x18: {  	s0 =	sld [smem:$0x3F98];
	_ =	swait.ge [sflag:s4], $0x0  }
0x19: {  	s7 =	sld [smem:$0x3F99]  }
0x1a: {  	s8 =	sadd.s32 $0xFFFFE003, lr  }
0x1b: {  	s9 =	sadd.s32 $0xFFFFFEF7, lr;
	s5 =	simm.s32 $0xFFFFFFFF;
	p2 =	slt.u32 s8, $0xFFFFF086  }
0x1c: {  	p1 =	slt.u32 s9, $0xF7A;
	s5 =	simm.s32 @!p2 $0x0  }
0x1d: {  	s5 =	simm.s32 @p1 $0x1;
	p0 =	seq.s32 s7, s2  }
0x1e: {  	s7 =	smul.u32 @!p0 $0xF7A, s2;
	p2 =	seq.s32 @!p0 s5, $0x0  }
0x1f: {  	s9 =	smul.u32 $0xF7A, s1;
	s8 =	simm.s32 @!p0 $0x1BF5;
	p2 =	por !p2, p0  }
0x20: {  	[sflag:s8] =	ssyncset.s32 @!p0 $0xFFFFF086;
	s6 =	sadd.s32 @!p0 s3, s7;
	s7 =	simm.s32 @!p0 $0x108  }
0x21: {  	s3 =	sadd.s32 s3, s9;
	s6 =	sadd.s32 @!p0 $0x88, s6;
	s7 =	simm.s32 @p2 $0x1082  }
0x22: {  	[simem:s7], [sflag:s8] =	dma.local @!p0 [hbm:s6], $0xF7A  }
0x23: {  	s9 =	sor.u32 $0xD0000000, s2;
	s6 =	simm.s32 $0x108;
	_ =	swait.ge @!p0 [sflag:s8], $0x0  }
0x24: {  	s3 =	sadd.s32 $0x88, s3;
	s6 =	simm.s32 @!p1 $0x1082;
	[sflag:s4] =	ssyncset.s32 $0xFFFFF086  }
0x25: {  	[simem:s6], [sflag:s4] =	dma.local [hbm:s3], $0xF7A  }
0x26: {  	[smem:$0x3F99] =	sst s1;
	(tag) =	ssettag s2;
	_ =	strace s9  }
0x27: {  	s1 =	sld [smem:$0x3FA9]  }
0x28: {  	s2 =	sld [smem:$0x3FAA]  }
0x29: {  	s4 =	sld [smem:$0x3FAC]  }
0x2a: {  	p0 =	seq.s32 s5, $0x0;
	s5 =	sld [smem:$0x3FAD]  }
0x2b: {  	s6 =	sld [smem:$0x3FAE]  }
0x2c: {  	s7 =	sld [smem:$0x3FAF]  }
0x2d: {  	s3 =	simm.s32 $0x108;
	s8 =	sld [smem:$0x3FB0]  }
0x2e: {  	s3 =	simm.s32 @!p0 $0x1082;
	s9 =	sld [smem:$0x3FB1]  }
0x2f: {  	lr =	sadd.s32 s0, s3;
	s0 =	sld [smem:$0x3FA8]  }
0x30: {  	s3 =	sld [smem:$0x3FAB]  }
0x31: {  	[smem:$0x3FB4] =	sst s10  }
0x32: {  	s10 =	sld [smem:$0x3FB2];
	_ =	sdelay $0x3  }
0x33: {  	p0 =	seq.s32 s10, $0x1;
	s10 =	sld [smem:$0x3FB4];
	_ =	sdelay $0x3  }
0x34: {  	[smem:$0x3FB4] =	sst s10  }
0x35: {  	s10 =	sld [smem:$0x3FB3];
	_ =	sdelay $0x3  }
0x36: {  	p1 =	seq.s32 s10, $0x1;
	s10 =	sld [smem:$0x3FB4];
	_ =	sdelay $0x3  }
0x37: {  	[smem:$0x3FB4] =	sst s10  }
0x38: {  	s10 =	sld [smem:$0x3FB5]  }
0x39: {  	_ = 	snop;
	(pc) =	sbr.ind lr, $3  }
0x3a: {  	_ = 	snop  }
0x3b: {  	_ = 	snop  }
0x3c: {  	p2 =	seq.s32 s10, $0x1;
	s10 =	sld [smem:$0x3FB4]  }
0x3d: {  	_ =	shalt  }
0x3e: {  	_ =	shalt  }
0x3f: {  	_ =	shalt  }
0x40: {  	_ =	shalt  }
0x41: {  	_ =	shalt  }
0x42: {  	_ =	shalt  }
0x43: {  	_ =	shalt  }
0x44: {  	_ =	shalt  }
0x45: {  	_ =	shalt  }
0x46: {  	_ =	shalt  }
0x47: {  	_ =	shalt  }
0x48: {  	_ =	shalt  }
0x49: {  	_ =	shalt  }
0x4a: {  	_ =	shalt  }
0x4b: {  	_ =	shalt  }
0x4c: {  	_ =	shalt  }
0x4d: {  	_ =	shalt  }
0x4e: {  	_ =	shalt  }
0x4f: {  	_ =	shalt  }
0x50: {  	_ =	shalt  }
0x51: {  	_ =	shalt  }
0x52: {  	_ =	shalt  }
0x53: {  	_ =	shalt  }
0x54: {  	_ =	shalt  }
0x55: {  	_ =	shalt  }
0x56: {  	_ =	shalt  }
0x57: {  	_ =	shalt  }
0x58: {  	_ =	shalt  }
0x59: {  	_ =	shalt  }
0x5a: {  	_ =	shalt  }
0x5b: {  	_ =	shalt  }
0x5c: {  	_ =	shalt  }
0x5d: {  	_ =	shalt  }
0x5e: {  	_ =	shalt  }
0x5f: {  	_ =	shalt  }
0x60: {  	_ =	shalt  }
0x61: {  	_ =	shalt  }
0x62: {  	_ =	shalt  }
0x63: {  	_ =	shalt  }
0x64: {  	_ =	shalt  }
0x65: {  	_ =	shalt  }
0x66: {  	_ =	shalt  }
0x67: {  	_ =	shalt  }
0x68: {  	_ =	shalt  }
0x69: {  	_ =	shalt  }
0x6a: {  	_ =	shalt  }
0x6b: {  	_ =	shalt  }
0x6c: {  	_ =	shalt  }
0x6d: {  	_ =	shalt  }
0x6e: {  	_ =	shalt  }
0x6f: {  	_ =	shalt  }
0x70: {  	_ =	shalt  }
0x71: {  	_ =	shalt  }
0x72: {  	_ =	shalt  }
0x73: {  	_ =	shalt  }
0x74: {  	_ =	shalt  }
0x75: {  	_ =	shalt  }
0x76: {  	_ =	shalt  }
0x77: {  	_ =	shalt  }
0x78: {  	_ =	shalt  }
0x79: {  	_ =	shalt  }
0x7a: {  	_ =	shalt  }
0x7b: {  	_ =	shalt  }
0x7c: {  	_ =	shalt  }
0x7d: {  	_ =	shalt  }
0x7e: {  	_ =	shalt  }
0x7f: {  	_ =	shalt  }
0x80: {  	_ =	shalt  }
0x81: {  	_ =	shalt  }
0x82: {  	_ =	shalt  }
0x83: {  	_ =	shalt  }
0x84: {  	_ =	shalt  }
0x85: {  	_ =	shalt  }
0x86: {  	_ =	shalt  }
0x87: {  	_ =	shalt  }
.Lfunc_end0:
.L_simem_size_0:
called_computation_lowered:
.L_overlay_start_0:
0x88: {  	s2 =	sld [smem:$0x3FD9]  }
0x89: {  	s3 =	sld [smem:$0x3FFE];
	_ =	sdelay $0x1  }
0x8a: {  	s1 =	srdreg.scid  }
0x8b: {  	s0 =	sand.u32 $0x1, s1  }
0x8c: {  	s17 =	sshll.u32 s0, $0xA;
	s2 =	sadd.s32 s3, s2  }
0x8d: {  	s2 =	sadd.s32 s2, s17  }
0x8e: {  	[smem:$0x3FC0] =	sst s2  }
0x8f: {  	_ = 	snop  }
0x90: {  	s2 =	sld [smem:$0x3FD0];
	(tm) =	ssettm $0x1  }
0x91: {  	s18 =	sld [smem:$0x3FFB];
	_ =	sdelay $0x3  }
0x92: {  	_ =	strace s18  }
0x93: {  	s3 =	sld [smem:$0x3FFC];
	_ =	sdelay $0x3  }
0x94: {  	_ =	strace s3  }
0x95: {  	s3 =	sld [smem:$0x3FFD];
	_ =	sdelay $0x3  }
0x96: {  	_ =	strace s3  }
0x97: {  	_ =	strace $0x8FFFFFFF  }
0x98: {  	s19 =	sld [smem:$0x3FDB];
	_ =	sdelay $0x1  }
0x99: {  	s4 =	simm.s32 $_scs_section_size  }
0x9a: {  	s5 =	simm.s32 $_size__tile_overlayer_lowered;
	s6 =	simm.s32 $_tile_overlayer_lowered  }
0x9b: {  	s22 =	simm.s32 $0x1BFF;
	s21 =	sshll.u32 s6, $0x1;
	s3 =	sadd.s32 s4, s19  }
0x9c: {  	s7 =	simm.s32 $0x0;
	s20 =	sshll.u32 s5, $0x1;
	s5 =	sadd.s32 s21, s3  }
0x9d: {  	[timem:s7], [sflag:s22] =	dma.local [hbm:s5], s20  }
0x9e: {  	_ =	swait.ge [sflag:s22], s20  }
0x9f: {  	s4 =	ssub.s32 $0x0, s20;
	[sflag:s22] =	ssyncset.done $0x0  }
0xa0: {  	[sflag:s22] =	ssyncadd.s32 s4;
	_ =	sdelay $0x1  }
0xa1: {  	s23 =	simm.s32 $0x1B8B  }
0xa2: {  	_ =	swait.ge [sflag:s23], $0x1  }
0xa3: {  	[sflag:s23] =	ssyncset.done $0x0  }
0xa4: {  	s25 =	simm.s32 $0x1B8E;
	s24 =	sld [smem:$0x3FFE];
	[sflag:s23] =	ssyncadd.s32 $0xFFFFFFFF  }
0xa5: {  	s26 =	simm.s32 $execute0_lowered;
	[smem:$0x3FD2] =	sst s25  }
0xa6: {  	s5 =	sshll.u32 s26, $0x1;
	_ =	strace $0x80000046;
	[dreg:$0x1] =	wrdreg $0xFFFFFFFF  }
0xa7: {  	s28 =	simm.s32 $_size_execute0_lowered;
	s3 =	sadd.s32 s3, s5;
	[dreg:$0x0] =	wrdreg $0x0  }
0xa8: {  	s5 =	sshll.u32 s28, $0x1;
	[dreg:$0x2] =	wrdreg s3  }
0xa9: {  	[dreg:$0x3] =	wrdreg s5  }
0xaa: {  	[dreg:$0x4] =	wrdreg $0xC0  }
0xab: {  	_ =	task [dreg:s7], $0x5FFFF  }
0xac: {  	[dreg:$0x1] =	wrdreg $0xFFFFFFFF  }
0xad: {  	[dreg:$0x0] =	wrdreg $0x60  }
0xae: {  	[dreg:$0x2] =	wrdreg s2  }
0xaf: {  	[dreg:$0x3] =	wrdreg s24  }
0xb0: {  	[dreg:$0x4] =	wrdreg $0xFA000  }
0xb1: {  	[dreg:$0x5] =	wrdreg $0x198000  }
0xb2: {  	[dreg:$0x6] =	wrdreg $0x9  }
0xb3: {  	_ =	task.clear_ibuf [dreg:s7], $0x7FFFF;
	_ =	strace $0x90000046  }
0xb4: {  	s29 =	simm.s32 $0x9;
	_ =	strace $0x80000048  }
0xb5: {  	_ =	swait.ge [sflag:s29], $0x1  }
0xb6: {  	[sflag:s29] =	ssyncadd.s32 $0xFFFFFFFF  }
0xb7: {  	_ =	strace $0x90000048  }
0xb8: {  	_ =	sfence  }
0xb9: {  	s30 =	sld [smem:$0x0];
	_ =	sdelay $0x2  }
0xba: {  	s31 =	sshll.u32 s1, $0xD;
	s1 =	sshrl.u32 s1, $0x2  }
0xbb: {  	s3 =	sand.u32 $0x4000, s31;
	s1 =	sadd.s32 s1, s30  }
0xbc: {  	s0 =	sor.u32 s3, s0;
	s1 =	sshll.u32 s1, $0x11  }
0xbd: {  	s0 =	sor.u32 s1, s0  }
0xbe: {  	s0 =	sadd.s32 $0x8F2B, s0  }
0xbf: {  	[sflag:s0] =	ssyncadd.remote.s32 $0x1  }
0xc0: {  	_ =	sfence.sel $0xFFFF  }
0xc1: {  	[dreg:$0x0] =	wrdreg $0xFFFFFFFF;
	(pc) =	sbr.abs _section_cstart, $3  }
0xc2: {  	[dreg:$0x1] =	wrdreg $0xFFFFFFFF  }
0xc3: {  	_ =	task.clear_ibuf [dreg:s7], $0x2FFFF;
	_ =	strace $0x9FFFFFFF  }
0xc4: {  	(tm) =	ssettm $0x7FFFFFFF  }
0xc5: {  	_ =	shalt  }
tec
execute0_lowered:
.L_overlay_start_1:
0x0: {  	(tag) =	ssettag $0x1  }
0x1: {  	s0 =	srdreg.scid  }
0x2: {  	s12 =	stileid.u32;
	s1 =	rddreg [dreg:$0x0]  }
0x3: {  	s6 =	rddreg [dreg:$0x1];
	s7 =	smul.u32 $0x9E00, s12  }
0x4: {  	s3 =	rddreg [dreg:$0x2];
	s0 =	sand.u32 $0x1, s0;
	s9 =	smul.u32 $0x2780, s12  }
0x5: {  	s4 =	rddreg [dreg:$0x3];
	s5 =	simm.s32 $0x0;
	s8 =	smul.u32 $0x9E000, s0  }
0x6: {  	[smem:$0x7FF] =	sst s5;
	s2 =	sshll.u32 s0, $0x4;
	s10 =	smul.u32 $0x27800, s0  }
0x7: {  	_ =	strace $0x80000047;
	s11 =	ssub.s32 $0x2, s0;
	p0 =	seq.s32 s0, $0x0  }
0x8: {  	p1 =	sne.s32 s0, $0x0;
	s2 =	sor.u32 s12, s2;
	s12 =	smul.u32 $0x278, s12  }
0x9: {  	s19 =	sshrl.u32 s11, $0x1;
	s2 =	smul.u32 $0x9E0, s2;
	s8 =	sadd.s32 s7, s8  }
0xa: {  	s10 =	sadd.s32 s9, s10;
	s11 =	ssub.s32 s11, s19;
	s8 =	sshrl.u32 s8, $0x3  }
0xb: {  	s10 =	sshrl.u32 s10, $0x3;
	s14 =	sadd.s32 $0x80, s12;
	s15 =	sadd.s32 $0xC0, s12  }
0xc: {  	s22 =	sadd.s32 $0x100, s12;
	s17 =	sadd.s32 $0x140, s12;
	s18 =	sadd.s32 $0x180, s12  }
0xd: {  	s23 =	sadd.s32 $0x200, s12;
	s31 =	smax.u32 s11, $0x1;
	s11 =	simm.s32 $0xBE00  }
0xe: {  	s2 =	sadd.s32 s2, s6;
	s8 =	sadd.s32 s8, s6;
	s10 =	sadd.s32 s10, s6  }
0xf: {  	s6 =	sadd.s32 s7, s3;
	s7 =	sadd.s32 $0x40, s12;
	s20 =	sshll.u32 s14, $0x6  }
0x10: {  	s16 =	sshll.u32 s15, $0x6;
	s26 =	sshll.u32 s22, $0x6;
	s28 =	sshll.u32 s17, $0x6  }
0x11: {  	s19 =	sshll.u32 s18, $0x6;
	s13 =	sshll.u32 s7, $0x6;
	s21 =	sadd.s32 s16, s3  }
0x12: {  	s16 =	sadd.s32 s26, s3;
	s29 =	sadd.s32 s19, s3;
	s19 =	sadd.s32 $0x1C0, s12  }
0x13: {  	s12 =	sadd.s32 $0x240, s12;
	s7 =	sshll.u32 s7, $0x4;
	[dreg:$0x7] =	wrdreg s21  }
0x14: {  	s30 =	sadd.s32 $0x50C00, s10;
	s10 =	simm.s32 $0x9E00;
	[dreg:$0x8] =	wrdreg s16  }
0x15: {  	s13 =	sadd.s32 s13, s3;
	s16 =	sadd.s32 s28, s3;
	[dreg:$0xa] =	wrdreg s29  }
0x16: {  	s24 =	sshll.u32 s19, $0x6;
	s26 =	sshll.u32 s12, $0x6;
	[dreg:$0x5] =	wrdreg s13  }
0x17: {  	s7 =	sadd.s32 s7, s4;
	s28 =	sshll.u32 s14, $0x4;
	[dreg:$0x9] =	wrdreg s16  }
0x18: {  	s29 =	sshll.u32 s15, $0x4;
	s13 =	sadd.s32 s20, s3;
	[dreg:$0xe] =	wrdreg s7  }
0x19: {  	s15 =	sshll.u32 s22, $0x4;
	s16 =	sadd.s32 s24, s3;
	[dreg:$0x6] =	wrdreg s13  }
0x1a: {  	s21 =	sshll.u32 s18, $0x4;
	s7 =	sadd.s32 s28, s4;
	[dreg:$0xb] =	wrdreg s16  }
0x1b: {  	s0 =	sshll.u32 s19, $0x4;
	s14 =	sadd.s32 s29, s4;
	[dreg:$0xf] =	wrdreg s7  }
0x1c: {  	s20 =	sshll.u32 s23, $0x6;
	s22 =	sadd.s32 s21, s4;
	[dreg:$0x10] =	wrdreg s14  }
0x1d: {  	s0 =	sadd.s32 s0, s4;
	s23 =	sshll.u32 s23, $0x4;
	[dreg:$0x13] =	wrdreg s22  }
0x1e: {  	s24 =	sshll.u32 s12, $0x4;
	s28 =	sadd.s32 $0x15800, s2;
	[dreg:$0x14] =	wrdreg s0  }
0x1f: {  	s29 =	sadd.s32 $0x29400, s8;
	s12 =	simm.s32 $0x1;
	[dreg:$0x18] =	wrdreg s28  }
0x20: {  	s25 =	sadd.s32 s20, s3;
	s16 =	sadd.s32 s26, s3;
	[dreg:$0x19] =	wrdreg s29  }
0x21: {  	s7 =	sadd.s32 s15, s4;
	s20 =	sshll.u32 s17, $0x4;
	[dreg:$0xc] =	wrdreg s25  }
0x22: {  	s0 =	sadd.s32 s23, s4;
	s26 =	sadd.s32 $0x1C00, s2;
	[dreg:$0xd] =	wrdreg s16  }
0x23: {  	s2 =	simm.s32 $0xDE00;
	s13 =	simm.s32 $0x2;
	[dreg:$0x11] =	wrdreg s7  }
0x24: {  	s14 =	simm.s32 $0x4;
	s15 =	simm.s32 $0x0;
	[dreg:$0x15] =	wrdreg s0  }
0x25: {  	s16 =	sadd.s32 s9, s4;
	s7 =	sadd.s32 s20, s4;
	[dreg:$0x17] =	wrdreg s26  }
0x26: {  	s25 =	sadd.s32 s24, s4;
	s0 =	simm.s32 $0x6;
	[dreg:$0x12] =	wrdreg s7  }
0x27: {  	v0 =	vimm.f32 $0.0e+00;
	v1 =	vimm.f32 $1.000000000e+00;
	s9 =	simm.s32 $0x80;
	[dreg:$0x16] =	wrdreg s25;
	s7 =	simm.s32 $0xEE00  }
.LBB2_1:
0x28: {  	s18 =	simm.s32 $0x100;
	s17 =	simm.s32 $0x0  }
.LBB2_2:
0x29: {  	p2 =	sne.s32 s18, $0x3F00;
	[tilespmem:s17+$0xDE30] =	vst v0;
	s19 =	smov.u32 s18;
	s18 =	sadd.s32 $0x100, s18  }
.Ltmp0:
0x2a: {  	[tilespmem:s17+$0xDE20] =	vst v0;
	(pc) =	sbr.rel @p2 .LBB2_2-.Ltmp0, $3  }
0x2b: {  	[tilespmem:s17+$0xDE00] =	vst v0  }
0x2c: {  	[tilespmem:s17+$0xDE10] =	vst v0;
	_ =	sdelay $0x1  }
0x2d: {  	s17 =	sshra.s32 s19, $0x2  }
0x2e: {  	[tilespmem:s17+$0xDE30] =	vst v0  }
0x2f: {  	[tilespmem:s17+$0xDE20] =	vst v0  }
0x30: {  	[tilespmem:s17+$0xDE00] =	vst v0  }
0x31: {  	[tilespmem:s17+$0xDE10] =	vst v0;
	s17 =	simm.s32 $0x40;
	s18 =	simm.s32 $0x0  }
.LBB2_4:
0x32: {  	p2 =	sne.s32 s17, $0xFC0;
	[tilespmem:s18+$0xEE00] =	vst v0;
	s18 =	smov.u32 s17;
	s17 =	sadd.s32 $0x40, s17  }
.Ltmp1:
0x33: {  	(pc) =	sbr.rel @p2 .LBB2_4-.Ltmp1, $2  }
0x34: {  	_ =	sdelay $0x2  }
0x35: {  	s18 =	sshra.s32 s18, $0x2  }
0x36: {  	[tilespmem:s18+$0xEE00] =	vst v0;
	s17 =	simm.s32 $0x40;
	s18 =	simm.s32 $0x0  }
.LBB2_6:
0x37: {  	p2 =	sne.s32 s17, $0x1FC0;
	[tilespmem:s18+$0xF200] =	vst v1;
	s18 =	smov.u32 s17;
	s17 =	sadd.s32 $0x40, s17  }
.Ltmp2:
0x38: {  	(pc) =	sbr.rel @p2 .LBB2_6-.Ltmp2, $2  }
0x39: {  	_ =	sdelay $0x2  }
0x3a: {  	s18 =	sshra.s32 s18, $0x2  }
0x3b: {  	[tilespmem:s18+$0xF200] =	vst v1  }
0x3c: {  	[spmem:s6] =	stream.linear.scatter [tilespmem:s2], [sflag:$0x6], $0x1000, $0x38;
	[tilespmem:$0x1BF80] =	vst v63  }
0x3d: {  	_ =	swait.ge [sflag:s0], $0x1000  }
0x3e: {  	[sflag:s0] =	ssyncset.done $0x0  }
0x3f: {  	s8 =	rddreg [dreg:$0x5];
	[sflag:s0] =	ssyncadd.s32 $0xFFFFF000  }
0x40: {  	[spmem:s8] =	stream.linear.scatter [tilespmem:s2], [sflag:$0x6], $0x1000, $0x38;
	[tilespmem:$0x1BF80] =	vst v63  }
0x41: {  	_ =	swait.ge [sflag:s0], $0x1000  }
0x42: {  	[sflag:s0] =	ssyncset.done $0x0  }
0x43: {  	s19 =	rddreg [dreg:$0x6];
	[sflag:s0] =	ssyncadd.s32 $0xFFFFF000  }
0x44: {  	[spmem:s19] =	stream.linear.scatter [tilespmem:s2], [sflag:$0x6], $0x1000, $0x38;
	[tilespmem:$0x1BF80] =	vst v63  }
0x45: {  	_ =	swait.ge [sflag:s0], $0x1000  }
0x46: {  	[sflag:s0] =	ssyncset.done $0x0  }
0x47: {  	s20 =	rddreg [dreg:$0x7];
	[sflag:s0] =	ssyncadd.s32 $0xFFFFF000  }
0x48: {  	[spmem:s20] =	stream.linear.scatter [tilespmem:s2], [sflag:$0x6], $0x1000, $0x38;
	[tilespmem:$0x1BF80] =	vst v63  }
0x49: {  	_ =	swait.ge [sflag:s0], $0x1000  }
0x4a: {  	[sflag:s0] =	ssyncset.done $0x0  }
0x4b: {  	s21 =	rddreg [dreg:$0x8];
	[sflag:s0] =	ssyncadd.s32 $0xFFFFF000  }
0x4c: {  	[spmem:s21] =	stream.linear.scatter [tilespmem:s2], [sflag:$0x6], $0x1000, $0x38;
	[tilespmem:$0x1BF80] =	vst v63  }
0x4d: {  	_ =	swait.ge [sflag:s0], $0x1000  }
0x4e: {  	[sflag:s0] =	ssyncset.done $0x0  }
0x4f: {  	s22 =	rddreg [dreg:$0x9];
	[sflag:s0] =	ssyncadd.s32 $0xFFFFF000  }
0x50: {  	[spmem:s22] =	stream.linear.scatter [tilespmem:s2], [sflag:$0x6], $0x1000, $0x38;
	[tilespmem:$0x1BF80] =	vst v63  }
0x51: {  	_ =	swait.ge [sflag:s0], $0x1000  }
0x52: {  	[sflag:s0] =	ssyncset.done $0x0  }
0x53: {  	s23 =	rddreg [dreg:$0xa];
	[sflag:s0] =	ssyncadd.s32 $0xFFFFF000  }
0x54: {  	[spmem:s23] =	stream.linear.scatter [tilespmem:s2], [sflag:$0x6], $0x1000, $0x38;
	[tilespmem:$0x1BF80] =	vst v63  }
0x55: {  	_ =	swait.ge [sflag:s0], $0x1000  }
0x56: {  	[sflag:s0] =	ssyncset.done $0x0  }
0x57: {  	s24 =	rddreg [dreg:$0xb];
	[sflag:s0] =	ssyncadd.s32 $0xFFFFF000  }
0x58: {  	[spmem:s24] =	stream.linear.scatter [tilespmem:s2], [sflag:$0x6], $0x1000, $0x38;
	[tilespmem:$0x1BF80] =	vst v63  }
0x59: {  	_ =	swait.ge [sflag:s0], $0x1000  }
0x5a: {  	[sflag:s0] =	ssyncset.done $0x0  }
0x5b: {  	s25 =	rddreg [dreg:$0xc];
	[sflag:s0] =	ssyncadd.s32 $0xFFFFF000  }
0x5c: {  	[spmem:s25] =	stream.linear.scatter [tilespmem:s2], [sflag:$0x6], $0x1000, $0x38;
	[tilespmem:$0x1BF80] =	vst v63  }
0x5d: {  	_ =	swait.ge [sflag:s0], $0x1000  }
0x5e: {  	[sflag:s0] =	ssyncset.done $0x0  }
0x5f: {  	s26 =	rddreg [dreg:$0xd];
	[sflag:s0] =	ssyncadd.s32 $0xFFFFF000  }
0x60: {  	[spmem:s26] =	stream.linear.scatter [tilespmem:s2], [sflag:$0x6], $0xE00, $0x38;
	[tilespmem:$0x1BF80] =	vst v63  }
0x61: {  	_ =	swait.ge [sflag:s0], $0xE00  }
0x62: {  	[sflag:s0] =	ssyncset.done $0x0  }
0x63: {  	[sflag:s0] =	ssyncadd.s32 $0xFFFFF200  }
0x64: {  	[spmem:s16] =	stream.linear.scatter [tilespmem:s7], [sflag:$0x6], $0x400, $0x38;
	[tilespmem:$0x1BF80] =	vst v63  }
0x65: {  	_ =	swait.ge [sflag:s0], $0x400  }
0x66: {  	[sflag:s0] =	ssyncset.done $0x0  }
0x67: {  	s28 =	rddreg [dreg:$0xe];
	[sflag:s0] =	ssyncadd.s32 $0xFFFFFC00  }
0x68: {  	[spmem:s28] =	stream.linear.scatter [tilespmem:s7], [sflag:$0x6], $0x400, $0x38;
	[tilespmem:$0x1BF80] =	vst v63  }
0x69: {  	_ =	swait.ge [sflag:s0], $0x400  }
0x6a: {  	[sflag:s0] =	ssyncset.done $0x0  }
0x6b: {  	s29 =	rddreg [dreg:$0xf];
	[sflag:s0] =	ssyncadd.s32 $0xFFFFFC00  }
0x6c: {  	[spmem:s29] =	stream.linear.scatter [tilespmem:s7], [sflag:$0x6], $0x400, $0x38;
	[tilespmem:$0x1BF80] =	vst v63  }
0x6d: {  	_ =	swait.ge [sflag:s0], $0x400  }
0x6e: {  	[sflag:s0] =	ssyncset.done $0x0  }
0x6f: {  	s17 =	rddreg [dreg:$0x10];
	[sflag:s0] =	ssyncadd.s32 $0xFFFFFC00  }
0x70: {  	[spmem:s17] =	stream.linear.scatter [tilespmem:s7], [sflag:$0x6], $0x400, $0x38;
	[tilespmem:$0x1BF80] =	vst v63  }
0x71: {  	_ =	swait.ge [sflag:s0], $0x400  }
0x72: {  	[sflag:s0] =	ssyncset.done $0x0  }
0x73: {  	s18 =	rddreg [dreg:$0x11];
	[sflag:s0] =	ssyncadd.s32 $0xFFFFFC00  }
0x74: {  	[spmem:s18] =	stream.linear.scatter [tilespmem:s7], [sflag:$0x6], $0x400, $0x38;
	[tilespmem:$0x1BF80] =	vst v63  }
0x75: {  	_ =	swait.ge [sflag:s0], $0x400  }
0x76: {  	[sflag:s0] =	ssyncset.done $0x0  }
0x77: {  	s19 =	rddreg [dreg:$0x12];
	[sflag:s0] =	ssyncadd.s32 $0xFFFFFC00  }
0x78: {  	[spmem:s19] =	stream.linear.scatter [tilespmem:s7], [sflag:$0x6], $0x400, $0x38;
	[tilespmem:$0x1BF80] =	vst v63  }
0x79: {  	_ =	swait.ge [sflag:s0], $0x400  }
0x7a: {  	[sflag:s0] =	ssyncset.done $0x0  }
0x7b: {  	s20 =	rddreg [dreg:$0x13];
	[sflag:s0] =	ssyncadd.s32 $0xFFFFFC00  }
0x7c: {  	[spmem:s20] =	stream.linear.scatter [tilespmem:s7], [sflag:$0x6], $0x400, $0x38;
	[tilespmem:$0x1BF80] =	vst v63  }
0x7d: {  	_ =	swait.ge [sflag:s0], $0x400  }
0x7e: {  	[sflag:s0] =	ssyncset.done $0x0  }
0x7f: {  	s21 =	rddreg [dreg:$0x14];
	[sflag:s0] =	ssyncadd.s32 $0xFFFFFC00  }
0x80: {  	[spmem:s21] =	stream.linear.scatter [tilespmem:s7], [sflag:$0x6], $0x400, $0x38;
	[tilespmem:$0x1BF80] =	vst v63  }
0x81: {  	_ =	swait.ge [sflag:s0], $0x400  }
0x82: {  	[sflag:s0] =	ssyncset.done $0x0  }
0x83: {  	s22 =	rddreg [dreg:$0x15];
	[sflag:s0] =	ssyncadd.s32 $0xFFFFFC00  }
0x84: {  	[spmem:s22] =	stream.linear.scatter [tilespmem:s7], [sflag:$0x6], $0x400, $0x38;
	[tilespmem:$0x1BF80] =	vst v63  }
0x85: {  	_ =	swait.ge [sflag:s0], $0x400  }
0x86: {  	[sflag:s0] =	ssyncset.done $0x0  }
0x87: {  	s23 =	rddreg [dreg:$0x16];
	[sflag:s0] =	ssyncadd.s32 $0xFFFFFC00  }
0x88: {  	[spmem:s23] =	stream.linear.scatter [tilespmem:s7], [sflag:$0x6], $0x380, $0x38;
	[tilespmem:$0x1BF80] =	vst v63  }
0x89: {  	_ =	swait.ge [sflag:s0], $0x380  }
0x8a: {  	[sflag:s0] =	ssyncset.done $0x0  }
0x8b: {  	s24 =	rddreg [dreg:$0x17];
	[sflag:s0] =	ssyncadd.s32 $0xFFFFFC80  }
0x8c: {  	[tilespmem:s5], [sflag:$0x6] =	stream.linear.gather [hbm4b:s24+s5], $0x4F00, $0x38;
	[tilespmem:$0x1BF80] =	vst v63  }
0x8d: {  	_ =	swait.ge [sflag:s0], $0x4F00  }
0x8e: {  	[sflag:s0] =	ssyncset.done $0x0  }
0x8f: {  	s17 =	simm.s32 $0x4F00;
	s25 =	rddreg [dreg:$0x18];
	[sflag:s0] =	ssyncadd.s32 $0xFFFFB100  }
0x90: {  	[tilespmem:s17], [sflag:$0x6] =	stream.linear.gather [hbm4b:s25+s5], $0x4F00, $0x38;
	[tilespmem:$0x1BF80] =	vst v63  }
0x91: {  	_ =	swait.ge [sflag:s0], $0x4F00  }
0x92: {  	[sflag:s0] =	ssyncset.done $0x0  }
0x93: {  	[sflag:s0] =	ssyncadd.s32 $0xFFFFB100  }
0x94: {  	[bflag:$0x0] =	sbarrier.arrive $0xFFFF  }
0x95: {  	[tilespmem:s10], [sflag:$0x1] =	stream.indirect.gather [hbm4b:s1+s9], $0x40, s5, s9, $0xb8;
	[tilespmem:$0x1BF80] =	vst v63  }
0x96: {  	_ = 	snop  }
0x97: {  	[tilespmem:s11], [sflag:$0x2] =	stream.indirect.gather [hbm4b:s1+s9], $0x40, s9, s9, $0xb8;
	[tilespmem:$0x1BF80] =	vst v63  }
0x98: {  	_ =	swait.ge [sflag:s12], $0x2000  }
0x99: {  	[sflag:s12] =	ssyncset.done $0x0  }
0x9a: {  	[sflag:s12] =	ssyncadd.s32 $0xFFFFE000  }
0x9b: {  	[spmem:s3] =	stream.indirect.scatter.add.f32 [tilespmem:s10], [sflag:$0x3], $0x40, s17, s9, $0xb8;
	[tilespmem:$0x1BF80] =	vst v63  }
0x9c: {  	s18 =	simm.s32 @p0 $0x4F00;
	s19 =	simm.s32 @p0 $0xF200;
	s17 =	simm.s32 @p0 $0x80  }
0x9d: {  	[spmem:s4] =	stream.indirect.scatter.add.f32 @p0 [tilespmem:s19], [sflag:$0x5], $0x10, s18, s17, $0xb8;
	[tilespmem:$0x1BF80] =	vst v63  }
0x9e: {  	s17 =	simm.s32 @p0 $0x3  }
0x9f: {  	_ =	swait.ge @p0 [sflag:s17], $0x2000  }
0xa0: {  	[sflag:s17] =	ssyncset.done @p0 $0x0  }
0xa1: {  	[sflag:s17] =	ssyncadd.s32 @p0 $0xFFFFE000;
	s17 =	simm.s32 @p0 $0x5  }
0xa2: {  	_ =	swait.ge @p0 [sflag:s17], $0x800  }
0xa3: {  	[sflag:s17] =	ssyncset.done @p0 $0x0  }
0xa4: {  	[sflag:s17] =	ssyncadd.s32 @p0 $0xFFFFF800;
	s17 =	simm.s32 @!p0 $0x3  }
0xa5: {  	_ =	swait.ge @!p0 [sflag:s17], $0x2000  }
0xa6: {  	[sflag:s17] =	ssyncset.done @!p0 $0x0  }
0xa7: {  	s26 =	simm.s32 $0x100;
	[sflag:s17] =	ssyncadd.s32 @!p0 $0xFFFFE000  }
0xa8: {  	[tilespmem:s10], [sflag:$0x1] =	stream.indirect.gather [hbm4b:s1+s9], $0x40, s26, s9, $0xb8;
	[tilespmem:$0x1BF80] =	vst v63  }
0xa9: {  	_ =	swait.ge [sflag:s13], $0x2000  }
0xaa: {  	[sflag:s13] =	ssyncset.done $0x0  }
0xab: {  	s28 =	simm.s32 $0x4F80;
	[sflag:s13] =	ssyncadd.s32 $0xFFFFE000  }
0xac: {  	[spmem:s3] =	stream.indirect.scatter.add.f32 [tilespmem:s11], [sflag:$0x4], $0x40, s28, s9, $0xb8;
	[tilespmem:$0x1BF80] =	vst v63  }
0xad: {  	s18 =	simm.s32 @!p1 $0x4F80;
	s19 =	simm.s32 @!p1 $0xF200;
	s17 =	simm.s32 @!p1 $0x80  }
0xae: {  	[spmem:s4] =	stream.indirect.scatter.add.f32 @!p1 [tilespmem:s19], [sflag:$0x5], $0x10, s18, s17, $0xb8;
	[tilespmem:$0x1BF80] =	vst v63  }
0xaf: {  	p2 =	por $0x0, $0x0;
	s17 =	simm.s32 $0x1;
	s18 =	simm.s32 $0x1  }
0xb0: {  	s17 =	simm.s32 @!p0 $0x0;
	s18 =	simm.s32 @!p2 $0x0  }
0xb1: {  	_ =	swait.ge [sflag:s14], $0x2000;
	p2 =	seq.s32 s17, s18  }
0xb2: {  	[sflag:s14] =	ssyncset.done $0x0;
	s18 =	simm.s32 @p2 $0x1;
	s19 =	simm.s32 @p2 $0x180  }
0xb3: {  	s20 =	simm.s32 @p2 $0xBE00;
	[sflag:s14] =	ssyncadd.s32 $0xFFFFE000;
	s21 =	simm.s32 @p2 $0x80  }
0xb4: {  	[tilespmem:s20], [sflag:$0x2] =	stream.indirect.gather @p2 [hbm4b:s1+s21], $0x40, s19, s21, $0xb8;
	[tilespmem:$0x1BF80] =	vst v63  }
0xb5: {  	_ =	swait.ge @p2 [sflag:s18], $0x2000  }
0xb6: {  	s19 =	simm.s32 @p2 $0x5000;
	[sflag:s18] =	ssyncset.done @p2 $0x0  }
0xb7: {  	s20 =	simm.s32 @p2 $0x3;
	[sflag:s18] =	ssyncadd.s32 @p2 $0xFFFFE000;
	s18 =	simm.s32 @p2 $0x9E00  }
0xb8: {  	[spmem:s3] =	stream.indirect.scatter.add.f32 @p2 [tilespmem:s18], [sflag:$0x3], $0x40, s19, s21, $0xb8;
	[tilespmem:$0x1BF80] =	vst v63  }
0xb9: {  	_ =	swait.ge @p2 [sflag:s20], $0x2000  }
0xba: {  	[sflag:s20] =	ssyncset.done @p2 $0x0  }
0xbb: {  	s19 =	simm.s32 @!p2 $0x5;
	[sflag:s20] =	ssyncadd.s32 @p2 $0xFFFFE000  }
0xbc: {  	_ =	swait.ge @!p2 [sflag:s19], $0x800  }
0xbd: {  	s22 =	simm.s32 @!p2 $0xBE00;
	s18 =	simm.s32 @!p2 $0x180;
	[sflag:s19] =	ssyncset.done @!p2 $0x0  }
0xbe: {  	s21 =	simm.s32 @!p2 $0x80;
	s20 =	simm.s32 @!p2 $0x1;
	[sflag:s19] =	ssyncadd.s32 @!p2 $0xFFFFF800  }
0xbf: {  	[tilespmem:s22], [sflag:$0x2] =	stream.indirect.gather @!p2 [hbm4b:s1+s21], $0x40, s18, s21, $0xb8;
	[tilespmem:$0x1BF80] =	vst v63  }
0xc0: {  	_ =	swait.ge @!p2 [sflag:s20], $0x2000  }
0xc1: {  	[sflag:s20] =	ssyncset.done @!p2 $0x0  }
0xc2: {  	s18 =	simm.s32 @!p2 $0x5000;
	[sflag:s20] =	ssyncadd.s32 @!p2 $0xFFFFE000;
	s20 =	simm.s32 @!p2 $0x9E00  }
0xc3: {  	[spmem:s3] =	stream.indirect.scatter.add.f32 @!p2 [tilespmem:s20], [sflag:$0x3], $0x40, s18, s21, $0xb8;
	[tilespmem:$0x1BF80] =	vst v63  }
0xc4: {  	s22 =	simm.s32 @!p2 $0x3;
	s20 =	simm.s32 @!p2 $0xF200  }
0xc5: {  	[spmem:s4] =	stream.indirect.scatter.add.f32 @!p2 [tilespmem:s20], [sflag:$0x5], $0x10, s18, s21, $0xb8;
	[tilespmem:$0x1BF80] =	vst v63  }
0xc6: {  	_ =	swait.ge @!p2 [sflag:s22], $0x2000  }
0xc7: {  	[sflag:s22] =	ssyncset.done @!p2 $0x0  }
0xc8: {  	p4 =	por $0x1, $0x1;
	[sflag:s22] =	ssyncadd.s32 @!p2 $0xFFFFE000  }
0xc9: {  	s29 =	simm.s32 $0x200;
	s23 =	simm.s32 $0x0;
	_ =	swait.ge @!p2 [sflag:s19], $0x800  }
0xca: {  	s18 =	simm.s32 $0x400;
	s21 =	simm.s32 $0x800;
	[sflag:s19] =	ssyncset.done @!p2 $0x0  }
0xcb: {  	s20 =	simm.s32 $0x5;
	[sflag:s19] =	ssyncadd.s32 @!p2 $0xFFFFF800;
	p2 =	por $0x0, $0x0  }
0xcc: {  	[tilespmem:s10], [sflag:$0x1] =	stream.indirect.gather [hbm4b:s1+s9], $0x40, s29, s9, $0xb8;
	[tilespmem:$0x1BF80] =	vst v63  }
0xcd: {  	s19 =	simm.s32 $0x2;
	p4 =	por @!p0 p2, p2;
	_ =	swait.ge [sflag:s13], $0x2000  }
.LBB2_8:
0xce: {  	p2 =	sgt.u32 s19, $0x27;
	[sflag:s13] =	ssyncset.done $0x0  }
0xcf: {  	s24 =	simm.s32 @p4 $0x80;
	s22 =	smov.u32 s21;
	s25 =	simm.s32 $0x1  }
0xd0: {  	s23 =	sadd.s32 $0x5080, s23;
	s25 =	simm.s32 @!p2 $0x0;
	[sflag:s13] =	ssyncadd.s32 $0xFFFFE000  }
0xd1: {  	[spmem:s3] =	stream.indirect.scatter.add.f32 [tilespmem:s11], [sflag:$0x4], $0x40, s23, s9, $0xb8;
	[tilespmem:$0x1BF80] =	vst v63  }
0xd2: {  	s21 =	sadd.s32 $0x400, s21;
	p3 =	seq.s32 s17, s25;
	s25 =	simm.s32 @p4 $0xF200  }
0xd3: {  	p2 =	sne.s32 s21, $0x13400;
	s8 =	sshra.s32 @p3 s18, $0x2;
	s26 =	simm.s32 @p3 $0x1  }
0xd4: {  	[spmem:s4] =	stream.indirect.scatter.add.f32 @p4 [tilespmem:s25], [sflag:$0x5], $0x10, s23, s24, $0xb8;
	[tilespmem:$0x1BF80] =	vst v63  }
0xd5: {  	s23 =	sadd.s32 @p3 $0x180, s8;
	s24 =	simm.s32 @p3 $0xBE00;
	_ =	swait.ge [sflag:s14], $0x2000  }
0xd6: {  	s8 =	sadd.s32 @p3 $0x5000, s8;
	s25 =	sshra.s32 @!p3 s18, $0x2;
	[sflag:s14] =	ssyncset.done $0x0  }
0xd7: {  	s28 =	simm.s32 @p3 $0x80;
	s29 =	sadd.s32 @!p3 $0x180, s25;
	[sflag:s14] =	ssyncadd.s32 $0xFFFFE000  }
0xd8: {  	[tilespmem:s24], [sflag:$0x2] =	stream.indirect.gather @p3 [hbm4b:s1+s28], $0x40, s23, s28, $0xb8;
	[tilespmem:$0x1BF80] =	vst v63  }
0xd9: {  	_ =	swait.ge @p3 [sflag:s26], $0x2000  }
0xda: {  	[sflag:s26] =	ssyncset.done @p3 $0x0  }
0xdb: {  	s23 =	simm.s32 @p3 $0x9E00;
	s24 =	simm.s32 @p3 $0x3;
	[sflag:s26] =	ssyncadd.s32 @p3 $0xFFFFE000  }
0xdc: {  	[spmem:s3] =	stream.indirect.scatter.add.f32 @p3 [tilespmem:s23], [sflag:$0x3], $0x40, s8, s28, $0xb8;
	[tilespmem:$0x1BF80] =	vst v63  }
0xdd: {  	_ =	swait.ge @p3 [sflag:s24], $0x2000  }
0xde: {  	s8 =	simm.s32 @!p3 $0x5;
	s23 =	simm.s32 @!p3 $0x1;
	[sflag:s24] =	ssyncset.done @p3 $0x0  }
0xdf: {  	s26 =	simm.s32 @!p3 $0xBE00;
	[sflag:s24] =	ssyncadd.s32 @p3 $0xFFFFE000;
	s24 =	simm.s32 @!p3 $0x80  }
0xe0: {  	_ =	swait.ge @!p3 [sflag:s8], $0x800  }
0xe1: {  	[sflag:s8] =	ssyncset.done @!p3 $0x0  }
0xe2: {  	[sflag:s8] =	ssyncadd.s32 @!p3 $0xFFFFF800  }
0xe3: {  	[tilespmem:s26], [sflag:$0x2] =	stream.indirect.gather @!p3 [hbm4b:s1+s24], $0x40, s29, s24, $0xb8;
	[tilespmem:$0x1BF80] =	vst v63  }
0xe4: {  	_ =	swait.ge @!p3 [sflag:s23], $0x2000  }
0xe5: {  	s28 =	simm.s32 @!p3 $0x3;
	s26 =	simm.s32 @!p3 $0xF200;
	[sflag:s23] =	ssyncset.done @!p3 $0x0  }
0xe6: {  	[sflag:s23] =	ssyncadd.s32 @!p3 $0xFFFFE000;
	s23 =	sadd.s32 @!p3 $0x5000, s25;
	s25 =	simm.s32 @!p3 $0x9E00  }
0xe7: {  	[spmem:s3] =	stream.indirect.scatter.add.f32 @!p3 [tilespmem:s25], [sflag:$0x3], $0x40, s23, s24, $0xb8;
	[tilespmem:$0x1BF80] =	vst v63  }
0xe8: {  	_ = 	snop  }
0xe9: {  	[spmem:s4] =	stream.indirect.scatter.add.f32 @!p3 [tilespmem:s26], [sflag:$0x5], $0x10, s23, s24, $0xb8;
	[tilespmem:$0x1BF80] =	vst v63  }
0xea: {  	s23 =	sshra.s32 s18, $0x2;
	s18 =	smov.u32 s22;
	_ =	swait.ge @!p3 [sflag:s28], $0x2000  }
0xeb: {  	s22 =	sadd.s32 $0x200, s23;
	[sflag:s28] =	ssyncset.done @!p3 $0x0  }
0xec: {  	[sflag:s28] =	ssyncadd.s32 @!p3 $0xFFFFE000  }
.Ltmp3:
0xed: {  	_ =	swait.ge @!p3 [sflag:s8], $0x800;
	(pc) =	sbr.rel @p2 .LBB2_8-.Ltmp3, $4  }
0xee: {  	p4 =	slt.u32 s20, $0x4F;
	[sflag:s8] =	ssyncset.done @!p3 $0x0  }
0xef: {  	[sflag:s8] =	ssyncadd.s32 @!p3 $0xFFFFF800;
	p3 =	sgt.u32 s19, $0x26;
	s19 =	sadd.s32 $0x1, s19  }
0xf0: {  	[tilespmem:s10], [sflag:$0x1] =	stream.indirect.gather [hbm4b:s1+s9], $0x40, s22, s9, $0xb8;
	[tilespmem:$0x1BF80] =	vst v63  }
0xf1: {  	s20 =	sadd.s32 $0x2, s20;
	p4 =	por @!p0 p3, p3;
	_ =	swait.ge [sflag:s13], $0x2000  }
0xf2: {  	p2 =	sgt.u32 s19, $0x27;
	[sflag:s13] =	ssyncset.done $0x0;
	s8 =	simm.s32 $0x1  }
0xf3: {  	s21 =	sadd.s32 $0x5080, s23;
	s8 =	simm.s32 @!p2 $0x0;
	[sflag:s13] =	ssyncadd.s32 $0xFFFFE000  }
0xf4: {  	[spmem:s3] =	stream.indirect.scatter.add.f32 [tilespmem:s11], [sflag:$0x4], $0x40, s21, s9, $0xb8;
	[tilespmem:$0x1BF80] =	vst v63  }
0xf5: {  	s22 =	simm.s32 @p4 $0x80;
	p2 =	seq.s32 s17, s8;
	s8 =	simm.s32 @p4 $0xF200  }
0xf6: {  	[spmem:s4] =	stream.indirect.scatter.add.f32 @p4 [tilespmem:s8], [sflag:$0x5], $0x10, s21, s22, $0xb8;
	[tilespmem:$0x1BF80] =	vst v63  }
0xf7: {  	s17 =	simm.s32 @p2 $0x1;
	_ =	swait.ge [sflag:s14], $0x2000  }
0xf8: {  	s23 =	simm.s32 @p2 $0x80;
	s8 =	sshra.s32 @p2 s18, $0x2;
	[sflag:s14] =	ssyncset.done $0x0  }
0xf9: {  	s22 =	simm.s32 @p2 $0xBE00;
	s21 =	sadd.s32 @p2 $0x180, s8;
	[sflag:s14] =	ssyncadd.s32 $0xFFFFE000  }
0xfa: {  	[tilespmem:s22], [sflag:$0x2] =	stream.indirect.gather @p2 [hbm4b:s1+s23], $0x40, s21, s23, $0xb8;
	[tilespmem:$0x1BF80] =	vst v63  }
0xfb: {  	_ =	swait.ge @p2 [sflag:s17], $0x2000  }
0xfc: {  	s8 =	sadd.s32 @p2 $0x5000, s8;
	[sflag:s17] =	ssyncset.done @p2 $0x0  }
0xfd: {  	s21 =	simm.s32 @p2 $0x3;
	[sflag:s17] =	ssyncadd.s32 @p2 $0xFFFFE000;
	s17 =	simm.s32 @p2 $0x9E00  }
0xfe: {  	[spmem:s3] =	stream.indirect.scatter.add.f32 @p2 [tilespmem:s17], [sflag:$0x3], $0x40, s8, s23, $0xb8;
	[tilespmem:$0x1BF80] =	vst v63  }
0xff: {  	_ =	swait.ge @p2 [sflag:s21], $0x2000  }
0x100: {  	[sflag:s21] =	ssyncset.done @p2 $0x0  }
0x101: {  	s8 =	simm.s32 @!p2 $0x5;
	[sflag:s21] =	ssyncadd.s32 @p2 $0xFFFFE000  }
0x102: {  	_ =	swait.ge @!p2 [sflag:s8], $0x800  }
0x103: {  	s22 =	simm.s32 @!p2 $0x80;
	s17 =	sshra.s32 @!p2 s18, $0x2;
	[sflag:s8] =	ssyncset.done @!p2 $0x0  }
0x104: {  	s23 =	simm.s32 @!p2 $0xBE00;
	s21 =	sadd.s32 @!p2 $0x180, s17;
	[sflag:s8] =	ssyncadd.s32 @!p2 $0xFFFFF800  }
0x105: {  	[tilespmem:s23], [sflag:$0x2] =	stream.indirect.gather @!p2 [hbm4b:s1+s22], $0x40, s21, s22, $0xb8;
	[tilespmem:$0x1BF80] =	vst v63  }
0x106: {  	s21 =	simm.s32 @!p2 $0x1  }
0x107: {  	_ =	swait.ge @!p2 [sflag:s21], $0x2000  }
0x108: {  	[sflag:s21] =	ssyncset.done @!p2 $0x0  }
0x109: {  	s17 =	sadd.s32 @!p2 $0x5000, s17;
	[sflag:s21] =	ssyncadd.s32 @!p2 $0xFFFFE000;
	s21 =	simm.s32 @!p2 $0x9E00  }
0x10a: {  	[spmem:s3] =	stream.indirect.scatter.add.f32 @!p2 [tilespmem:s21], [sflag:$0x3], $0x40, s17, s22, $0xb8;
	[tilespmem:$0x1BF80] =	vst v63  }
0x10b: {  	s21 =	simm.s32 @!p2 $0xF200  }
0x10c: {  	[spmem:s4] =	stream.indirect.scatter.add.f32 @!p2 [tilespmem:s21], [sflag:$0x5], $0x10, s17, s22, $0xb8;
	[tilespmem:$0x1BF80] =	vst v63  }
0x10d: {  	s17 =	simm.s32 @!p2 $0x3  }
0x10e: {  	_ =	swait.ge @!p2 [sflag:s17], $0x2000  }
0x10f: {  	[sflag:s17] =	ssyncset.done @!p2 $0x0  }
0x110: {  	[sflag:s17] =	ssyncadd.s32 @!p2 $0xFFFFE000  }
0x111: {  	_ =	swait.ge @!p2 [sflag:s8], $0x800  }
0x112: {  	s22 =	sshra.s32 s18, $0x2;
	[sflag:s8] =	ssyncset.done @!p2 $0x0  }
0x113: {  	s23 =	sadd.s32 $0x200, s22;
	[sflag:s8] =	ssyncadd.s32 @!p2 $0xFFFFF800  }
0x114: {  	[tilespmem:s10], [sflag:$0x1] =	stream.indirect.gather [hbm4b:s1+s9], $0x40, s23, s9, $0xb8;
	[tilespmem:$0x1BF80] =	vst v63  }
0x115: {  	_ =	swait.ge [sflag:s13], $0x2000  }
0x116: {  	p3 =	sgt.u32 s19, $0x26;
	p2 =	slt.u32 s20, $0x4F;
	[sflag:s13] =	ssyncset.done $0x0  }
0x117: {  	s8 =	sadd.s32 $0x5080, s22;
	p2 =	por @!p0 p3, p3;
	[sflag:s13] =	ssyncadd.s32 $0xFFFFE000  }
0x118: {  	[spmem:s3] =	stream.indirect.scatter.add.f32 [tilespmem:s11], [sflag:$0x4], $0x40, s8, s9, $0xb8;
	[tilespmem:$0x1BF80] =	vst v63  }
0x119: {  	s17 =	simm.s32 @p2 $0x80;
	s18 =	simm.s32 @p2 $0xF200  }
0x11a: {  	[spmem:s4] =	stream.indirect.scatter.add.f32 @p2 [tilespmem:s18], [sflag:$0x5], $0x10, s8, s17, $0xb8;
	[tilespmem:$0x1BF80] =	vst v63  }
0x11b: {  	_ =	swait.ge [sflag:s14], $0x2000  }
0x11c: {  	s8 =	simm.s32 @p0 $0x80;
	[sflag:s14] =	ssyncset.done $0x0  }
0x11d: {  	s17 =	simm.s32 @p0 $0x4E80;
	s18 =	simm.s32 @p0 $0xBE00;
	[sflag:s14] =	ssyncadd.s32 $0xFFFFE000  }
0x11e: {  	[tilespmem:s18], [sflag:$0x2] =	stream.indirect.gather @p0 [hbm4b:s1+s8], $0x40, s17, s8, $0xb8;
	[tilespmem:$0x1BF80] =	vst v63  }
0x11f: {  	s17 =	simm.s32 @p0 $0x1  }
0x120: {  	_ =	swait.ge @p0 [sflag:s17], $0x2000  }
0x121: {  	[sflag:s17] =	ssyncset.done @p0 $0x0  }
0x122: {  	s18 =	simm.s32 @p0 $0x9E00;
	[sflag:s17] =	ssyncadd.s32 @p0 $0xFFFFE000;
	s17 =	simm.s32 @p0 $0x9D00  }
0x123: {  	[spmem:s3] =	stream.indirect.scatter.add.f32 @p0 [tilespmem:s18], [sflag:$0x3], $0x40, s17, s8, $0xb8;
	[tilespmem:$0x1BF80] =	vst v63  }
0x124: {  	s8 =	simm.s32 @!p0 $0x5  }
0x125: {  	_ =	swait.ge @!p0 [sflag:s8], $0x800  }
0x126: {  	s19 =	simm.s32 @!p0 $0xBE00;
	[sflag:s8] =	ssyncset.done @!p0 $0x0  }
0x127: {  	s17 =	simm.s32 @!p0 $0x80;
	s18 =	simm.s32 @!p0 $0x4E80;
	[sflag:s8] =	ssyncadd.s32 @!p0 $0xFFFFF800  }
0x128: {  	[tilespmem:s19], [sflag:$0x2] =	stream.indirect.gather @!p0 [hbm4b:s1+s17], $0x40, s18, s17, $0xb8;
	[tilespmem:$0x1BF80] =	vst v63  }
0x129: {  	s18 =	simm.s32 @!p0 $0x1  }
0x12a: {  	_ =	swait.ge @!p0 [sflag:s18], $0x2000  }
0x12b: {  	[sflag:s18] =	ssyncset.done @!p0 $0x0  }
0x12c: {  	s19 =	simm.s32 @!p0 $0x9E00;
	[sflag:s18] =	ssyncadd.s32 @!p0 $0xFFFFE000;
	s18 =	simm.s32 @!p0 $0x9D00  }
0x12d: {  	[spmem:s3] =	stream.indirect.scatter.add.f32 @!p0 [tilespmem:s19], [sflag:$0x3], $0x40, s18, s17, $0xb8;
	[tilespmem:$0x1BF80] =	vst v63  }
0x12e: {  	s19 =	simm.s32 @!p0 $0xF200  }
0x12f: {  	[spmem:s4] =	stream.indirect.scatter.add.f32 @!p0 [tilespmem:s19], [sflag:$0x5], $0x10, s18, s17, $0xb8;
	[tilespmem:$0x1BF80] =	vst v63  }
0x130: {  	_ =	swait.ge [sflag:s13], $0x2000  }
0x131: {  	[sflag:s13] =	ssyncset.done $0x0  }
0x132: {  	s24 =	simm.s32 $0x9D80;
	s18 =	simm.s32 @p0 $0x3;
	[sflag:s13] =	ssyncadd.s32 $0xFFFFE000  }
0x133: {  	[spmem:s3] =	stream.indirect.scatter.add.f32 [tilespmem:s11], [sflag:$0x4], $0x40, s24, s9, $0xb8;
	[tilespmem:$0x1BF80] =	vst v63  }
0x134: {  	_ =	swait.ge @p0 [sflag:s18], $0x2000  }
0x135: {  	[sflag:s18] =	ssyncset.done @p0 $0x0  }
0x136: {  	[sflag:s18] =	ssyncadd.s32 @p0 $0xFFFFE000;
	s18 =	simm.s32 @p0 $0x4  }
0x137: {  	_ =	swait.ge @p0 [sflag:s18], $0x2000  }
0x138: {  	[sflag:s18] =	ssyncset.done @p0 $0x0  }
0x139: {  	[sflag:s18] =	ssyncadd.s32 @p0 $0xFFFFE000;
	s18 =	simm.s32 @!p0 $0x9D80  }
0x13a: {  	[spmem:s4] =	stream.indirect.scatter.add.f32 @!p0 [tilespmem:s19], [sflag:$0x5], $0x10, s18, s17, $0xb8;
	[tilespmem:$0x1BF80] =	vst v63  }
0x13b: {  	s17 =	simm.s32 @!p0 $0x3  }
0x13c: {  	_ =	swait.ge @!p0 [sflag:s17], $0x2000  }
0x13d: {  	[sflag:s17] =	ssyncset.done @!p0 $0x0  }
0x13e: {  	[sflag:s17] =	ssyncadd.s32 @!p0 $0xFFFFE000;
	s17 =	simm.s32 @!p0 $0x4  }
0x13f: {  	_ =	swait.ge @!p0 [sflag:s17], $0x2000  }
0x140: {  	[sflag:s17] =	ssyncset.done @!p0 $0x0  }
0x141: {  	[sflag:s17] =	ssyncadd.s32 @!p0 $0xFFFFE000  }
0x142: {  	_ =	swait.ge @!p0 [sflag:s8], $0x800  }
0x143: {  	[sflag:s8] =	ssyncset.done @!p0 $0x0  }
0x144: {  	[sflag:s8] =	ssyncadd.s32 @!p0 $0xFFFFF800  }
0x145: {  	_ =	swait.ge @!p0 [sflag:s8], $0x800  }
0x146: {  	[sflag:s8] =	ssyncset.done @!p0 $0x0  }
0x147: {  	s25 =	stileid.u32;
	[sflag:s8] =	ssyncadd.s32 @!p0 $0xFFFFF800  }
0x148: {  	s8 =	sshll.u32 s25, $0x6;
	[bflag:$0x0] =	sbarrier.arrive $0xFFFF  }
0x149: {  	s26 =	sshrl.u32 s6, $0x3;
	s8 =	sor.u32 $0x1C06, s8;
	s28 =	rddreg [dreg:$0x19]  }
0x14a: {  	[hbm:s28], [sflag:s8] =	dma.local [spmem:s26], $0x13C0  }
0x14b: {  	s15 =	sadd.s32 $0x1, s15;
	_ =	swait.ge [sflag:s0], $0x13C0  }
0x14c: {  	p2 =	sne.s32 s15, s31;
	[sflag:s0] =	ssyncset.done $0x0  }
.Ltmp4:
0x14d: {  	s29 =	sshrl.u32 s16, $0x3;
	[sflag:s0] =	ssyncadd.s32 $0xFFFFEC40;
	(pc) =	sbr.rel @p2 .LBB2_1-.Ltmp4, $4  }
0x14e: {  	[hbm:s30], [sflag:s8] =	dma.local [spmem:s29], $0x4F0  }
0x14f: {  	_ =	swait.ge [sflag:s0], $0x4F0  }
0x150: {  	[sflag:s0] =	ssyncset.done $0x0  }
0x151: {  	[sflag:s0] =	ssyncadd.s32 $0xFFFFFB10  }
0x152: {  	_ =	sfence.sel $0x180000  }
0x153: {  	[bflag:$0x0] =	sbarrier.arrive $0xFFFF  }
0x154: {  	_ =	strace $0x90000047  }
0x155: {  	s0 =	stileid.u32;
	[bflag:$0x2] =	sbarrier.arrive $0xFFFF  }
0x156: {  	p0 =	sne.s32 s0, $0x0;
	s0 =	rddreg [dreg:$0x4]  }
0x157: {  	s0 =	sadd.s32 @!p0 $0x100000, s0  }
0x158: {  	[sflag:s0] =	ssyncadd.tile.s32 @!p0 $0x1;
	_ =	shalt  }
.Lfunc_end2:
_tile_overlayer_lowered:
.L_overlay_start_2:
0x159: {  	(tag) =	ssettag $0x2  }
0x15a: {  	s0 =	rddreg [dreg:$0x0];
	s2 =	stileid.u32  }
0x15b: {  	s1 =	rddreg [dreg:$0x1];
	p0 =	sne.s32 s2, $0x0  }
0x15c: {  	s3 =	rddreg [dreg:$0x2];
	[bflag:$0x3] =	sbarrier.arrive $0xFFFF;
	s2 =	simm.s32 @!p0 $0x1C06  }
0x15d: {  	[timem:s3], [sflag:s2] =	dma.local @!p0 [hbm:s0], s1  }
0x15e: {  	s0 =	simm.s32 @!p0 $0x6  }
0x15f: {  	_ =	swait.ge @!p0 [sflag:s0], s1  }
0x160: {  	s1 =	ssub.s32 @!p0 $0x0, s1;
	[sflag:s0] =	ssyncset.done @!p0 $0x0  }
0x161: {  	[sflag:s0] =	ssyncadd.s32 @!p0 s1  }
0x162: {  	[bflag:$0x3] =	sbarrier.arrive $0xFFFF  }
0x163: {  	_ =	shalt  }

</sc_bundles>
